<compile_context>
chip_gen: v7x
topology: tpu7x:2x2x1
jax: 0.10.2.dev20260603
libtpu: 0.0.44.dev20260713+nightly
codegen_flags: <defaults>
</compile_context>

<pallas_src>
import functools

import jax
import jax.numpy as jnp
from jax import lax
from jax.experimental import pallas as pl
from jax.experimental.pallas import tpu as pltpu
from jax.experimental.pallas import tpu_sc as plsc

N = 10000
D = 128
HID = 256
N_PAD = 10240
NC = 2
NS = 16
NW = NC * NS
CHUNK = 128
E = 320000
K = (-(-E // (NW * CHUNK)) + 7) // 8 * 8
EP = NW * K * CHUNK
RPT = N_PAD // NS
IB = 16

_mesh = plsc.VectorSubcoreMesh(core_axis_name="c", subcore_axis_name="s")



def _deg_body(dst_hbm, out_hbm, dst_v, hist, red, shared):
    c = lax.axis_index("c")
    s = lax.axis_index("s")
    wid = c * NS + s
    ones16 = jnp.ones((16,), jnp.float32)

    def zstep(i, carry):
        hist[pl.ds(i * 16, 16)] = jnp.zeros((16,), jnp.float32)
        return carry
    lax.fori_loop(0, N_PAD // 16, zstep, 0)

    pltpu.sync_copy(dst_hbm.at[pl.ds(wid * K, K)], dst_v)

    def step(j, carry):
        for l in range(CHUNK // 16):
            idx = dst_v[j, pl.ds(l * 16, 16)]
            plsc.addupdate_scatter(hist, [idx], ones16)
        return carry
    lax.fori_loop(0, K, step, 0)

    for t in range(NS):
        pltpu.sync_copy(hist.at[pl.ds(t * RPT, RPT)], shared.at[t, s])
    plsc.subcore_barrier()
    pltpu.sync_copy(shared.at[s], red)

    def rstep(i, carry):
        acc16 = jnp.zeros((16,), jnp.float32)
        for t in range(NS):
            acc16 = acc16 + red[t, pl.ds(i * 16, 16)]
        hist[pl.ds(i * 16, 16)] = acc16
        return carry
    lax.fori_loop(0, RPT // 16, rstep, 0)

    pltpu.sync_copy(hist.at[pl.ds(0, RPT)],
                    out_hbm.at[c, pl.ds(s * RPT, RPT)])


_deg_kernel = functools.partial(
    pl.kernel,
    out_type=jax.ShapeDtypeStruct((NC, N_PAD), jnp.float32),
    mesh=_mesh,
    compiler_params=pltpu.CompilerParams(needs_layout_passes=False),
    scratch_types=[
        pltpu.VMEM((K, CHUNK), jnp.int32),
        pltpu.VMEM((N_PAD,), jnp.float32),
        pltpu.VMEM((NS, RPT), jnp.float32),
        pltpu.VMEM_SHARED((NS, NS, RPT), jnp.float32),
    ],
)(_deg_body)


def _scatter_body(xs_hbm, zeros_hbm, src_hbm, dst_hbm, out_hbm,
                  src_v, dst_v, r0, r1, acc, g0, g1, s0, s1):
    rows = (r0, r1)
    gs = (g0, g1)
    ss = (s0, s1)
    c = lax.axis_index("c")
    s = lax.axis_index("s")
    wid = c * NS + s
    sl = pl.ds(s * RPT, RPT)

    @pl.when(c == 0)
    def _():
        pltpu.sync_copy(xs_hbm.at[sl], acc.at[sl])

    @pl.when(c == 1)
    def _():
        pltpu.sync_copy(zeros_hbm.at[sl], acc.at[sl])

    plsc.subcore_barrier()

    def stage(g, carry):
        base = wid * K + g * IB
        pltpu.sync_copy(src_hbm.at[pl.ds(base, IB)], src_v)
        pltpu.sync_copy(dst_hbm.at[pl.ds(base, IB)], dst_v)
        for u in range(2):
            pltpu.async_copy(xs_hbm.at[src_v.at[u]], rows[u], gs[u])

        def pair(i, c2):
            j = 2 * i
            for u in range(2):
                pltpu.make_async_copy(xs_hbm.at[src_v.at[j + u]],
                                      rows[u], gs[u]).wait()
                pltpu.async_copy(rows[u], acc.at[dst_v.at[j + u]],
                                 ss[u], add=True)
            for u in range(2):
                @pl.when(j + u + 2 < IB)
                def _(u=u, j=j):
                    pltpu.make_async_copy(rows[u], acc.at[dst_v.at[j + u]],
                                          ss[u]).wait()
                    pltpu.async_copy(xs_hbm.at[src_v.at[j + u + 2]],
                                     rows[u], gs[u])
            return c2
        lax.fori_loop(0, IB // 2, pair, 0)
        for u in range(2):
            pltpu.make_async_copy(rows[u], acc.at[dst_v.at[IB - 2 + u]],
                                  ss[u]).wait()
        return carry
    lax.fori_loop(0, K // IB, stage, 0)

    plsc.subcore_barrier()
    pltpu.sync_copy(acc.at[sl], out_hbm.at[c, sl])


_scatter_kernel = functools.partial(
    pl.kernel,
    out_type=jax.ShapeDtypeStruct((NC, N_PAD, D), jnp.float32),
    mesh=_mesh,
    scratch_types=[
        pltpu.VMEM((IB, CHUNK), jnp.int32),
        pltpu.VMEM((IB, CHUNK), jnp.int32),
        pltpu.VMEM((CHUNK, D), jnp.float32),
        pltpu.VMEM((CHUNK, D), jnp.float32),
        pltpu.VMEM_SHARED((N_PAD, D), jnp.float32),
        pltpu.SemaphoreType.DMA,
        pltpu.SemaphoreType.DMA,
        pltpu.SemaphoreType.DMA,
        pltpu.SemaphoreType.DMA,
    ],
)(_scatter_body)



def _prescale_body(x_ref, deg_ref, xs_ref, dinv_ref):
    cnt = deg_ref[0] + deg_ref[1]
    dinv = lax.rsqrt(cnt + 1.0)
    dinv_ref[...] = dinv
    xs_ref[...] = x_ref[...] * dinv


def _mid_body(p_ref, dinv_ref, w1_ref, b1_ref, w2_ref, t_ref):
    dinv = dinv_ref[...]
    agg = (p_ref[0] + p_ref[1]) * dinv
    h = jnp.dot(agg, w1_ref[...], preferred_element_type=jnp.float32)
    h = jnp.maximum(h + b1_ref[...], 0.0)
    t_ref[...] = jnp.dot(h, w2_ref[...],
                         preferred_element_type=jnp.float32) * dinv


def _final_body(q_ref, dinv_ref, b2_ref, o_ref):
    o_ref[...] = ((q_ref[0, :N] + q_ref[1, :N]) * dinv_ref[:N]
                  + b2_ref[...])



@jax.jit
def kernel(x, edge_index, W1, b1, W2, b2):
    src = edge_index[0].astype(jnp.int32)
    dst = edge_index[1].astype(jnp.int32)
    pad = N + (jnp.arange(EP - E, dtype=jnp.int32) % (N_PAD - N))
    src_p = jnp.concatenate([src, pad]).reshape(NW * K, CHUNK)
    dst_p = jnp.concatenate([dst, pad]).reshape(NW * K, CHUNK)

    x_pad = jnp.concatenate([x, jnp.zeros((N_PAD - N, D), x.dtype)])
    zeros = jnp.zeros((N_PAD, D), jnp.float32)

    deg = _deg_kernel(dst_p).reshape(NC, N_PAD, 1)

    xs, dinv = pl.pallas_call(
        _prescale_body,
        out_shape=[
            jax.ShapeDtypeStruct((N_PAD, D), jnp.float32),
            jax.ShapeDtypeStruct((N_PAD, 1), jnp.float32),
        ],
    )(x_pad, deg)

    p = _scatter_kernel(xs, zeros, src_p, dst_p)

    t = pl.pallas_call(
        _mid_body,
        out_shape=jax.ShapeDtypeStruct((N_PAD, D), jnp.float32),
    )(p, dinv, W1, b1.reshape(1, HID), W2)

    q = _scatter_kernel(t, zeros, src_p, dst_p)

    out = pl.pallas_call(
        _final_body,
        out_shape=jax.ShapeDtypeStruct((N, D), jnp.float32),
    )(q, dinv, b2.reshape(1, D))
    return out

# --- scband reference (transcript-rebuilt; emitter-appended) ---
"""Pipeline reference for scband-generator-18056042512602 (READ-ONLY COPY).

The authoritative reference and input builder live on the scoring server;
editing this copy changes nothing except your own understanding.
"""

import jax, jax.numpy as jnp
import numpy as np

N_NODES = 10000
N_EDGES = 320000
IN_DIM = 128
OUT_DIM = 128
HID_DIM = 2 * OUT_DIM


def setup_inputs(seed: int = 0) -> dict:
    key = jax.random.key(seed)
    k1, k2, k3, k4, k5, k6 = jax.random.split(key, 6)
    x = jax.random.normal(k1, (N_NODES, IN_DIM), dtype=jnp.float32)
    edge_index = jax.random.randint(k2, (2, N_EDGES), 0, N_NODES, dtype=jnp.int64)
    # GCNConv parameters (glorot-like init)
    W1 = jax.random.normal(k3, (IN_DIM, HID_DIM), dtype=jnp.float32) * (1.0 / np.sqrt(IN_DIM))
    b1 = jnp.zeros((HID_DIM,), dtype=jnp.float32)
    W2 = jax.random.normal(k4, (HID_DIM, OUT_DIM), dtype=jnp.float32) * (1.0 / np.sqrt(HID_DIM))
    b2 = jnp.zeros((OUT_DIM,), dtype=jnp.float32)
    return {"x": x, "edge_index": edge_index, "W1": W1, "b1": b1, "W2": W2, "b2": b2}


def _gcn_conv(x, src, dst, W, b, n_nodes):
    # Linear transform first (PyG GCNConv default order)
    h = x @ W
    # Symmetric normalization with self loops (already appended to src/dst)
    deg = jnp.zeros((n_nodes,), dtype=x.dtype).at[dst].add(1.0)
    dinv = jnp.where(deg > 0, deg ** -0.5, 0.0)
    norm = dinv[src] * dinv[dst]
    msg = h[src] * norm[:, None]
    out = jnp.zeros((n_nodes, h.shape[1]), dtype=x.dtype).at[dst].add(msg)
    return out + b


def reference(x, edge_index, W1, b1, W2, b2):
    n_nodes = x.shape[0]
    loop = jnp.arange(n_nodes, dtype=edge_index.dtype)
    src = jnp.concatenate([edge_index[0], loop])
    dst = jnp.concatenate([edge_index[1], loop])
    h = _gcn_conv(x, src, dst, W1, b1, n_nodes)
    h = jax.nn.relu(h)
    out = _gcn_conv(h, src, dst, W2, b2, n_nodes)
    return out

if __name__ == "__main__":
    import jax
    _d = setup_inputs()
    print(jax.jit(kernel)(*tuple(_d.values())))

</pallas_src>

<mosaic_0001>
#map = affine_map<(d0, d1) -> (0, 0)>
module attributes {stable_mosaic.version = 14 : i64} {
  func.func @_deg_body(%arg0: i32, %arg1: i32, %arg2: memref<2560x128xi32, #tpu.memory_space<hbm>>, %arg3: memref<2x10240xf32, #tpu.memory_space<hbm>>, %arg4: memref<80x128xi32, #tpu.memory_space<vmem>>, %arg5: memref<10240xf32, #tpu.memory_space<vmem>>, %arg6: memref<16x640xf32, #tpu.memory_space<vmem>>, %arg7: memref<16x16x640xf32, #tpu.memory_space<vmem_shared>>) attributes {dimension_semantics = [#tpu.dimension_semantics<core_parallel>, #tpu.dimension_semantics<subcore_parallel>], iteration_bounds = array<i64: 2, 16>, scalar_prefetch = 0 : i64, scratch_operands = 4 : i64, tpu.core_type = #tpu.core_type<sc_vector_subcore>, window_params = [{transform_indices = #map}, {transform_indices = #map}]} {
    %mul3A = arith.constant 16 : i32
    %mul3A_0 = arith.muli %arg0, %mul3A : i32
    %add3A = arith.addi %mul3A_0, %arg1 : i32
    %broadcast_in_dim3A = arith.constant 1.000000e+00 : f32
    %broadcast_in_dim3A_1 = vector.broadcast %broadcast_in_dim3A : f32 to vector<16xf32>
    %scan3A = arith.constant 0 : i32
    %scan3A_2 = arith.constant 0 : i32
    %scan3A_3 = arith.constant 640 : i32
    %scan3A_4 = arith.addi %scan3A_2, %scan3A_3 : i32
    %scan3A_5 = arith.constant 1 : i32
    scf.for %scan3A_38 = %scan3A_2 to %scan3A_4 step %scan3A_5  : i32 {
      %broadcast_in_dim3A_39 = arith.constant 0.000000e+00 : f32
      %broadcast_in_dim3A_40 = vector.broadcast %broadcast_in_dim3A_39 : f32 to vector<16xf32>
      %mul3A_41 = arith.constant 16 : i32
      %mul3A_42 = arith.muli %scan3A_38, %mul3A_41 : i32
      %swap3A = arith.index_cast %mul3A_42 : i32 to index
      %swap3A_43 = tpu.vector_load %arg5[%swap3A] {strides = array<i32>} : memref<10240xf32, #tpu.memory_space<vmem>>, vector<16xf32>,
      tpu.vector_store %arg5[%swap3A], %broadcast_in_dim3A_40 {strides = array<i32>} : memref<10240xf32, #tpu.memory_space<vmem>>, vector<16xf32>,
    }
    %scan3A_6 = arith.constant 640 : i32
    %mul3A_7 = arith.constant 80 : i32
    %mul3A_8 = arith.muli %add3A, %mul3A_7 : i32
    "tpu.region"() ({
      %run_scoped3A_38 = tpu.sem_alloc : memref<!tpu.dma_semaphore, #tpu.memory_space<semaphore_mem>>
      %dma_start3A = arith.constant 0 : i32
      %dma_start3A_39 = tpu.memref_slice %arg2[%mul3A_8, %dma_start3A] : memref<2560x128xi32, #tpu.memory_space<hbm>> -> memref<80x128xi32, #tpu.memory_space<hbm>>
      %dma_start3A_40 = arith.constant 0 : i32
      %dma_start3A_41 = tpu.memref_slice %arg2[%mul3A_8, %dma_start3A_40] : memref<2560x128xi32, #tpu.memory_space<hbm>> -> memref<80x128xi32, #tpu.memory_space<hbm>>
      tpu.enqueue_dma source(%dma_start3A_41 : memref<80x128xi32, #tpu.memory_space<hbm>>) target(%arg4 : memref<80x128xi32, #tpu.memory_space<vmem>>) target_semaphore(%run_scoped3A_38 : memref<!tpu.dma_semaphore, #tpu.memory_space<semaphore_mem>>)
      %dma_wait3A = arith.constant 0 : i32
      %dma_wait3A_42 = tpu.memref_slice %arg2[%mul3A_8, %dma_wait3A] : memref<2560x128xi32, #tpu.memory_space<hbm>> -> memref<80x128xi32, #tpu.memory_space<hbm>>
      %dma_wait3A_43 = arith.constant 0 : i32
      %dma_wait3A_44 = tpu.memref_slice %arg2[%mul3A_8, %dma_wait3A_43] : memref<2560x128xi32, #tpu.memory_space<hbm>> -> memref<80x128xi32, #tpu.memory_space<hbm>>
      tpu.wait_dma2 semaphore(%run_scoped3A_38 : memref<!tpu.dma_semaphore, #tpu.memory_space<semaphore_mem>>) src(%dma_wait3A_44 : memref<80x128xi32, #tpu.memory_space<hbm>>) dst(%arg4 : memref<80x128xi32, #tpu.memory_space<vmem>>)
      tpu.yield
    }) : () -> ()
    %scan3A_9 = arith.constant 0 : i32
    %scan3A_10 = arith.constant 0 : i32
    %scan3A_11 = arith.constant 80 : i32
    %scan3A_12 = arith.addi %scan3A_10, %scan3A_11 : i32
    %scan3A_13 = arith.constant 1 : i32
    scf.for %scan3A_38 = %scan3A_10 to %scan3A_12 step %scan3A_13  : i32 {
      %get3A = arith.index_cast %scan3A_38 : i32 to index
      %get3A_39 = arith.constant 0 : index
      %get3A_40 = tpu.vector_load %arg4[%get3A, %get3A_39] {strides = array<i32>} : memref<80x128xi32, #tpu.memory_space<vmem>>, vector<16xi32>,
      tpu.vector_store_idx %arg5[%get3A_40], %broadcast_in_dim3A_1 {add = true} : memref<10240xf32, #tpu.memory_space<vmem>>[vector<16xi32>], vector<16xf32>,
      %get3A_41 = arith.index_cast %scan3A_38 : i32 to index
      %get3A_42 = arith.constant 16 : index
      %get3A_43 = tpu.vector_load %arg4[%get3A_41, %get3A_42] {strides = array<i32>} : memref<80x128xi32, #tpu.memory_space<vmem>>, vector<16xi32>,
      tpu.vector_store_idx %arg5[%get3A_43], %broadcast_in_dim3A_1 {add = true} : memref<10240xf32, #tpu.memory_space<vmem>>[vector<16xi32>], vector<16xf32>,
      %get3A_44 = arith.index_cast %scan3A_38 : i32 to index
      %get3A_45 = arith.constant 32 : index
      %get3A_46 = tpu.vector_load %arg4[%get3A_44, %get3A_45] {strides = array<i32>} : memref<80x128xi32, #tpu.memory_space<vmem>>, vector<16xi32>,
      tpu.vector_store_idx %arg5[%get3A_46], %broadcast_in_dim3A_1 {add = true} : memref<10240xf32, #tpu.memory_space<vmem>>[vector<16xi32>], vector<16xf32>,
      %get3A_47 = arith.index_cast %scan3A_38 : i32 to index
      %get3A_48 = arith.constant 48 : index
      %get3A_49 = tpu.vector_load %arg4[%get3A_47, %get3A_48] {strides = array<i32>} : memref<80x128xi32, #tpu.memory_space<vmem>>, vector<16xi32>,
      tpu.vector_store_idx %arg5[%get3A_49], %broadcast_in_dim3A_1 {add = true} : memref<10240xf32, #tpu.memory_space<vmem>>[vector<16xi32>], vector<16xf32>,
      %get3A_50 = arith.index_cast %scan3A_38 : i32 to index
      %get3A_51 = arith.constant 64 : index
      %get3A_52 = tpu.vector_load %arg4[%get3A_50, %get3A_51] {strides = array<i32>} : memref<80x128xi32, #tpu.memory_space<vmem>>, vector<16xi32>,
      tpu.vector_store_idx %arg5[%get3A_52], %broadcast_in_dim3A_1 {add = true} : memref<10240xf32, #tpu.memory_space<vmem>>[vector<16xi32>], vector<16xf32>,
      %get3A_53 = arith.index_cast %scan3A_38 : i32 to index
      %get3A_54 = arith.constant 80 : index
      %get3A_55 = tpu.vector_load %arg4[%get3A_53, %get3A_54] {strides = array<i32>} : memref<80x128xi32, #tpu.memory_space<vmem>>, vector<16xi32>,
      tpu.vector_store_idx %arg5[%get3A_55], %broadcast_in_dim3A_1 {add = true} : memref<10240xf32, #tpu.memory_space<vmem>>[vector<16xi32>], vector<16xf32>,
      %get3A_56 = arith.index_cast %scan3A_38 : i32 to index
      %get3A_57 = arith.constant 96 : index
      %get3A_58 = tpu.vector_load %arg4[%get3A_56, %get3A_57] {strides = array<i32>} : memref<80x128xi32, #tpu.memory_space<vmem>>, vector<16xi32>,
      tpu.vector_store_idx %arg5[%get3A_58], %broadcast_in_dim3A_1 {add = true} : memref<10240xf32, #tpu.memory_space<vmem>>[vector<16xi32>], vector<16xf32>,
      %get3A_59 = arith.index_cast %scan3A_38 : i32 to index
      %get3A_60 = arith.constant 112 : index
      %get3A_61 = tpu.vector_load %arg4[%get3A_59, %get3A_60] {strides = array<i32>} : memref<80x128xi32, #tpu.memory_space<vmem>>, vector<16xi32>,
      tpu.vector_store_idx %arg5[%get3A_61], %broadcast_in_dim3A_1 {add = true} : memref<10240xf32, #tpu.memory_space<vmem>>[vector<16xi32>], vector<16xf32>,
    }
    %scan3A_14 = arith.constant 80 : i32
    %run_scoped3A = arith.constant 0 : i32
    "tpu.region"() ({
      %run_scoped3A_38 = tpu.sem_alloc : memref<!tpu.dma_semaphore, #tpu.memory_space<semaphore_mem>>
      %dma_start3A = arith.constant 0 : i32
      %dma_start3A_39 = tpu.memref_slice %arg5[%dma_start3A] : memref<10240xf32, #tpu.memory_space<vmem>> -> memref<640xf32, #tpu.memory_space<vmem>>
      %dma_start3A_40 = arith.constant 0 : i32
      %dma_start3A_41 = tpu.memref_slice %arg7[%run_scoped3A, %arg1, %dma_start3A_40] : memref<16x16x640xf32, #tpu.memory_space<vmem_shared>> -> memref<1x1x640xf32, #tpu.memory_space<vmem_shared>>
      %dma_start3A_42 = tpu.memref_squeeze %dma_start3A_41 : memref<1x1x640xf32, #tpu.memory_space<vmem_shared>> -> memref<640xf32, #tpu.memory_space<vmem_shared>>
      %dma_start3A_43 = arith.constant 0 : i32
      %dma_start3A_44 = tpu.memref_slice %arg7[%run_scoped3A, %arg1, %dma_start3A_43] : memref<16x16x640xf32, #tpu.memory_space<vmem_shared>> -> memref<1x1x640xf32, #tpu.memory_space<vmem_shared>>
      %dma_start3A_45 = tpu.memref_squeeze %dma_start3A_44 : memref<1x1x640xf32, #tpu.memory_space<vmem_shared>> -> memref<640xf32, #tpu.memory_space<vmem_shared>>
      %dma_start3A_46 = arith.constant 0 : i32
      %dma_start3A_47 = tpu.memref_slice %arg5[%dma_start3A_46] : memref<10240xf32, #tpu.memory_space<vmem>> -> memref<640xf32, #tpu.memory_space<vmem>>
      tpu.enqueue_dma source(%dma_start3A_47 : memref<640xf32, #tpu.memory_space<vmem>>) target(%dma_start3A_45 : memref<640xf32, #tpu.memory_space<vmem_shared>>) target_semaphore(%run_scoped3A_38 : memref<!tpu.dma_semaphore, #tpu.memory_space<semaphore_mem>>)
      %dma_wait3A = arith.constant 0 : i32
      %dma_wait3A_48 = tpu.memref_slice %arg5[%dma_wait3A] : memref<10240xf32, #tpu.memory_space<vmem>> -> memref<640xf32, #tpu.memory_space<vmem>>
      %dma_wait3A_49 = arith.constant 0 : i32
      %dma_wait3A_50 = tpu.memref_slice %arg7[%run_scoped3A, %arg1, %dma_wait3A_49] : memref<16x16x640xf32, #tpu.memory_space<vmem_shared>> -> memref<1x1x640xf32, #tpu.memory_space<vmem_shared>>
      %dma_wait3A_51 = tpu.memref_squeeze %dma_wait3A_50 : memref<1x1x640xf32, #tpu.memory_space<vmem_shared>> -> memref<640xf32, #tpu.memory_space<vmem_shared>>
      %dma_wait3A_52 = arith.constant 0 : i32
      %dma_wait3A_53 = tpu.memref_slice %arg7[%run_scoped3A, %arg1, %dma_wait3A_52] : memref<16x16x640xf32, #tpu.memory_space<vmem_shared>> -> memref<1x1x640xf32, #tpu.memory_space<vmem_shared>>
      %dma_wait3A_54 = tpu.memref_squeeze %dma_wait3A_53 : memref<1x1x640xf32, #tpu.memory_space<vmem_shared>> -> memref<640xf32, #tpu.memory_space<vmem_shared>>
      %dma_wait3A_55 = arith.constant 0 : i32
      %dma_wait3A_56 = tpu.memref_slice %arg5[%dma_wait3A_55] : memref<10240xf32, #tpu.memory_space<vmem>> -> memref<640xf32, #tpu.memory_space<vmem>>
      tpu.wait_dma2 semaphore(%run_scoped3A_38 : memref<!tpu.dma_semaphore, #tpu.memory_space<semaphore_mem>>) src(%dma_wait3A_56 : memref<640xf32, #tpu.memory_space<vmem>>) dst(%dma_wait3A_54 : memref<640xf32, #tpu.memory_space<vmem_shared>>)
      tpu.yield
    }) : () -> ()
    %run_scoped3A_15 = arith.constant 1 : i32
    "tpu.region"() ({
      %run_scoped3A_38 = tpu.sem_alloc : memref<!tpu.dma_semaphore, #tpu.memory_space<semaphore_mem>>
      %dma_start3A = arith.constant 640 : i32
      %dma_start3A_39 = tpu.memref_slice %arg5[%dma_start3A] : memref<10240xf32, #tpu.memory_space<vmem>> -> memref<640xf32, #tpu.memory_space<vmem>>
      %dma_start3A_40 = arith.constant 0 : i32
      %dma_start3A_41 = tpu.memref_slice %arg7[%run_scoped3A_15, %arg1, %dma_start3A_40] : memref<16x16x640xf32, #tpu.memory_space<vmem_shared>> -> memref<1x1x640xf32, #tpu.memory_space<vmem_shared>>
      %dma_start3A_42 = tpu.memref_squeeze %dma_start3A_41 : memref<1x1x640xf32, #tpu.memory_space<vmem_shared>> -> memref<640xf32, #tpu.memory_space<vmem_shared>>
      %dma_start3A_43 = arith.constant 0 : i32
      %dma_start3A_44 = tpu.memref_slice %arg7[%run_scoped3A_15, %arg1, %dma_start3A_43] : memref<16x16x640xf32, #tpu.memory_space<vmem_shared>> -> memref<1x1x640xf32, #tpu.memory_space<vmem_shared>>
      %dma_start3A_45 = tpu.memref_squeeze %dma_start3A_44 : memref<1x1x640xf32, #tpu.memory_space<vmem_shared>> -> memref<640xf32, #tpu.memory_space<vmem_shared>>
      %dma_start3A_46 = arith.constant 640 : i32
      %dma_start3A_47 = tpu.memref_slice %arg5[%dma_start3A_46] : memref<10240xf32, #tpu.memory_space<vmem>> -> memref<640xf32, #tpu.memory_space<vmem>>
      tpu.enqueue_dma source(%dma_start3A_47 : memref<640xf32, #tpu.memory_space<vmem>>) target(%dma_start3A_45 : memref<640xf32, #tpu.memory_space<vmem_shared>>) target_semaphore(%run_scoped3A_38 : memref<!tpu.dma_semaphore, #tpu.memory_space<semaphore_mem>>)
      %dma_wait3A = arith.constant 640 : i32
      %dma_wait3A_48 = tpu.memref_slice %arg5[%dma_wait3A] : memref<10240xf32, #tpu.memory_space<vmem>> -> memref<640xf32, #tpu.memory_space<vmem>>
      %dma_wait3A_49 = arith.constant 0 : i32
      %dma_wait3A_50 = tpu.memref_slice %arg7[%run_scoped3A_15, %arg1, %dma_wait3A_49] : memref<16x16x640xf32, #tpu.memory_space<vmem_shared>> -> memref<1x1x640xf32, #tpu.memory_space<vmem_shared>>
      %dma_wait3A_51 = tpu.memref_squeeze %dma_wait3A_50 : memref<1x1x640xf32, #tpu.memory_space<vmem_shared>> -> memref<640xf32, #tpu.memory_space<vmem_shared>>
      %dma_wait3A_52 = arith.constant 0 : i32
      %dma_wait3A_53 = tpu.memref_slice %arg7[%run_scoped3A_15, %arg1, %dma_wait3A_52] : memref<16x16x640xf32, #tpu.memory_space<vmem_shared>> -> memref<1x1x640xf32, #tpu.memory_space<vmem_shared>>
      %dma_wait3A_54 = tpu.memref_squeeze %dma_wait3A_53 : memref<1x1x640xf32, #tpu.memory_space<vmem_shared>> -> memref<640xf32, #tpu.memory_space<vmem_shared>>
      %dma_wait3A_55 = arith.constant 640 : i32
      %dma_wait3A_56 = tpu.memref_slice %arg5[%dma_wait3A_55] : memref<10240xf32, #tpu.memory_space<vmem>> -> memref<640xf32, #tpu.memory_space<vmem>>
      tpu.wait_dma2 semaphore(%run_scoped3A_38 : memref<!tpu.dma_semaphore, #tpu.memory_space<semaphore_mem>>) src(%dma_wait3A_56 : memref<640xf32, #tpu.memory_space<vmem>>) dst(%dma_wait3A_54 : memref<640xf32, #tpu.memory_space<vmem_shared>>)
      tpu.yield
    }) : () -> ()
    %run_scoped3A_16 = arith.constant 2 : i32
    "tpu.region"() ({
      %run_scoped3A_38 = tpu.sem_alloc : memref<!tpu.dma_semaphore, #tpu.memory_space<semaphore_mem>>
      %dma_start3A = arith.constant 1280 : i32
      %dma_start3A_39 = tpu.memref_slice %arg5[%dma_start3A] : memref<10240xf32, #tpu.memory_space<vmem>> -> memref<640xf32, #tpu.memory_space<vmem>>
      %dma_start3A_40 = arith.constant 0 : i32
      %dma_start3A_41 = tpu.memref_slice %arg7[%run_scoped3A_16, %arg1, %dma_start3A_40] : memref<16x16x640xf32, #tpu.memory_space<vmem_shared>> -> memref<1x1x640xf32, #tpu.memory_space<vmem_shared>>
      %dma_start3A_42 = tpu.memref_squeeze %dma_start3A_41 : memref<1x1x640xf32, #tpu.memory_space<vmem_shared>> -> memref<640xf32, #tpu.memory_space<vmem_shared>>
      %dma_start3A_43 = arith.constant 0 : i32
      %dma_start3A_44 = tpu.memref_slice %arg7[%run_scoped3A_16, %arg1, %dma_start3A_43] : memref<16x16x640xf32, #tpu.memory_space<vmem_shared>> -> memref<1x1x640xf32, #tpu.memory_space<vmem_shared>>
      %dma_start3A_45 = tpu.memref_squeeze %dma_start3A_44 : memref<1x1x640xf32, #tpu.memory_space<vmem_shared>> -> memref<640xf32, #tpu.memory_space<vmem_shared>>
      %dma_start3A_46 = arith.constant 1280 : i32
      %dma_start3A_47 = tpu.memref_slice %arg5[%dma_start3A_46] : memref<10240xf32, #tpu.memory_space<vmem>> -> memref<640xf32, #tpu.memory_space<vmem>>
      tpu.enqueue_dma source(%dma_start3A_47 : memref<640xf32, #tpu.memory_space<vmem>>) target(%dma_start3A_45 : memref<640xf32, #tpu.memory_space<vmem_shared>>) target_semaphore(%run_scoped3A_38 : memref<!tpu.dma_semaphore, #tpu.memory_space<semaphore_mem>>)
      %dma_wait3A = arith.constant 1280 : i32
      %dma_wait3A_48 = tpu.memref_slice %arg5[%dma_wait3A] : memref<10240xf32, #tpu.memory_space<vmem>> -> memref<640xf32, #tpu.memory_space<vmem>>
      %dma_wait3A_49 = arith.constant 0 : i32
      %dma_wait3A_50 = tpu.memref_slice %arg7[%run_scoped3A_16, %arg1, %dma_wait3A_49] : memref<16x16x640xf32, #tpu.memory_space<vmem_shared>> -> memref<1x1x640xf32, #tpu.memory_space<vmem_shared>>
      %dma_wait3A_51 = tpu.memref_squeeze %dma_wait3A_50 : memref<1x1x640xf32, #tpu.memory_space<vmem_shared>> -> memref<640xf32, #tpu.memory_space<vmem_shared>>
      %dma_wait3A_52 = arith.constant 0 : i32
      %dma_wait3A_53 = tpu.memref_slice %arg7[%run_scoped3A_16, %arg1, %dma_wait3A_52] : memref<16x16x640xf32, #tpu.memory_space<vmem_shared>> -> memref<1x1x640xf32, #tpu.memory_space<vmem_shared>>
      %dma_wait3A_54 = tpu.memref_squeeze %dma_wait3A_53 : memref<1x1x640xf32, #tpu.memory_space<vmem_shared>> -> memref<640xf32, #tpu.memory_space<vmem_shared>>
      %dma_wait3A_55 = arith.constant 1280 : i32
      %dma_wait3A_56 = tpu.memref_slice %arg5[%dma_wait3A_55] : memref<10240xf32, #tpu.memory_space<vmem>> -> memref<640xf32, #tpu.memory_space<vmem>>
      tpu.wait_dma2 semaphore(%run_scoped3A_38 : memref<!tpu.dma_semaphore, #tpu.memory_space<semaphore_mem>>) src(%dma_wait3A_56 : memref<640xf32, #tpu.memory_space<vmem>>) dst(%dma_wait3A_54 : memref<640xf32, #tpu.memory_space<vmem_shared>>)
      tpu.yield
    }) : () -> ()
    %run_scoped3A_17 = arith.constant 3 : i32
    "tpu.region"() ({
      %run_scoped3A_38 = tpu.sem_alloc : memref<!tpu.dma_semaphore, #tpu.memory_space<semaphore_mem>>
      %dma_start3A = arith.constant 1920 : i32
      %dma_start3A_39 = tpu.memref_slice %arg5[%dma_start3A] : memref<10240xf32, #tpu.memory_space<vmem>> -> memref<640xf32, #tpu.memory_space<vmem>>
      %dma_start3A_40 = arith.constant 0 : i32
      %dma_start3A_41 = tpu.memref_slice %arg7[%run_scoped3A_17, %arg1, %dma_start3A_40] : memref<16x16x640xf32, #tpu.memory_space<vmem_shared>> -> memref<1x1x640xf32, #tpu.memory_space<vmem_shared>>
      %dma_start3A_42 = tpu.memref_squeeze %dma_start3A_41 : memref<1x1x640xf32, #tpu.memory_space<vmem_shared>> -> memref<640xf32, #tpu.memory_space<vmem_shared>>
      %dma_start3A_43 = arith.constant 0 : i32
      %dma_start3A_44 = tpu.memref_slice %arg7[%run_scoped3A_17, %arg1, %dma_start3A_43] : memref<16x16x640xf32, #tpu.memory_space<vmem_shared>> -> memref<1x1x640xf32, #tpu.memory_space<vmem_shared>>
      %dma_start3A_45 = tpu.memref_squeeze %dma_start3A_44 : memref<1x1x640xf32, #tpu.memory_space<vmem_shared>> -> memref<640xf32, #tpu.memory_space<vmem_shared>>
      %dma_start3A_46 = arith.constant 1920 : i32
      %dma_start3A_47 = tpu.memref_slice %arg5[%dma_start3A_46] : memref<10240xf32, #tpu.memory_space<vmem>> -> memref<640xf32, #tpu.memory_space<vmem>>
      tpu.enqueue_dma source(%dma_start3A_47 : memref<640xf32, #tpu.memory_space<vmem>>) target(%dma_start3A_45 : memref<640xf32, #tpu.memory_space<vmem_shared>>) target_semaphore(%run_scoped3A_38 : memref<!tpu.dma_semaphore, #tpu.memory_space<semaphore_mem>>)
      %dma_wait3A = arith.constant 1920 : i32
      %dma_wait3A_48 = tpu.memref_slice %arg5[%dma_wait3A] : memref<10240xf32, #tpu.memory_space<vmem>> -> memref<640xf32, #tpu.memory_space<vmem>>
      %dma_wait3A_49 = arith.constant 0 : i32
      %dma_wait3A_50 = tpu.memref_slice %arg7[%run_scoped3A_17, %arg1, %dma_wait3A_49] : memref<16x16x640xf32, #tpu.memory_space<vmem_shared>> -> memref<1x1x640xf32, #tpu.memory_space<vmem_shared>>
      %dma_wait3A_51 = tpu.memref_squeeze %dma_wait3A_50 : memref<1x1x640xf32, #tpu.memory_space<vmem_shared>> -> memref<640xf32, #tpu.memory_space<vmem_shared>>
      %dma_wait3A_52 = arith.constant 0 : i32
      %dma_wait3A_53 = tpu.memref_slice %arg7[%run_scoped3A_17, %arg1, %dma_wait3A_52] : memref<16x16x640xf32, #tpu.memory_space<vmem_shared>> -> memref<1x1x640xf32, #tpu.memory_space<vmem_shared>>
      %dma_wait3A_54 = tpu.memref_squeeze %dma_wait3A_53 : memref<1x1x640xf32, #tpu.memory_space<vmem_shared>> -> memref<640xf32, #tpu.memory_space<vmem_shared>>
      %dma_wait3A_55 = arith.constant 1920 : i32
      %dma_wait3A_56 = tpu.memref_slice %arg5[%dma_wait3A_55] : memref<10240xf32, #tpu.memory_space<vmem>> -> memref<640xf32, #tpu.memory_space<vmem>>
      tpu.wait_dma2 semaphore(%run_scoped3A_38 : memref<!tpu.dma_semaphore, #tpu.memory_space<semaphore_mem>>) src(%dma_wait3A_56 : memref<640xf32, #tpu.memory_space<vmem>>) dst(%dma_wait3A_54 : memref<640xf32, #tpu.memory_space<vmem_shared>>)
      tpu.yield
    }) : () -> ()
    %run_scoped3A_18 = arith.constant 4 : i32
    "tpu.region"() ({
      %run_scoped3A_38 = tpu.sem_alloc : memref<!tpu.dma_semaphore, #tpu.memory_space<semaphore_mem>>
      %dma_start3A = arith.constant 2560 : i32
      %dma_start3A_39 = tpu.memref_slice %arg5[%dma_start3A] : memref<10240xf32, #tpu.memory_space<vmem>> -> memref<640xf32, #tpu.memory_space<vmem>>
      %dma_start3A_40 = arith.constant 0 : i32
      %dma_start3A_41 = tpu.memref_slice %arg7[%run_scoped3A_18, %arg1, %dma_start3A_40] : memref<16x16x640xf32, #tpu.memory_space<vmem_shared>> -> memref<1x1x640xf32, #tpu.memory_space<vmem_shared>>
      %dma_start3A_42 = tpu.memref_squeeze %dma_start3A_41 : memref<1x1x640xf32, #tpu.memory_space<vmem_shared>> -> memref<640xf32, #tpu.memory_space<vmem_shared>>
      %dma_start3A_43 = arith.constant 0 : i32
      %dma_start3A_44 = tpu.memref_slice %arg7[%run_scoped3A_18, %arg1, %dma_start3A_43] : memref<16x16x640xf32, #tpu.memory_space<vmem_shared>> -> memref<1x1x640xf32, #tpu.memory_space<vmem_shared>>
      %dma_start3A_45 = tpu.memref_squeeze %dma_start3A_44 : memref<1x1x640xf32, #tpu.memory_space<vmem_shared>> -> memref<640xf32, #tpu.memory_space<vmem_shared>>
      %dma_start3A_46 = arith.constant 2560 : i32
      %dma_start3A_47 = tpu.memref_slice %arg5[%dma_start3A_46] : memref<10240xf32, #tpu.memory_space<vmem>> -> memref<640xf32, #tpu.memory_space<vmem>>
      tpu.enqueue_dma source(%dma_start3A_47 : memref<640xf32, #tpu.memory_space<vmem>>) target(%dma_start3A_45 : memref<640xf32, #tpu.memory_space<vmem_shared>>) target_semaphore(%run_scoped3A_38 : memref<!tpu.dma_semaphore, #tpu.memory_space<semaphore_mem>>)
      %dma_wait3A = arith.constant 2560 : i32
      %dma_wait3A_48 = tpu.memref_slice %arg5[%dma_wait3A] : memref<10240xf32, #tpu.memory_space<vmem>> -> memref<640xf32, #tpu.memory_space<vmem>>
      %dma_wait3A_49 = arith.constant 0 : i32
      %dma_wait3A_50 = tpu.memref_slice %arg7[%run_scoped3A_18, %arg1, %dma_wait3A_49] : memref<16x16x640xf32, #tpu.memory_space<vmem_shared>> -> memref<1x1x640xf32, #tpu.memory_space<vmem_shared>>
      %dma_wait3A_51 = tpu.memref_squeeze %dma_wait3A_50 : memref<1x1x640xf32, #tpu.memory_space<vmem_shared>> -> memref<640xf32, #tpu.memory_space<vmem_shared>>
      %dma_wait3A_52 = arith.constant 0 : i32
      %dma_wait3A_53 = tpu.memref_slice %arg7[%run_scoped3A_18, %arg1, %dma_wait3A_52] : memref<16x16x640xf32, #tpu.memory_space<vmem_shared>> -> memref<1x1x640xf32, #tpu.memory_space<vmem_shared>>
      %dma_wait3A_54 = tpu.memref_squeeze %dma_wait3A_53 : memref<1x1x640xf32, #tpu.memory_space<vmem_shared>> -> memref<640xf32, #tpu.memory_space<vmem_shared>>
      %dma_wait3A_55 = arith.constant 2560 : i32
      %dma_wait3A_56 = tpu.memref_slice %arg5[%dma_wait3A_55] : memref<10240xf32, #tpu.memory_space<vmem>> -> memref<640xf32, #tpu.memory_space<vmem>>
      tpu.wait_dma2 semaphore(%run_scoped3A_38 : memref<!tpu.dma_semaphore, #tpu.memory_space<semaphore_mem>>) src(%dma_wait3A_56 : memref<640xf32, #tpu.memory_space<vmem>>) dst(%dma_wait3A_54 : memref<640xf32, #tpu.memory_space<vmem_shared>>)
      tpu.yield
    }) : () -> ()
    %run_scoped3A_19 = arith.constant 5 : i32
    "tpu.region"() ({
      %run_scoped3A_38 = tpu.sem_alloc : memref<!tpu.dma_semaphore, #tpu.memory_space<semaphore_mem>>
      %dma_start3A = arith.constant 3200 : i32
      %dma_start3A_39 = tpu.memref_slice %arg5[%dma_start3A] : memref<10240xf32, #tpu.memory_space<vmem>> -> memref<640xf32, #tpu.memory_space<vmem>>
      %dma_start3A_40 = arith.constant 0 : i32
      %dma_start3A_41 = tpu.memref_slice %arg7[%run_scoped3A_19, %arg1, %dma_start3A_40] : memref<16x16x640xf32, #tpu.memory_space<vmem_shared>> -> memref<1x1x640xf32, #tpu.memory_space<vmem_shared>>
      %dma_start3A_42 = tpu.memref_squeeze %dma_start3A_41 : memref<1x1x640xf32, #tpu.memory_space<vmem_shared>> -> memref<640xf32, #tpu.memory_space<vmem_shared>>
      %dma_start3A_43 = arith.constant 0 : i32
      %dma_start3A_44 = tpu.memref_slice %arg7[%run_scoped3A_19, %arg1, %dma_start3A_43] : memref<16x16x640xf32, #tpu.memory_space<vmem_shared>> -> memref<1x1x640xf32, #tpu.memory_space<vmem_shared>>
      %dma_start3A_45 = tpu.memref_squeeze %dma_start3A_44 : memref<1x1x640xf32, #tpu.memory_space<vmem_shared>> -> memref<640xf32, #tpu.memory_space<vmem_shared>>
      %dma_start3A_46 = arith.constant 3200 : i32
      %dma_start3A_47 = tpu.memref_slice %arg5[%dma_start3A_46] : memref<10240xf32, #tpu.memory_space<vmem>> -> memref<640xf32, #tpu.memory_space<vmem>>
      tpu.enqueue_dma source(%dma_start3A_47 : memref<640xf32, #tpu.memory_space<vmem>>) target(%dma_start3A_45 : memref<640xf32, #tpu.memory_space<vmem_shared>>) target_semaphore(%run_scoped3A_38 : memref<!tpu.dma_semaphore, #tpu.memory_space<semaphore_mem>>)
      %dma_wait3A = arith.constant 3200 : i32
      %dma_wait3A_48 = tpu.memref_slice %arg5[%dma_wait3A] : memref<10240xf32, #tpu.memory_space<vmem>> -> memref<640xf32, #tpu.memory_space<vmem>>
      %dma_wait3A_49 = arith.constant 0 : i32
      %dma_wait3A_50 = tpu.memref_slice %arg7[%run_scoped3A_19, %arg1, %dma_wait3A_49] : memref<16x16x640xf32, #tpu.memory_space<vmem_shared>> -> memref<1x1x640xf32, #tpu.memory_space<vmem_shared>>
      %dma_wait3A_51 = tpu.memref_squeeze %dma_wait3A_50 : memref<1x1x640xf32, #tpu.memory_space<vmem_shared>> -> memref<640xf32, #tpu.memory_space<vmem_shared>>
      %dma_wait3A_52 = arith.constant 0 : i32
      %dma_wait3A_53 = tpu.memref_slice %arg7[%run_scoped3A_19, %arg1, %dma_wait3A_52] : memref<16x16x640xf32, #tpu.memory_space<vmem_shared>> -> memref<1x1x640xf32, #tpu.memory_space<vmem_shared>>
      %dma_wait3A_54 = tpu.memref_squeeze %dma_wait3A_53 : memref<1x1x640xf32, #tpu.memory_space<vmem_shared>> -> memref<640xf32, #tpu.memory_space<vmem_shared>>
      %dma_wait3A_55 = arith.constant 3200 : i32
      %dma_wait3A_56 = tpu.memref_slice %arg5[%dma_wait3A_55] : memref<10240xf32, #tpu.memory_space<vmem>> -> memref<640xf32, #tpu.memory_space<vmem>>
      tpu.wait_dma2 semaphore(%run_scoped3A_38 : memref<!tpu.dma_semaphore, #tpu.memory_space<semaphore_mem>>) src(%dma_wait3A_56 : memref<640xf32, #tpu.memory_space<vmem>>) dst(%dma_wait3A_54 : memref<640xf32, #tpu.memory_space<vmem_shared>>)
      tpu.yield
    }) : () -> ()
    %run_scoped3A_20 = arith.constant 6 : i32
    "tpu.region"() ({
      %run_scoped3A_38 = tpu.sem_alloc : memref<!tpu.dma_semaphore, #tpu.memory_space<semaphore_mem>>
      %dma_start3A = arith.constant 3840 : i32
      %dma_start3A_39 = tpu.memref_slice %arg5[%dma_start3A] : memref<10240xf32, #tpu.memory_space<vmem>> -> memref<640xf32, #tpu.memory_space<vmem>>
      %dma_start3A_40 = arith.constant 0 : i32
      %dma_start3A_41 = tpu.memref_slice %arg7[%run_scoped3A_20, %arg1, %dma_start3A_40] : memref<16x16x640xf32, #tpu.memory_space<vmem_shared>> -> memref<1x1x640xf32, #tpu.memory_space<vmem_shared>>
      %dma_start3A_42 = tpu.memref_squeeze %dma_start3A_41 : memref<1x1x640xf32, #tpu.memory_space<vmem_shared>> -> memref<640xf32, #tpu.memory_space<vmem_shared>>
      %dma_start3A_43 = arith.constant 0 : i32
      %dma_start3A_44 = tpu.memref_slice %arg7[%run_scoped3A_20, %arg1, %dma_start3A_43] : memref<16x16x640xf32, #tpu.memory_space<vmem_shared>> -> memref<1x1x640xf32, #tpu.memory_space<vmem_shared>>
      %dma_start3A_45 = tpu.memref_squeeze %dma_start3A_44 : memref<1x1x640xf32, #tpu.memory_space<vmem_shared>> -> memref<640xf32, #tpu.memory_space<vmem_shared>>
      %dma_start3A_46 = arith.constant 3840 : i32
      %dma_start3A_47 = tpu.memref_slice %arg5[%dma_start3A_46] : memref<10240xf32, #tpu.memory_space<vmem>> -> memref<640xf32, #tpu.memory_space<vmem>>
      tpu.enqueue_dma source(%dma_start3A_47 : memref<640xf32, #tpu.memory_space<vmem>>) target(%dma_start3A_45 : memref<640xf32, #tpu.memory_space<vmem_shared>>) target_semaphore(%run_scoped3A_38 : memref<!tpu.dma_semaphore, #tpu.memory_space<semaphore_mem>>)
      %dma_wait3A = arith.constant 3840 : i32
      %dma_wait3A_48 = tpu.memref_slice %arg5[%dma_wait3A] : memref<10240xf32, #tpu.memory_space<vmem>> -> memref<640xf32, #tpu.memory_space<vmem>>
      %dma_wait3A_49 = arith.constant 0 : i32
      %dma_wait3A_50 = tpu.memref_slice %arg7[%run_scoped3A_20, %arg1, %dma_wait3A_49] : memref<16x16x640xf32, #tpu.memory_space<vmem_shared>> -> memref<1x1x640xf32, #tpu.memory_space<vmem_shared>>
      %dma_wait3A_51 = tpu.memref_squeeze %dma_wait3A_50 : memref<1x1x640xf32, #tpu.memory_space<vmem_shared>> -> memref<640xf32, #tpu.memory_space<vmem_shared>>
      %dma_wait3A_52 = arith.constant 0 : i32
      %dma_wait3A_53 = tpu.memref_slice %arg7[%run_scoped3A_20, %arg1, %dma_wait3A_52] : memref<16x16x640xf32, #tpu.memory_space<vmem_shared>> -> memref<1x1x640xf32, #tpu.memory_space<vmem_shared>>
      %dma_wait3A_54 = tpu.memref_squeeze %dma_wait3A_53 : memref<1x1x640xf32, #tpu.memory_space<vmem_shared>> -> memref<640xf32, #tpu.memory_space<vmem_shared>>
      %dma_wait3A_55 = arith.constant 3840 : i32
      %dma_wait3A_56 = tpu.memref_slice %arg5[%dma_wait3A_55] : memref<10240xf32, #tpu.memory_space<vmem>> -> memref<640xf32, #tpu.memory_space<vmem>>
      tpu.wait_dma2 semaphore(%run_scoped3A_38 : memref<!tpu.dma_semaphore, #tpu.memory_space<semaphore_mem>>) src(%dma_wait3A_56 : memref<640xf32, #tpu.memory_space<vmem>>) dst(%dma_wait3A_54 : memref<640xf32, #tpu.memory_space<vmem_shared>>)
      tpu.yield
    }) : () -> ()
    %run_scoped3A_21 = arith.constant 7 : i32
    "tpu.region"() ({
      %run_scoped3A_38 = tpu.sem_alloc : memref<!tpu.dma_semaphore, #tpu.memory_space<semaphore_mem>>
      %dma_start3A = arith.constant 4480 : i32
      %dma_start3A_39 = tpu.memref_slice %arg5[%dma_start3A] : memref<10240xf32, #tpu.memory_space<vmem>> -> memref<640xf32, #tpu.memory_space<vmem>>
      %dma_start3A_40 = arith.constant 0 : i32
      %dma_start3A_41 = tpu.memref_slice %arg7[%run_scoped3A_21, %arg1, %dma_start3A_40] : memref<16x16x640xf32, #tpu.memory_space<vmem_shared>> -> memref<1x1x640xf32, #tpu.memory_space<vmem_shared>>
      %dma_start3A_42 = tpu.memref_squeeze %dma_start3A_41 : memref<1x1x640xf32, #tpu.memory_space<vmem_shared>> -> memref<640xf32, #tpu.memory_space<vmem_shared>>
      %dma_start3A_43 = arith.constant 0 : i32
      %dma_start3A_44 = tpu.memref_slice %arg7[%run_scoped3A_21, %arg1, %dma_start3A_43] : memref<16x16x640xf32, #tpu.memory_space<vmem_shared>> -> memref<1x1x640xf32, #tpu.memory_space<vmem_shared>>
      %dma_start3A_45 = tpu.memref_squeeze %dma_start3A_44 : memref<1x1x640xf32, #tpu.memory_space<vmem_shared>> -> memref<640xf32, #tpu.memory_space<vmem_shared>>
      %dma_start3A_46 = arith.constant 4480 : i32
      %dma_start3A_47 = tpu.memref_slice %arg5[%dma_start3A_46] : memref<10240xf32, #tpu.memory_space<vmem>> -> memref<640xf32, #tpu.memory_space<vmem>>
      tpu.enqueue_dma source(%dma_start3A_47 : memref<640xf32, #tpu.memory_space<vmem>>) target(%dma_start3A_45 : memref<640xf32, #tpu.memory_space<vmem_shared>>) target_semaphore(%run_scoped3A_38 : memref<!tpu.dma_semaphore, #tpu.memory_space<semaphore_mem>>)
      %dma_wait3A = arith.constant 4480 : i32
      %dma_wait3A_48 = tpu.memref_slice %arg5[%dma_wait3A] : memref<10240xf32, #tpu.memory_space<vmem>> -> memref<640xf32, #tpu.memory_space<vmem>>
      %dma_wait3A_49 = arith.constant 0 : i32
      %dma_wait3A_50 = tpu.memref_slice %arg7[%run_scoped3A_21, %arg1, %dma_wait3A_49] : memref<16x16x640xf32, #tpu.memory_space<vmem_shared>> -> memref<1x1x640xf32, #tpu.memory_space<vmem_shared>>
      %dma_wait3A_51 = tpu.memref_squeeze %dma_wait3A_50 : memref<1x1x640xf32, #tpu.memory_space<vmem_shared>> -> memref<640xf32, #tpu.memory_space<vmem_shared>>
      %dma_wait3A_52 = arith.constant 0 : i32
      %dma_wait3A_53 = tpu.memref_slice %arg7[%run_scoped3A_21, %arg1, %dma_wait3A_52] : memref<16x16x640xf32, #tpu.memory_space<vmem_shared>> -> memref<1x1x640xf32, #tpu.memory_space<vmem_shared>>
      %dma_wait3A_54 = tpu.memref_squeeze %dma_wait3A_53 : memref<1x1x640xf32, #tpu.memory_space<vmem_shared>> -> memref<640xf32, #tpu.memory_space<vmem_shared>>
      %dma_wait3A_55 = arith.constant 4480 : i32
      %dma_wait3A_56 = tpu.memref_slice %arg5[%dma_wait3A_55] : memref<10240xf32, #tpu.memory_space<vmem>> -> memref<640xf32, #tpu.memory_space<vmem>>
      tpu.wait_dma2 semaphore(%run_scoped3A_38 : memref<!tpu.dma_semaphore, #tpu.memory_space<semaphore_mem>>) src(%dma_wait3A_56 : memref<640xf32, #tpu.memory_space<vmem>>) dst(%dma_wait3A_54 : memref<640xf32, #tpu.memory_space<vmem_shared>>)
      tpu.yield
    }) : () -> ()
    %run_scoped3A_22 = arith.constant 8 : i32
    "tpu.region"() ({
      %run_scoped3A_38 = tpu.sem_alloc : memref<!tpu.dma_semaphore, #tpu.memory_space<semaphore_mem>>
      %dma_start3A = arith.constant 5120 : i32
      %dma_start3A_39 = tpu.memref_slice %arg5[%dma_start3A] : memref<10240xf32, #tpu.memory_space<vmem>> -> memref<640xf32, #tpu.memory_space<vmem>>
      %dma_start3A_40 = arith.constant 0 : i32
      %dma_start3A_41 = tpu.memref_slice %arg7[%run_scoped3A_22, %arg1, %dma_start3A_40] : memref<16x16x640xf32, #tpu.memory_space<vmem_shared>> -> memref<1x1x640xf32, #tpu.memory_space<vmem_shared>>
      %dma_start3A_42 = tpu.memref_squeeze %dma_start3A_41 : memref<1x1x640xf32, #tpu.memory_space<vmem_shared>> -> memref<640xf32, #tpu.memory_space<vmem_shared>>
      %dma_start3A_43 = arith.constant 0 : i32
      %dma_start3A_44 = tpu.memref_slice %arg7[%run_scoped3A_22, %arg1, %dma_start3A_43] : memref<16x16x640xf32, #tpu.memory_space<vmem_shared>> -> memref<1x1x640xf32, #tpu.memory_space<vmem_shared>>
      %dma_start3A_45 = tpu.memref_squeeze %dma_start3A_44 : memref<1x1x640xf32, #tpu.memory_space<vmem_shared>> -> memref<640xf32, #tpu.memory_space<vmem_shared>>
      %dma_start3A_46 = arith.constant 5120 : i32
      %dma_start3A_47 = tpu.memref_slice %arg5[%dma_start3A_46] : memref<10240xf32, #tpu.memory_space<vmem>> -> memref<640xf32, #tpu.memory_space<vmem>>
      tpu.enqueue_dma source(%dma_start3A_47 : memref<640xf32, #tpu.memory_space<vmem>>) target(%dma_start3A_45 : memref<640xf32, #tpu.memory_space<vmem_shared>>) target_semaphore(%run_scoped3A_38 : memref<!tpu.dma_semaphore, #tpu.memory_space<semaphore_mem>>)
      %dma_wait3A = arith.constant 5120 : i32
      %dma_wait3A_48 = tpu.memref_slice %arg5[%dma_wait3A] : memref<10240xf32, #tpu.memory_space<vmem>> -> memref<640xf32, #tpu.memory_space<vmem>>
      %dma_wait3A_49 = arith.constant 0 : i32
      %dma_wait3A_50 = tpu.memref_slice %arg7[%run_scoped3A_22, %arg1, %dma_wait3A_49] : memref<16x16x640xf32, #tpu.memory_space<vmem_shared>> -> memref<1x1x640xf32, #tpu.memory_space<vmem_shared>>
      %dma_wait3A_51 = tpu.memref_squeeze %dma_wait3A_50 : memref<1x1x640xf32, #tpu.memory_space<vmem_shared>> -> memref<640xf32, #tpu.memory_space<vmem_shared>>
      %dma_wait3A_52 = arith.constant 0 : i32
      %dma_wait3A_53 = tpu.memref_slice %arg7[%run_scoped3A_22, %arg1, %dma_wait3A_52] : memref<16x16x640xf32, #tpu.memory_space<vmem_shared>> -> memref<1x1x640xf32, #tpu.memory_space<vmem_shared>>
      %dma_wait3A_54 = tpu.memref_squeeze %dma_wait3A_53 : memref<1x1x640xf32, #tpu.memory_space<vmem_shared>> -> memref<640xf32, #tpu.memory_space<vmem_shared>>
      %dma_wait3A_55 = arith.constant 5120 : i32
      %dma_wait3A_56 = tpu.memref_slice %arg5[%dma_wait3A_55] : memref<10240xf32, #tpu.memory_space<vmem>> -> memref<640xf32, #tpu.memory_space<vmem>>
      tpu.wait_dma2 semaphore(%run_scoped3A_38 : memref<!tpu.dma_semaphore, #tpu.memory_space<semaphore_mem>>) src(%dma_wait3A_56 : memref<640xf32, #tpu.memory_space<vmem>>) dst(%dma_wait3A_54 : memref<640xf32, #tpu.memory_space<vmem_shared>>)
      tpu.yield
    }) : () -> ()
    %run_scoped3A_23 = arith.constant 9 : i32
    "tpu.region"() ({
      %run_scoped3A_38 = tpu.sem_alloc : memref<!tpu.dma_semaphore, #tpu.memory_space<semaphore_mem>>
      %dma_start3A = arith.constant 5760 : i32
      %dma_start3A_39 = tpu.memref_slice %arg5[%dma_start3A] : memref<10240xf32, #tpu.memory_space<vmem>> -> memref<640xf32, #tpu.memory_space<vmem>>
      %dma_start3A_40 = arith.constant 0 : i32
      %dma_start3A_41 = tpu.memref_slice %arg7[%run_scoped3A_23, %arg1, %dma_start3A_40] : memref<16x16x640xf32, #tpu.memory_space<vmem_shared>> -> memref<1x1x640xf32, #tpu.memory_space<vmem_shared>>
      %dma_start3A_42 = tpu.memref_squeeze %dma_start3A_41 : memref<1x1x640xf32, #tpu.memory_space<vmem_shared>> -> memref<640xf32, #tpu.memory_space<vmem_shared>>
      %dma_start3A_43 = arith.constant 0 : i32
      %dma_start3A_44 = tpu.memref_slice %arg7[%run_scoped3A_23, %arg1, %dma_start3A_43] : memref<16x16x640xf32, #tpu.memory_space<vmem_shared>> -> memref<1x1x640xf32, #tpu.memory_space<vmem_shared>>
      %dma_start3A_45 = tpu.memref_squeeze %dma_start3A_44 : memref<1x1x640xf32, #tpu.memory_space<vmem_shared>> -> memref<640xf32, #tpu.memory_space<vmem_shared>>
      %dma_start3A_46 = arith.constant 5760 : i32
      %dma_start3A_47 = tpu.memref_slice %arg5[%dma_start3A_46] : memref<10240xf32, #tpu.memory_space<vmem>> -> memref<640xf32, #tpu.memory_space<vmem>>
      tpu.enqueue_dma source(%dma_start3A_47 : memref<640xf32, #tpu.memory_space<vmem>>) target(%dma_start3A_45 : memref<640xf32, #tpu.memory_space<vmem_shared>>) target_semaphore(%run_scoped3A_38 : memref<!tpu.dma_semaphore, #tpu.memory_space<semaphore_mem>>)
      %dma_wait3A = arith.constant 5760 : i32
      %dma_wait3A_48 = tpu.memref_slice %arg5[%dma_wait3A] : memref<10240xf32, #tpu.memory_space<vmem>> -> memref<640xf32, #tpu.memory_space<vmem>>
      %dma_wait3A_49 = arith.constant 0 : i32
      %dma_wait3A_50 = tpu.memref_slice %arg7[%run_scoped3A_23, %arg1, %dma_wait3A_49] : memref<16x16x640xf32, #tpu.memory_space<vmem_shared>> -> memref<1x1x640xf32, #tpu.memory_space<vmem_shared>>
      %dma_wait3A_51 = tpu.memref_squeeze %dma_wait3A_50 : memref<1x1x640xf32, #tpu.memory_space<vmem_shared>> -> memref<640xf32, #tpu.memory_space<vmem_shared>>
      %dma_wait3A_52 = arith.constant 0 : i32
      %dma_wait3A_53 = tpu.memref_slice %arg7[%run_scoped3A_23, %arg1, %dma_wait3A_52] : memref<16x16x640xf32, #tpu.memory_space<vmem_shared>> -> memref<1x1x640xf32, #tpu.memory_space<vmem_shared>>
      %dma_wait3A_54 = tpu.memref_squeeze %dma_wait3A_53 : memref<1x1x640xf32, #tpu.memory_space<vmem_shared>> -> memref<640xf32, #tpu.memory_space<vmem_shared>>
      %dma_wait3A_55 = arith.constant 5760 : i32
      %dma_wait3A_56 = tpu.memref_slice %arg5[%dma_wait3A_55] : memref<10240xf32, #tpu.memory_space<vmem>> -> memref<640xf32, #tpu.memory_space<vmem>>
      tpu.wait_dma2 semaphore(%run_scoped3A_38 : memref<!tpu.dma_semaphore, #tpu.memory_space<semaphore_mem>>) src(%dma_wait3A_56 : memref<640xf32, #tpu.memory_space<vmem>>) dst(%dma_wait3A_54 : memref<640xf32, #tpu.memory_space<vmem_shared>>)
      tpu.yield
    }) : () -> ()
    %run_scoped3A_24 = arith.constant 10 : i32
    "tpu.region"() ({
      %run_scoped3A_38 = tpu.sem_alloc : memref<!tpu.dma_semaphore, #tpu.memory_space<semaphore_mem>>
      %dma_start3A = arith.constant 6400 : i32
      %dma_start3A_39 = tpu.memref_slice %arg5[%dma_start3A] : memref<10240xf32, #tpu.memory_space<vmem>> -> memref<640xf32, #tpu.memory_space<vmem>>
      %dma_start3A_40 = arith.constant 0 : i32
      %dma_start3A_41 = tpu.memref_slice %arg7[%run_scoped3A_24, %arg1, %dma_start3A_40] : memref<16x16x640xf32, #tpu.memory_space<vmem_shared>> -> memref<1x1x640xf32, #tpu.memory_space<vmem_shared>>
      %dma_start3A_42 = tpu.memref_squeeze %dma_start3A_41 : memref<1x1x640xf32, #tpu.memory_space<vmem_shared>> -> memref<640xf32, #tpu.memory_space<vmem_shared>>
      %dma_start3A_43 = arith.constant 0 : i32
      %dma_start3A_44 = tpu.memref_slice %arg7[%run_scoped3A_24, %arg1, %dma_start3A_43] : memref<16x16x640xf32, #tpu.memory_space<vmem_shared>> -> memref<1x1x640xf32, #tpu.memory_space<vmem_shared>>
      %dma_start3A_45 = tpu.memref_squeeze %dma_start3A_44 : memref<1x1x640xf32, #tpu.memory_space<vmem_shared>> -> memref<640xf32, #tpu.memory_space<vmem_shared>>
      %dma_start3A_46 = arith.constant 6400 : i32
      %dma_start3A_47 = tpu.memref_slice %arg5[%dma_start3A_46] : memref<10240xf32, #tpu.memory_space<vmem>> -> memref<640xf32, #tpu.memory_space<vmem>>
      tpu.enqueue_dma source(%dma_start3A_47 : memref<640xf32, #tpu.memory_space<vmem>>) target(%dma_start3A_45 : memref<640xf32, #tpu.memory_space<vmem_shared>>) target_semaphore(%run_scoped3A_38 : memref<!tpu.dma_semaphore, #tpu.memory_space<semaphore_mem>>)
      %dma_wait3A = arith.constant 6400 : i32
      %dma_wait3A_48 = tpu.memref_slice %arg5[%dma_wait3A] : memref<10240xf32, #tpu.memory_space<vmem>> -> memref<640xf32, #tpu.memory_space<vmem>>
      %dma_wait3A_49 = arith.constant 0 : i32
      %dma_wait3A_50 = tpu.memref_slice %arg7[%run_scoped3A_24, %arg1, %dma_wait3A_49] : memref<16x16x640xf32, #tpu.memory_space<vmem_shared>> -> memref<1x1x640xf32, #tpu.memory_space<vmem_shared>>
      %dma_wait3A_51 = tpu.memref_squeeze %dma_wait3A_50 : memref<1x1x640xf32, #tpu.memory_space<vmem_shared>> -> memref<640xf32, #tpu.memory_space<vmem_shared>>
      %dma_wait3A_52 = arith.constant 0 : i32
      %dma_wait3A_53 = tpu.memref_slice %arg7[%run_scoped3A_24, %arg1, %dma_wait3A_52] : memref<16x16x640xf32, #tpu.memory_space<vmem_shared>> -> memref<1x1x640xf32, #tpu.memory_space<vmem_shared>>
      %dma_wait3A_54 = tpu.memref_squeeze %dma_wait3A_53 : memref<1x1x640xf32, #tpu.memory_space<vmem_shared>> -> memref<640xf32, #tpu.memory_space<vmem_shared>>
      %dma_wait3A_55 = arith.constant 6400 : i32
      %dma_wait3A_56 = tpu.memref_slice %arg5[%dma_wait3A_55] : memref<10240xf32, #tpu.memory_space<vmem>> -> memref<640xf32, #tpu.memory_space<vmem>>
      tpu.wait_dma2 semaphore(%run_scoped3A_38 : memref<!tpu.dma_semaphore, #tpu.memory_space<semaphore_mem>>) src(%dma_wait3A_56 : memref<640xf32, #tpu.memory_space<vmem>>) dst(%dma_wait3A_54 : memref<640xf32, #tpu.memory_space<vmem_shared>>)
      tpu.yield
    }) : () -> ()
    %run_scoped3A_25 = arith.constant 11 : i32
    "tpu.region"() ({
      %run_scoped3A_38 = tpu.sem_alloc : memref<!tpu.dma_semaphore, #tpu.memory_space<semaphore_mem>>
      %dma_start3A = arith.constant 7040 : i32
      %dma_start3A_39 = tpu.memref_slice %arg5[%dma_start3A] : memref<10240xf32, #tpu.memory_space<vmem>> -> memref<640xf32, #tpu.memory_space<vmem>>
      %dma_start3A_40 = arith.constant 0 : i32
      %dma_start3A_41 = tpu.memref_slice %arg7[%run_scoped3A_25, %arg1, %dma_start3A_40] : memref<16x16x640xf32, #tpu.memory_space<vmem_shared>> -> memref<1x1x640xf32, #tpu.memory_space<vmem_shared>>
      %dma_start3A_42 = tpu.memref_squeeze %dma_start3A_41 : memref<1x1x640xf32, #tpu.memory_space<vmem_shared>> -> memref<640xf32, #tpu.memory_space<vmem_shared>>
      %dma_start3A_43 = arith.constant 0 : i32
      %dma_start3A_44 = tpu.memref_slice %arg7[%run_scoped3A_25, %arg1, %dma_start3A_43] : memref<16x16x640xf32, #tpu.memory_space<vmem_shared>> -> memref<1x1x640xf32, #tpu.memory_space<vmem_shared>>
      %dma_start3A_45 = tpu.memref_squeeze %dma_start3A_44 : memref<1x1x640xf32, #tpu.memory_space<vmem_shared>> -> memref<640xf32, #tpu.memory_space<vmem_shared>>
      %dma_start3A_46 = arith.constant 7040 : i32
      %dma_start3A_47 = tpu.memref_slice %arg5[%dma_start3A_46] : memref<10240xf32, #tpu.memory_space<vmem>> -> memref<640xf32, #tpu.memory_space<vmem>>
      tpu.enqueue_dma source(%dma_start3A_47 : memref<640xf32, #tpu.memory_space<vmem>>) target(%dma_start3A_45 : memref<640xf32, #tpu.memory_space<vmem_shared>>) target_semaphore(%run_scoped3A_38 : memref<!tpu.dma_semaphore, #tpu.memory_space<semaphore_mem>>)
      %dma_wait3A = arith.constant 7040 : i32
      %dma_wait3A_48 = tpu.memref_slice %arg5[%dma_wait3A] : memref<10240xf32, #tpu.memory_space<vmem>> -> memref<640xf32, #tpu.memory_space<vmem>>
      %dma_wait3A_49 = arith.constant 0 : i32
      %dma_wait3A_50 = tpu.memref_slice %arg7[%run_scoped3A_25, %arg1, %dma_wait3A_49] : memref<16x16x640xf32, #tpu.memory_space<vmem_shared>> -> memref<1x1x640xf32, #tpu.memory_space<vmem_shared>>
      %dma_wait3A_51 = tpu.memref_squeeze %dma_wait3A_50 : memref<1x1x640xf32, #tpu.memory_space<vmem_shared>> -> memref<640xf32, #tpu.memory_space<vmem_shared>>
      %dma_wait3A_52 = arith.constant 0 : i32
      %dma_wait3A_53 = tpu.memref_slice %arg7[%run_scoped3A_25, %arg1, %dma_wait3A_52] : memref<16x16x640xf32, #tpu.memory_space<vmem_shared>> -> memref<1x1x640xf32, #tpu.memory_space<vmem_shared>>
      %dma_wait3A_54 = tpu.memref_squeeze %dma_wait3A_53 : memref<1x1x640xf32, #tpu.memory_space<vmem_shared>> -> memref<640xf32, #tpu.memory_space<vmem_shared>>
      %dma_wait3A_55 = arith.constant 7040 : i32
      %dma_wait3A_56 = tpu.memref_slice %arg5[%dma_wait3A_55] : memref<10240xf32, #tpu.memory_space<vmem>> -> memref<640xf32, #tpu.memory_space<vmem>>
      tpu.wait_dma2 semaphore(%run_scoped3A_38 : memref<!tpu.dma_semaphore, #tpu.memory_space<semaphore_mem>>) src(%dma_wait3A_56 : memref<640xf32, #tpu.memory_space<vmem>>) dst(%dma_wait3A_54 : memref<640xf32, #tpu.memory_space<vmem_shared>>)
      tpu.yield
    }) : () -> ()
    %run_scoped3A_26 = arith.constant 12 : i32
    "tpu.region"() ({
      %run_scoped3A_38 = tpu.sem_alloc : memref<!tpu.dma_semaphore, #tpu.memory_space<semaphore_mem>>
      %dma_start3A = arith.constant 7680 : i32
      %dma_start3A_39 = tpu.memref_slice %arg5[%dma_start3A] : memref<10240xf32, #tpu.memory_space<vmem>> -> memref<640xf32, #tpu.memory_space<vmem>>
      %dma_start3A_40 = arith.constant 0 : i32
      %dma_start3A_41 = tpu.memref_slice %arg7[%run_scoped3A_26, %arg1, %dma_start3A_40] : memref<16x16x640xf32, #tpu.memory_space<vmem_shared>> -> memref<1x1x640xf32, #tpu.memory_space<vmem_shared>>
      %dma_start3A_42 = tpu.memref_squeeze %dma_start3A_41 : memref<1x1x640xf32, #tpu.memory_space<vmem_shared>> -> memref<640xf32, #tpu.memory_space<vmem_shared>>
      %dma_start3A_43 = arith.constant 0 : i32
      %dma_start3A_44 = tpu.memref_slice %arg7[%run_scoped3A_26, %arg1, %dma_start3A_43] : memref<16x16x640xf32, #tpu.memory_space<vmem_shared>> -> memref<1x1x640xf32, #tpu.memory_space<vmem_shared>>
      %dma_start3A_45 = tpu.memref_squeeze %dma_start3A_44 : memref<1x1x640xf32, #tpu.memory_space<vmem_shared>> -> memref<640xf32, #tpu.memory_space<vmem_shared>>
      %dma_start3A_46 = arith.constant 7680 : i32
      %dma_start3A_47 = tpu.memref_slice %arg5[%dma_start3A_46] : memref<10240xf32, #tpu.memory_space<vmem>> -> memref<640xf32, #tpu.memory_space<vmem>>
      tpu.enqueue_dma source(%dma_start3A_47 : memref<640xf32, #tpu.memory_space<vmem>>) target(%dma_start3A_45 : memref<640xf32, #tpu.memory_space<vmem_shared>>) target_semaphore(%run_scoped3A_38 : memref<!tpu.dma_semaphore, #tpu.memory_space<semaphore_mem>>)
      %dma_wait3A = arith.constant 7680 : i32
      %dma_wait3A_48 = tpu.memref_slice %arg5[%dma_wait3A] : memref<10240xf32, #tpu.memory_space<vmem>> -> memref<640xf32, #tpu.memory_space<vmem>>
      %dma_wait3A_49 = arith.constant 0 : i32
      %dma_wait3A_50 = tpu.memref_slice %arg7[%run_scoped3A_26, %arg1, %dma_wait3A_49] : memref<16x16x640xf32, #tpu.memory_space<vmem_shared>> -> memref<1x1x640xf32, #tpu.memory_space<vmem_shared>>
      %dma_wait3A_51 = tpu.memref_squeeze %dma_wait3A_50 : memref<1x1x640xf32, #tpu.memory_space<vmem_shared>> -> memref<640xf32, #tpu.memory_space<vmem_shared>>
      %dma_wait3A_52 = arith.constant 0 : i32
      %dma_wait3A_53 = tpu.memref_slice %arg7[%run_scoped3A_26, %arg1, %dma_wait3A_52] : memref<16x16x640xf32, #tpu.memory_space<vmem_shared>> -> memref<1x1x640xf32, #tpu.memory_space<vmem_shared>>
      %dma_wait3A_54 = tpu.memref_squeeze %dma_wait3A_53 : memref<1x1x640xf32, #tpu.memory_space<vmem_shared>> -> memref<640xf32, #tpu.memory_space<vmem_shared>>
      %dma_wait3A_55 = arith.constant 7680 : i32
      %dma_wait3A_56 = tpu.memref_slice %arg5[%dma_wait3A_55] : memref<10240xf32, #tpu.memory_space<vmem>> -> memref<640xf32, #tpu.memory_space<vmem>>
      tpu.wait_dma2 semaphore(%run_scoped3A_38 : memref<!tpu.dma_semaphore, #tpu.memory_space<semaphore_mem>>) src(%dma_wait3A_56 : memref<640xf32, #tpu.memory_space<vmem>>) dst(%dma_wait3A_54 : memref<640xf32, #tpu.memory_space<vmem_shared>>)
      tpu.yield
    }) : () -> ()
    %run_scoped3A_27 = arith.constant 13 : i32
    "tpu.region"() ({
      %run_scoped3A_38 = tpu.sem_alloc : memref<!tpu.dma_semaphore, #tpu.memory_space<semaphore_mem>>
      %dma_start3A = arith.constant 8320 : i32
      %dma_start3A_39 = tpu.memref_slice %arg5[%dma_start3A] : memref<10240xf32, #tpu.memory_space<vmem>> -> memref<640xf32, #tpu.memory_space<vmem>>
      %dma_start3A_40 = arith.constant 0 : i32
      %dma_start3A_41 = tpu.memref_slice %arg7[%run_scoped3A_27, %arg1, %dma_start3A_40] : memref<16x16x640xf32, #tpu.memory_space<vmem_shared>> -> memref<1x1x640xf32, #tpu.memory_space<vmem_shared>>
      %dma_start3A_42 = tpu.memref_squeeze %dma_start3A_41 : memref<1x1x640xf32, #tpu.memory_space<vmem_shared>> -> memref<640xf32, #tpu.memory_space<vmem_shared>>
      %dma_start3A_43 = arith.constant 0 : i32
      %dma_start3A_44 = tpu.memref_slice %arg7[%run_scoped3A_27, %arg1, %dma_start3A_43] : memref<16x16x640xf32, #tpu.memory_space<vmem_shared>> -> memref<1x1x640xf32, #tpu.memory_space<vmem_shared>>
      %dma_start3A_45 = tpu.memref_squeeze %dma_start3A_44 : memref<1x1x640xf32, #tpu.memory_space<vmem_shared>> -> memref<640xf32, #tpu.memory_space<vmem_shared>>
      %dma_start3A_46 = arith.constant 8320 : i32
      %dma_start3A_47 = tpu.memref_slice %arg5[%dma_start3A_46] : memref<10240xf32, #tpu.memory_space<vmem>> -> memref<640xf32, #tpu.memory_space<vmem>>
      tpu.enqueue_dma source(%dma_start3A_47 : memref<640xf32, #tpu.memory_space<vmem>>) target(%dma_start3A_45 : memref<640xf32, #tpu.memory_space<vmem_shared>>) target_semaphore(%run_scoped3A_38 : memref<!tpu.dma_semaphore, #tpu.memory_space<semaphore_mem>>)
      %dma_wait3A = arith.constant 8320 : i32
      %dma_wait3A_48 = tpu.memref_slice %arg5[%dma_wait3A] : memref<10240xf32, #tpu.memory_space<vmem>> -> memref<640xf32, #tpu.memory_space<vmem>>
      %dma_wait3A_49 = arith.constant 0 : i32
      %dma_wait3A_50 = tpu.memref_slice %arg7[%run_scoped3A_27, %arg1, %dma_wait3A_49] : memref<16x16x640xf32, #tpu.memory_space<vmem_shared>> -> memref<1x1x640xf32, #tpu.memory_space<vmem_shared>>
      %dma_wait3A_51 = tpu.memref_squeeze %dma_wait3A_50 : memref<1x1x640xf32, #tpu.memory_space<vmem_shared>> -> memref<640xf32, #tpu.memory_space<vmem_shared>>
      %dma_wait3A_52 = arith.constant 0 : i32
      %dma_wait3A_53 = tpu.memref_slice %arg7[%run_scoped3A_27, %arg1, %dma_wait3A_52] : memref<16x16x640xf32, #tpu.memory_space<vmem_shared>> -> memref<1x1x640xf32, #tpu.memory_space<vmem_shared>>
      %dma_wait3A_54 = tpu.memref_squeeze %dma_wait3A_53 : memref<1x1x640xf32, #tpu.memory_space<vmem_shared>> -> memref<640xf32, #tpu.memory_space<vmem_shared>>
      %dma_wait3A_55 = arith.constant 8320 : i32
      %dma_wait3A_56 = tpu.memref_slice %arg5[%dma_wait3A_55] : memref<10240xf32, #tpu.memory_space<vmem>> -> memref<640xf32, #tpu.memory_space<vmem>>
      tpu.wait_dma2 semaphore(%run_scoped3A_38 : memref<!tpu.dma_semaphore, #tpu.memory_space<semaphore_mem>>) src(%dma_wait3A_56 : memref<640xf32, #tpu.memory_space<vmem>>) dst(%dma_wait3A_54 : memref<640xf32, #tpu.memory_space<vmem_shared>>)
      tpu.yield
    }) : () -> ()
    %run_scoped3A_28 = arith.constant 14 : i32
    "tpu.region"() ({
      %run_scoped3A_38 = tpu.sem_alloc : memref<!tpu.dma_semaphore, #tpu.memory_space<semaphore_mem>>
      %dma_start3A = arith.constant 8960 : i32
      %dma_start3A_39 = tpu.memref_slice %arg5[%dma_start3A] : memref<10240xf32, #tpu.memory_space<vmem>> -> memref<640xf32, #tpu.memory_space<vmem>>
      %dma_start3A_40 = arith.constant 0 : i32
      %dma_start3A_41 = tpu.memref_slice %arg7[%run_scoped3A_28, %arg1, %dma_start3A_40] : memref<16x16x640xf32, #tpu.memory_space<vmem_shared>> -> memref<1x1x640xf32, #tpu.memory_space<vmem_shared>>
      %dma_start3A_42 = tpu.memref_squeeze %dma_start3A_41 : memref<1x1x640xf32, #tpu.memory_space<vmem_shared>> -> memref<640xf32, #tpu.memory_space<vmem_shared>>
      %dma_start3A_43 = arith.constant 0 : i32
      %dma_start3A_44 = tpu.memref_slice %arg7[%run_scoped3A_28, %arg1, %dma_start3A_43] : memref<16x16x640xf32, #tpu.memory_space<vmem_shared>> -> memref<1x1x640xf32, #tpu.memory_space<vmem_shared>>
      %dma_start3A_45 = tpu.memref_squeeze %dma_start3A_44 : memref<1x1x640xf32, #tpu.memory_space<vmem_shared>> -> memref<640xf32, #tpu.memory_space<vmem_shared>>
      %dma_start3A_46 = arith.constant 8960 : i32
      %dma_start3A_47 = tpu.memref_slice %arg5[%dma_start3A_46] : memref<10240xf32, #tpu.memory_space<vmem>> -> memref<640xf32, #tpu.memory_space<vmem>>
      tpu.enqueue_dma source(%dma_start3A_47 : memref<640xf32, #tpu.memory_space<vmem>>) target(%dma_start3A_45 : memref<640xf32, #tpu.memory_space<vmem_shared>>) target_semaphore(%run_scoped3A_38 : memref<!tpu.dma_semaphore, #tpu.memory_space<semaphore_mem>>)
      %dma_wait3A = arith.constant 8960 : i32
      %dma_wait3A_48 = tpu.memref_slice %arg5[%dma_wait3A] : memref<10240xf32, #tpu.memory_space<vmem>> -> memref<640xf32, #tpu.memory_space<vmem>>
      %dma_wait3A_49 = arith.constant 0 : i32
      %dma_wait3A_50 = tpu.memref_slice %arg7[%run_scoped3A_28, %arg1, %dma_wait3A_49] : memref<16x16x640xf32, #tpu.memory_space<vmem_shared>> -> memref<1x1x640xf32, #tpu.memory_space<vmem_shared>>
      %dma_wait3A_51 = tpu.memref_squeeze %dma_wait3A_50 : memref<1x1x640xf32, #tpu.memory_space<vmem_shared>> -> memref<640xf32, #tpu.memory_space<vmem_shared>>
      %dma_wait3A_52 = arith.constant 0 : i32
      %dma_wait3A_53 = tpu.memref_slice %arg7[%run_scoped3A_28, %arg1, %dma_wait3A_52] : memref<16x16x640xf32, #tpu.memory_space<vmem_shared>> -> memref<1x1x640xf32, #tpu.memory_space<vmem_shared>>
      %dma_wait3A_54 = tpu.memref_squeeze %dma_wait3A_53 : memref<1x1x640xf32, #tpu.memory_space<vmem_shared>> -> memref<640xf32, #tpu.memory_space<vmem_shared>>
      %dma_wait3A_55 = arith.constant 8960 : i32
      %dma_wait3A_56 = tpu.memref_slice %arg5[%dma_wait3A_55] : memref<10240xf32, #tpu.memory_space<vmem>> -> memref<640xf32, #tpu.memory_space<vmem>>
      tpu.wait_dma2 semaphore(%run_scoped3A_38 : memref<!tpu.dma_semaphore, #tpu.memory_space<semaphore_mem>>) src(%dma_wait3A_56 : memref<640xf32, #tpu.memory_space<vmem>>) dst(%dma_wait3A_54 : memref<640xf32, #tpu.memory_space<vmem_shared>>)
      tpu.yield
    }) : () -> ()
    %run_scoped3A_29 = arith.constant 15 : i32
    "tpu.region"() ({
      %run_scoped3A_38 = tpu.sem_alloc : memref<!tpu.dma_semaphore, #tpu.memory_space<semaphore_mem>>
      %dma_start3A = arith.constant 9600 : i32
      %dma_start3A_39 = tpu.memref_slice %arg5[%dma_start3A] : memref<10240xf32, #tpu.memory_space<vmem>> -> memref<640xf32, #tpu.memory_space<vmem>>
      %dma_start3A_40 = arith.constant 0 : i32
      %dma_start3A_41 = tpu.memref_slice %arg7[%run_scoped3A_29, %arg1, %dma_start3A_40] : memref<16x16x640xf32, #tpu.memory_space<vmem_shared>> -> memref<1x1x640xf32, #tpu.memory_space<vmem_shared>>
      %dma_start3A_42 = tpu.memref_squeeze %dma_start3A_41 : memref<1x1x640xf32, #tpu.memory_space<vmem_shared>> -> memref<640xf32, #tpu.memory_space<vmem_shared>>
      %dma_start3A_43 = arith.constant 0 : i32
      %dma_start3A_44 = tpu.memref_slice %arg7[%run_scoped3A_29, %arg1, %dma_start3A_43] : memref<16x16x640xf32, #tpu.memory_space<vmem_shared>> -> memref<1x1x640xf32, #tpu.memory_space<vmem_shared>>
      %dma_start3A_45 = tpu.memref_squeeze %dma_start3A_44 : memref<1x1x640xf32, #tpu.memory_space<vmem_shared>> -> memref<640xf32, #tpu.memory_space<vmem_shared>>
      %dma_start3A_46 = arith.constant 9600 : i32
      %dma_start3A_47 = tpu.memref_slice %arg5[%dma_start3A_46] : memref<10240xf32, #tpu.memory_space<vmem>> -> memref<640xf32, #tpu.memory_space<vmem>>
      tpu.enqueue_dma source(%dma_start3A_47 : memref<640xf32, #tpu.memory_space<vmem>>) target(%dma_start3A_45 : memref<640xf32, #tpu.memory_space<vmem_shared>>) target_semaphore(%run_scoped3A_38 : memref<!tpu.dma_semaphore, #tpu.memory_space<semaphore_mem>>)
      %dma_wait3A = arith.constant 9600 : i32
      %dma_wait3A_48 = tpu.memref_slice %arg5[%dma_wait3A] : memref<10240xf32, #tpu.memory_space<vmem>> -> memref<640xf32, #tpu.memory_space<vmem>>
      %dma_wait3A_49 = arith.constant 0 : i32
      %dma_wait3A_50 = tpu.memref_slice %arg7[%run_scoped3A_29, %arg1, %dma_wait3A_49] : memref<16x16x640xf32, #tpu.memory_space<vmem_shared>> -> memref<1x1x640xf32, #tpu.memory_space<vmem_shared>>
      %dma_wait3A_51 = tpu.memref_squeeze %dma_wait3A_50 : memref<1x1x640xf32, #tpu.memory_space<vmem_shared>> -> memref<640xf32, #tpu.memory_space<vmem_shared>>
      %dma_wait3A_52 = arith.constant 0 : i32
      %dma_wait3A_53 = tpu.memref_slice %arg7[%run_scoped3A_29, %arg1, %dma_wait3A_52] : memref<16x16x640xf32, #tpu.memory_space<vmem_shared>> -> memref<1x1x640xf32, #tpu.memory_space<vmem_shared>>
      %dma_wait3A_54 = tpu.memref_squeeze %dma_wait3A_53 : memref<1x1x640xf32, #tpu.memory_space<vmem_shared>> -> memref<640xf32, #tpu.memory_space<vmem_shared>>
      %dma_wait3A_55 = arith.constant 9600 : i32
      %dma_wait3A_56 = tpu.memref_slice %arg5[%dma_wait3A_55] : memref<10240xf32, #tpu.memory_space<vmem>> -> memref<640xf32, #tpu.memory_space<vmem>>
      tpu.wait_dma2 semaphore(%run_scoped3A_38 : memref<!tpu.dma_semaphore, #tpu.memory_space<semaphore_mem>>) src(%dma_wait3A_56 : memref<640xf32, #tpu.memory_space<vmem>>) dst(%dma_wait3A_54 : memref<640xf32, #tpu.memory_space<vmem_shared>>)
      tpu.yield
    }) : () -> ()
    %barrier3A = arith.constant 0 : index
    tpu.barrier barrier_id(%barrier3A)
    "tpu.region"() ({
      %run_scoped3A_38 = tpu.sem_alloc : memref<!tpu.dma_semaphore, #tpu.memory_space<semaphore_mem>>
      %dma_start3A = arith.constant 0 : i32
      %dma_start3A_39 = arith.constant 0 : i32
      %dma_start3A_40 = tpu.memref_slice %arg7[%arg1, %dma_start3A, %dma_start3A_39] : memref<16x16x640xf32, #tpu.memory_space<vmem_shared>> -> memref<1x16x640xf32, #tpu.memory_space<vmem_shared>>
      %dma_start3A_41 = tpu.memref_squeeze %dma_start3A_40 : memref<1x16x640xf32, #tpu.memory_space<vmem_shared>> -> memref<16x640xf32, #tpu.memory_space<vmem_shared>>
      %dma_start3A_42 = arith.constant 0 : i32
      %dma_start3A_43 = arith.constant 0 : i32
      %dma_start3A_44 = tpu.memref_slice %arg7[%arg1, %dma_start3A_42, %dma_start3A_43] : memref<16x16x640xf32, #tpu.memory_space<vmem_shared>> -> memref<1x16x640xf32, #tpu.memory_space<vmem_shared>>
      %dma_start3A_45 = tpu.memref_squeeze %dma_start3A_44 : memref<1x16x640xf32, #tpu.memory_space<vmem_shared>> -> memref<16x640xf32, #tpu.memory_space<vmem_shared>>
      tpu.enqueue_dma source(%dma_start3A_45 : memref<16x640xf32, #tpu.memory_space<vmem_shared>>) target(%arg6 : memref<16x640xf32, #tpu.memory_space<vmem>>) target_semaphore(%run_scoped3A_38 : memref<!tpu.dma_semaphore, #tpu.memory_space<semaphore_mem>>)
      %dma_wait3A = arith.constant 0 : i32
      %dma_wait3A_46 = arith.constant 0 : i32
      %dma_wait3A_47 = tpu.memref_slice %arg7[%arg1, %dma_wait3A, %dma_wait3A_46] : memref<16x16x640xf32, #tpu.memory_space<vmem_shared>> -> memref<1x16x640xf32, #tpu.memory_space<vmem_shared>>
      %dma_wait3A_48 = tpu.memref_squeeze %dma_wait3A_47 : memref<1x16x640xf32, #tpu.memory_space<vmem_shared>> -> memref<16x640xf32, #tpu.memory_space<vmem_shared>>
      %dma_wait3A_49 = arith.constant 0 : i32
      %dma_wait3A_50 = arith.constant 0 : i32
      %dma_wait3A_51 = tpu.memref_slice %arg7[%arg1, %dma_wait3A_49, %dma_wait3A_50] : memref<16x16x640xf32, #tpu.memory_space<vmem_shared>> -> memref<1x16x640xf32, #tpu.memory_space<vmem_shared>>
      %dma_wait3A_52 = tpu.memref_squeeze %dma_wait3A_51 : memref<1x16x640xf32, #tpu.memory_space<vmem_shared>> -> memref<16x640xf32, #tpu.memory_space<vmem_shared>>
      tpu.wait_dma2 semaphore(%run_scoped3A_38 : memref<!tpu.dma_semaphore, #tpu.memory_space<semaphore_mem>>) src(%dma_wait3A_52 : memref<16x640xf32, #tpu.memory_space<vmem_shared>>) dst(%arg6 : memref<16x640xf32, #tpu.memory_space<vmem>>)
      tpu.yield
    }) : () -> ()
    %scan3A_30 = arith.constant 0 : i32
    %scan3A_31 = arith.constant 0 : i32
    %scan3A_32 = arith.constant 40 : i32
    %scan3A_33 = arith.addi %scan3A_31, %scan3A_32 : i32
    %scan3A_34 = arith.constant 1 : i32
    scf.for %scan3A_38 = %scan3A_31 to %scan3A_33 step %scan3A_34  : i32 {
      %broadcast_in_dim3A_39 = arith.constant 0.000000e+00 : f32
      %broadcast_in_dim3A_40 = vector.broadcast %broadcast_in_dim3A_39 : f32 to vector<16xf32>
      %mul3A_41 = arith.constant 16 : i32
      %mul3A_42 = arith.muli %scan3A_38, %mul3A_41 : i32
      %get3A = arith.constant 0 : i32
      %get3A_43 = arith.index_cast %get3A : i32 to index
      %get3A_44 = arith.index_cast %mul3A_42 : i32 to index
      %get3A_45 = tpu.vector_load %arg6[%get3A_43, %get3A_44] {strides = array<i32>} : memref<16x640xf32, #tpu.memory_space<vmem>>, vector<16xf32>,
      %add3A_46 = arith.addf %broadcast_in_dim3A_40, %get3A_45 : vector<16xf32>
      %mul3A_47 = arith.constant 16 : i32
      %mul3A_48 = arith.muli %scan3A_38, %mul3A_47 : i32
      %get3A_49 = arith.constant 1 : i32
      %get3A_50 = arith.index_cast %get3A_49 : i32 to index
      %get3A_51 = arith.index_cast %mul3A_48 : i32 to index
      %get3A_52 = tpu.vector_load %arg6[%get3A_50, %get3A_51] {strides = array<i32>} : memref<16x640xf32, #tpu.memory_space<vmem>>, vector<16xf32>,
      %add3A_53 = arith.addf %add3A_46, %get3A_52 : vector<16xf32>
      %mul3A_54 = arith.constant 16 : i32
      %mul3A_55 = arith.muli %scan3A_38, %mul3A_54 : i32
      %get3A_56 = arith.constant 2 : i32
      %get3A_57 = arith.index_cast %get3A_56 : i32 to index
      %get3A_58 = arith.index_cast %mul3A_55 : i32 to index
      %get3A_59 = tpu.vector_load %arg6[%get3A_57, %get3A_58] {strides = array<i32>} : memref<16x640xf32, #tpu.memory_space<vmem>>, vector<16xf32>,
      %add3A_60 = arith.addf %add3A_53, %get3A_59 : vector<16xf32>
      %mul3A_61 = arith.constant 16 : i32
      %mul3A_62 = arith.muli %scan3A_38, %mul3A_61 : i32
      %get3A_63 = arith.constant 3 : i32
      %get3A_64 = arith.index_cast %get3A_63 : i32 to index
      %get3A_65 = arith.index_cast %mul3A_62 : i32 to index
      %get3A_66 = tpu.vector_load %arg6[%get3A_64, %get3A_65] {strides = array<i32>} : memref<16x640xf32, #tpu.memory_space<vmem>>, vector<16xf32>,
      %add3A_67 = arith.addf %add3A_60, %get3A_66 : vector<16xf32>
      %mul3A_68 = arith.constant 16 : i32
      %mul3A_69 = arith.muli %scan3A_38, %mul3A_68 : i32
      %get3A_70 = arith.constant 4 : i32
      %get3A_71 = arith.index_cast %get3A_70 : i32 to index
      %get3A_72 = arith.index_cast %mul3A_69 : i32 to index
      %get3A_73 = tpu.vector_load %arg6[%get3A_71, %get3A_72] {strides = array<i32>} : memref<16x640xf32, #tpu.memory_space<vmem>>, vector<16xf32>,
      %add3A_74 = arith.addf %add3A_67, %get3A_73 : vector<16xf32>
      %mul3A_75 = arith.constant 16 : i32
      %mul3A_76 = arith.muli %scan3A_38, %mul3A_75 : i32
      %get3A_77 = arith.constant 5 : i32
      %get3A_78 = arith.index_cast %get3A_77 : i32 to index
      %get3A_79 = arith.index_cast %mul3A_76 : i32 to index
      %get3A_80 = tpu.vector_load %arg6[%get3A_78, %get3A_79] {strides = array<i32>} : memref<16x640xf32, #tpu.memory_space<vmem>>, vector<16xf32>,
      %add3A_81 = arith.addf %add3A_74, %get3A_80 : vector<16xf32>
      %mul3A_82 = arith.constant 16 : i32
      %mul3A_83 = arith.muli %scan3A_38, %mul3A_82 : i32
      %get3A_84 = arith.constant 6 : i32
      %get3A_85 = arith.index_cast %get3A_84 : i32 to index
      %get3A_86 = arith.index_cast %mul3A_83 : i32 to index
      %get3A_87 = tpu.vector_load %arg6[%get3A_85, %get3A_86] {strides = array<i32>} : memref<16x640xf32, #tpu.memory_space<vmem>>, vector<16xf32>,
      %add3A_88 = arith.addf %add3A_81, %get3A_87 : vector<16xf32>
      %mul3A_89 = arith.constant 16 : i32
      %mul3A_90 = arith.muli %scan3A_38, %mul3A_89 : i32
      %get3A_91 = arith.constant 7 : i32
      %get3A_92 = arith.index_cast %get3A_91 : i32 to index
      %get3A_93 = arith.index_cast %mul3A_90 : i32 to index
      %get3A_94 = tpu.vector_load %arg6[%get3A_92, %get3A_93] {strides = array<i32>} : memref<16x640xf32, #tpu.memory_space<vmem>>, vector<16xf32>,
      %add3A_95 = arith.addf %add3A_88, %get3A_94 : vector<16xf32>
      %mul3A_96 = arith.constant 16 : i32
      %mul3A_97 = arith.muli %scan3A_38, %mul3A_96 : i32
      %get3A_98 = arith.constant 8 : i32
      %get3A_99 = arith.index_cast %get3A_98 : i32 to index
      %get3A_100 = arith.index_cast %mul3A_97 : i32 to index
      %get3A_101 = tpu.vector_load %arg6[%get3A_99, %get3A_100] {strides = array<i32>} : memref<16x640xf32, #tpu.memory_space<vmem>>, vector<16xf32>,
      %add3A_102 = arith.addf %add3A_95, %get3A_101 : vector<16xf32>
      %mul3A_103 = arith.constant 16 : i32
      %mul3A_104 = arith.muli %scan3A_38, %mul3A_103 : i32
      %get3A_105 = arith.constant 9 : i32
      %get3A_106 = arith.index_cast %get3A_105 : i32 to index
      %get3A_107 = arith.index_cast %mul3A_104 : i32 to index
      %get3A_108 = tpu.vector_load %arg6[%get3A_106, %get3A_107] {strides = array<i32>} : memref<16x640xf32, #tpu.memory_space<vmem>>, vector<16xf32>,
      %add3A_109 = arith.addf %add3A_102, %get3A_108 : vector<16xf32>
      %mul3A_110 = arith.constant 16 : i32
      %mul3A_111 = arith.muli %scan3A_38, %mul3A_110 : i32
      %get3A_112 = arith.constant 10 : i32
      %get3A_113 = arith.index_cast %get3A_112 : i32 to index
      %get3A_114 = arith.index_cast %mul3A_111 : i32 to index
      %get3A_115 = tpu.vector_load %arg6[%get3A_113, %get3A_114] {strides = array<i32>} : memref<16x640xf32, #tpu.memory_space<vmem>>, vector<16xf32>,
      %add3A_116 = arith.addf %add3A_109, %get3A_115 : vector<16xf32>
      %mul3A_117 = arith.constant 16 : i32
      %mul3A_118 = arith.muli %scan3A_38, %mul3A_117 : i32
      %get3A_119 = arith.constant 11 : i32
      %get3A_120 = arith.index_cast %get3A_119 : i32 to index
      %get3A_121 = arith.index_cast %mul3A_118 : i32 to index
      %get3A_122 = tpu.vector_load %arg6[%get3A_120, %get3A_121] {strides = array<i32>} : memref<16x640xf32, #tpu.memory_space<vmem>>, vector<16xf32>,
      %add3A_123 = arith.addf %add3A_116, %get3A_122 : vector<16xf32>
      %mul3A_124 = arith.constant 16 : i32
      %mul3A_125 = arith.muli %scan3A_38, %mul3A_124 : i32
      %get3A_126 = arith.constant 12 : i32
      %get3A_127 = arith.index_cast %get3A_126 : i32 to index
      %get3A_128 = arith.index_cast %mul3A_125 : i32 to index
      %get3A_129 = tpu.vector_load %arg6[%get3A_127, %get3A_128] {strides = array<i32>} : memref<16x640xf32, #tpu.memory_space<vmem>>, vector<16xf32>,
      %add3A_130 = arith.addf %add3A_123, %get3A_129 : vector<16xf32>
      %mul3A_131 = arith.constant 16 : i32
      %mul3A_132 = arith.muli %scan3A_38, %mul3A_131 : i32
      %get3A_133 = arith.constant 13 : i32
      %get3A_134 = arith.index_cast %get3A_133 : i32 to index
      %get3A_135 = arith.index_cast %mul3A_132 : i32 to index
      %get3A_136 = tpu.vector_load %arg6[%get3A_134, %get3A_135] {strides = array<i32>} : memref<16x640xf32, #tpu.memory_space<vmem>>, vector<16xf32>,
      %add3A_137 = arith.addf %add3A_130, %get3A_136 : vector<16xf32>
      %mul3A_138 = arith.constant 16 : i32
      %mul3A_139 = arith.muli %scan3A_38, %mul3A_138 : i32
      %get3A_140 = arith.constant 14 : i32
      %get3A_141 = arith.index_cast %get3A_140 : i32 to index
      %get3A_142 = arith.index_cast %mul3A_139 : i32 to index
      %get3A_143 = tpu.vector_load %arg6[%get3A_141, %get3A_142] {strides = array<i32>} : memref<16x640xf32, #tpu.memory_space<vmem>>, vector<16xf32>,
      %add3A_144 = arith.addf %add3A_137, %get3A_143 : vector<16xf32>
      %mul3A_145 = arith.constant 16 : i32
      %mul3A_146 = arith.muli %scan3A_38, %mul3A_145 : i32
      %get3A_147 = arith.constant 15 : i32
      %get3A_148 = arith.index_cast %get3A_147 : i32 to index
      %get3A_149 = arith.index_cast %mul3A_146 : i32 to index
      %get3A_150 = tpu.vector_load %arg6[%get3A_148, %get3A_149] {strides = array<i32>} : memref<16x640xf32, #tpu.memory_space<vmem>>, vector<16xf32>,
      %add3A_151 = arith.addf %add3A_144, %get3A_150 : vector<16xf32>
      %mul3A_152 = arith.constant 16 : i32
      %mul3A_153 = arith.muli %scan3A_38, %mul3A_152 : i32
      %swap3A = arith.index_cast %mul3A_153 : i32 to index
      %swap3A_154 = tpu.vector_load %arg5[%swap3A] {strides = array<i32>} : memref<10240xf32, #tpu.memory_space<vmem>>, vector<16xf32>,
      tpu.vector_store %arg5[%swap3A], %add3A_151 {strides = array<i32>} : memref<10240xf32, #tpu.memory_space<vmem>>, vector<16xf32>,
    }
    %scan3A_35 = arith.constant 40 : i32
    %mul3A_36 = arith.constant 640 : i32
    %mul3A_37 = arith.muli %arg1, %mul3A_36 : i32
    "tpu.region"() ({
      %run_scoped3A_38 = tpu.sem_alloc : memref<!tpu.dma_semaphore, #tpu.memory_space<semaphore_mem>>
      %dma_start3A = arith.constant 0 : i32
      %dma_start3A_39 = tpu.memref_slice %arg5[%dma_start3A] : memref<10240xf32, #tpu.memory_space<vmem>> -> memref<640xf32, #tpu.memory_space<vmem>>
      %dma_start3A_40 = tpu.memref_slice %arg3[%arg0, %mul3A_37] : memref<2x10240xf32, #tpu.memory_space<hbm>> -> memref<1x640xf32, #tpu.memory_space<hbm>>
      %dma_start3A_41 = tpu.memref_squeeze %dma_start3A_40 : memref<1x640xf32, #tpu.memory_space<hbm>> -> memref<640xf32, #tpu.memory_space<hbm>>
      %dma_start3A_42 = tpu.memref_slice %arg3[%arg0, %mul3A_37] : memref<2x10240xf32, #tpu.memory_space<hbm>> -> memref<1x640xf32, #tpu.memory_space<hbm>>
      %dma_start3A_43 = tpu.memref_squeeze %dma_start3A_42 : memref<1x640xf32, #tpu.memory_space<hbm>> -> memref<640xf32, #tpu.memory_space<hbm>>
      %dma_start3A_44 = arith.constant 0 : i32
      %dma_start3A_45 = tpu.memref_slice %arg5[%dma_start3A_44] : memref<10240xf32, #tpu.memory_space<vmem>> -> memref<640xf32, #tpu.memory_space<vmem>>
      tpu.enqueue_dma source(%dma_start3A_45 : memref<640xf32, #tpu.memory_space<vmem>>) target(%dma_start3A_43 : memref<640xf32, #tpu.memory_space<hbm>>) target_semaphore(%run_scoped3A_38 : memref<!tpu.dma_semaphore, #tpu.memory_space<semaphore_mem>>)
      %dma_wait3A = arith.constant 0 : i32
      %dma_wait3A_46 = tpu.memref_slice %arg5[%dma_wait3A] : memref<10240xf32, #tpu.memory_space<vmem>> -> memref<640xf32, #tpu.memory_space<vmem>>
      %dma_wait3A_47 = tpu.memref_slice %arg3[%arg0, %mul3A_37] : memref<2x10240xf32, #tpu.memory_space<hbm>> -> memref<1x640xf32, #tpu.memory_space<hbm>>
      %dma_wait3A_48 = tpu.memref_squeeze %dma_wait3A_47 : memref<1x640xf32, #tpu.memory_space<hbm>> -> memref<640xf32, #tpu.memory_space<hbm>>
      %dma_wait3A_49 = tpu.memref_slice %arg3[%arg0, %mul3A_37] : memref<2x10240xf32, #tpu.memory_space<hbm>> -> memref<1x640xf32, #tpu.memory_space<hbm>>
      %dma_wait3A_50 = tpu.memref_squeeze %dma_wait3A_49 : memref<1x640xf32, #tpu.memory_space<hbm>> -> memref<640xf32, #tpu.memory_space<hbm>>
      %dma_wait3A_51 = arith.constant 0 : i32
      %dma_wait3A_52 = tpu.memref_slice %arg5[%dma_wait3A_51] : memref<10240xf32, #tpu.memory_space<vmem>> -> memref<640xf32, #tpu.memory_space<vmem>>
      tpu.wait_dma2 semaphore(%run_scoped3A_38 : memref<!tpu.dma_semaphore, #tpu.memory_space<semaphore_mem>>) src(%dma_wait3A_52 : memref<640xf32, #tpu.memory_space<vmem>>) dst(%dma_wait3A_50 : memref<640xf32, #tpu.memory_space<hbm>>)
      tpu.yield
    }) : () -> ()
    return
  }
}

#map = affine_map<(d0, d1) -> (0, 0)>
#map1 = affine_map<(d0, d1) -> (0, 0, 0)>
module attributes {stable_mosaic.version = 14 : i64} {
  func.func @_scatter_body(%arg0: i32, %arg1: i32, %arg2: memref<10240x128xf32, #tpu.memory_space<hbm>>, %arg3: memref<10240x128xf32, #tpu.memory_space<hbm>>, %arg4: memref<2560x128xi32, #tpu.memory_space<hbm>>, %arg5: memref<2560x128xi32, #tpu.memory_space<hbm>>, %arg6: memref<2x10240x128xf32, #tpu.memory_space<hbm>>, %arg7: memref<16x128xi32, #tpu.memory_space<vmem>>, %arg8: memref<16x128xi32, #tpu.memory_space<vmem>>, %arg9: memref<128x128xf32, #tpu.memory_space<vmem>>, %arg10: memref<128x128xf32, #tpu.memory_space<vmem>>, %arg11: memref<10240x128xf32, #tpu.memory_space<vmem_shared>>, %arg12: memref<!tpu.dma_semaphore, #tpu.memory_space<semaphore_mem>>, %arg13: memref<!tpu.dma_semaphore, #tpu.memory_space<semaphore_mem>>, %arg14: memref<!tpu.dma_semaphore, #tpu.memory_space<semaphore_mem>>, %arg15: memref<!tpu.dma_semaphore, #tpu.memory_space<semaphore_mem>>) attributes {dimension_semantics = [#tpu.dimension_semantics<core_parallel>, #tpu.dimension_semantics<subcore_parallel>], iteration_bounds = array<i64: 2, 16>, scalar_prefetch = 0 : i64, scratch_operands = 9 : i64, tpu.core_type = #tpu.core_type<sc_vector_subcore>, window_params = [{transform_indices = #map}, {transform_indices = #map}, {transform_indices = #map}, {transform_indices = #map}, {transform_indices = #map1}]} {
    %mul3A = arith.constant 16 : i32
    %mul3A_0 = arith.muli %arg0, %mul3A : i32
    %add3A = arith.addi %mul3A_0, %arg1 : i32
    %mul3A_1 = arith.constant 640 : i32
    %mul3A_2 = arith.muli %arg1, %mul3A_1 : i32
    %eq3A = arith.constant 0 : i32
    %eq3A_3 = arith.cmpi eq, %arg0, %eq3A : i32
    %convert_element_type3A = arith.extui %eq3A_3 : i1 to i32
    %cond3A = arith.constant 0 : i32
    %cond3A_4 = arith.cmpi ne, %convert_element_type3A, %cond3A : i32
    scf.if %cond3A_4 {
      "tpu.region"() ({
        %run_scoped3A = tpu.sem_alloc : memref<!tpu.dma_semaphore, #tpu.memory_space<semaphore_mem>>
        %dma_start3A = arith.constant 0 : i32
        %dma_start3A_16 = tpu.memref_slice %arg11[%mul3A_2, %dma_start3A] : memref<10240x128xf32, #tpu.memory_space<vmem_shared>> -> memref<640x128xf32, #tpu.memory_space<vmem_shared>>
        %dma_start3A_17 = arith.constant 0 : i32
        %dma_start3A_18 = tpu.memref_slice %arg2[%mul3A_2, %dma_start3A_17] : memref<10240x128xf32, #tpu.memory_space<hbm>> -> memref<640x128xf32, #tpu.memory_space<hbm>>
        tpu.enqueue_dma source(%dma_start3A_18 : memref<640x128xf32, #tpu.memory_space<hbm>>) target(%dma_start3A_16 : memref<640x128xf32, #tpu.memory_space<vmem_shared>>) target_semaphore(%run_scoped3A : memref<!tpu.dma_semaphore, #tpu.memory_space<semaphore_mem>>)
        %dma_wait3A = arith.constant 0 : i32
        %dma_wait3A_19 = tpu.memref_slice %arg11[%mul3A_2, %dma_wait3A] : memref<10240x128xf32, #tpu.memory_space<vmem_shared>> -> memref<640x128xf32, #tpu.memory_space<vmem_shared>>
        %dma_wait3A_20 = arith.constant 0 : i32
        %dma_wait3A_21 = tpu.memref_slice %arg2[%mul3A_2, %dma_wait3A_20] : memref<10240x128xf32, #tpu.memory_space<hbm>> -> memref<640x128xf32, #tpu.memory_space<hbm>>
        tpu.wait_dma2 semaphore(%run_scoped3A : memref<!tpu.dma_semaphore, #tpu.memory_space<semaphore_mem>>) src(%dma_wait3A_21 : memref<640x128xf32, #tpu.memory_space<hbm>>) dst(%dma_wait3A_19 : memref<640x128xf32, #tpu.memory_space<vmem_shared>>)
        tpu.yield
      }) : () -> ()
    } else {
    }
    %eq3A_5 = arith.constant 1 : i32
    %eq3A_6 = arith.cmpi eq, %arg0, %eq3A_5 : i32
    %convert_element_type3A_7 = arith.extui %eq3A_6 : i1 to i32
    %cond3A_8 = arith.constant 0 : i32
    %cond3A_9 = arith.cmpi ne, %convert_element_type3A_7, %cond3A_8 : i32
    scf.if %cond3A_9 {
      "tpu.region"() ({
        %run_scoped3A = tpu.sem_alloc : memref<!tpu.dma_semaphore, #tpu.memory_space<semaphore_mem>>
        %dma_start3A = arith.constant 0 : i32
        %dma_start3A_16 = tpu.memref_slice %arg11[%mul3A_2, %dma_start3A] : memref<10240x128xf32, #tpu.memory_space<vmem_shared>> -> memref<640x128xf32, #tpu.memory_space<vmem_shared>>
        %dma_start3A_17 = arith.constant 0 : i32
        %dma_start3A_18 = tpu.memref_slice %arg3[%mul3A_2, %dma_start3A_17] : memref<10240x128xf32, #tpu.memory_space<hbm>> -> memref<640x128xf32, #tpu.memory_space<hbm>>
        tpu.enqueue_dma source(%dma_start3A_18 : memref<640x128xf32, #tpu.memory_space<hbm>>) target(%dma_start3A_16 : memref<640x128xf32, #tpu.memory_space<vmem_shared>>) target_semaphore(%run_scoped3A : memref<!tpu.dma_semaphore, #tpu.memory_space<semaphore_mem>>)
        %dma_wait3A = arith.constant 0 : i32
        %dma_wait3A_19 = tpu.memref_slice %arg11[%mul3A_2, %dma_wait3A] : memref<10240x128xf32, #tpu.memory_space<vmem_shared>> -> memref<640x128xf32, #tpu.memory_space<vmem_shared>>
        %dma_wait3A_20 = arith.constant 0 : i32
        %dma_wait3A_21 = tpu.memref_slice %arg3[%mul3A_2, %dma_wait3A_20] : memref<10240x128xf32, #tpu.memory_space<hbm>> -> memref<640x128xf32, #tpu.memory_space<hbm>>
        tpu.wait_dma2 semaphore(%run_scoped3A : memref<!tpu.dma_semaphore, #tpu.memory_space<semaphore_mem>>) src(%dma_wait3A_21 : memref<640x128xf32, #tpu.memory_space<hbm>>) dst(%dma_wait3A_19 : memref<640x128xf32, #tpu.memory_space<vmem_shared>>)
        tpu.yield
      }) : () -> ()
    } else {
    }
    %barrier3A = arith.constant 0 : index
    tpu.barrier barrier_id(%barrier3A)
    %scan3A = arith.constant 0 : i32
    %scan3A_10 = arith.constant 0 : i32
    %scan3A_11 = arith.constant 5 : i32
    %scan3A_12 = arith.addi %scan3A_10, %scan3A_11 : i32
    %scan3A_13 = arith.constant 1 : i32
    scf.for %scan3A_16 = %scan3A_10 to %scan3A_12 step %scan3A_13  : i32 {
      %mul3A_17 = arith.constant 80 : i32
      %mul3A_18 = arith.muli %add3A, %mul3A_17 : i32
      %mul3A_19 = arith.constant 16 : i32
      %mul3A_20 = arith.muli %scan3A_16, %mul3A_19 : i32
      %add3A_21 = arith.addi %mul3A_18, %mul3A_20 : i32
      "tpu.region"() ({
        %run_scoped3A = tpu.sem_alloc : memref<!tpu.dma_semaphore, #tpu.memory_space<semaphore_mem>>
        %dma_start3A_54 = arith.constant 0 : i32
        %dma_start3A_55 = tpu.memref_slice %arg4[%add3A_21, %dma_start3A_54] : memref<2560x128xi32, #tpu.memory_space<hbm>> -> memref<16x128xi32, #tpu.memory_space<hbm>>
        %dma_start3A_56 = arith.constant 0 : i32
        %dma_start3A_57 = tpu.memref_slice %arg4[%add3A_21, %dma_start3A_56] : memref<2560x128xi32, #tpu.memory_space<hbm>> -> memref<16x128xi32, #tpu.memory_space<hbm>>
        tpu.enqueue_dma source(%dma_start3A_57 : memref<16x128xi32, #tpu.memory_space<hbm>>) target(%arg7 : memref<16x128xi32, #tpu.memory_space<vmem>>) target_semaphore(%run_scoped3A : memref<!tpu.dma_semaphore, #tpu.memory_space<semaphore_mem>>)
        %dma_wait3A_58 = arith.constant 0 : i32
        %dma_wait3A_59 = tpu.memref_slice %arg4[%add3A_21, %dma_wait3A_58] : memref<2560x128xi32, #tpu.memory_space<hbm>> -> memref<16x128xi32, #tpu.memory_space<hbm>>
        %dma_wait3A_60 = arith.constant 0 : i32
        %dma_wait3A_61 = tpu.memref_slice %arg4[%add3A_21, %dma_wait3A_60] : memref<2560x128xi32, #tpu.memory_space<hbm>> -> memref<16x128xi32, #tpu.memory_space<hbm>>
        tpu.wait_dma2 semaphore(%run_scoped3A : memref<!tpu.dma_semaphore, #tpu.memory_space<semaphore_mem>>) src(%dma_wait3A_61 : memref<16x128xi32, #tpu.memory_space<hbm>>) dst(%arg7 : memref<16x128xi32, #tpu.memory_space<vmem>>)
        tpu.yield
      }) : () -> ()
      "tpu.region"() ({
        %run_scoped3A = tpu.sem_alloc : memref<!tpu.dma_semaphore, #tpu.memory_space<semaphore_mem>>
        %dma_start3A_54 = arith.constant 0 : i32
        %dma_start3A_55 = tpu.memref_slice %arg5[%add3A_21, %dma_start3A_54] : memref<2560x128xi32, #tpu.memory_space<hbm>> -> memref<16x128xi32, #tpu.memory_space<hbm>>
        %dma_start3A_56 = arith.constant 0 : i32
        %dma_start3A_57 = tpu.memref_slice %arg5[%add3A_21, %dma_start3A_56] : memref<2560x128xi32, #tpu.memory_space<hbm>> -> memref<16x128xi32, #tpu.memory_space<hbm>>
        tpu.enqueue_dma source(%dma_start3A_57 : memref<16x128xi32, #tpu.memory_space<hbm>>) target(%arg8 : memref<16x128xi32, #tpu.memory_space<vmem>>) target_semaphore(%run_scoped3A : memref<!tpu.dma_semaphore, #tpu.memory_space<semaphore_mem>>)
        %dma_wait3A_58 = arith.constant 0 : i32
        %dma_wait3A_59 = tpu.memref_slice %arg5[%add3A_21, %dma_wait3A_58] : memref<2560x128xi32, #tpu.memory_space<hbm>> -> memref<16x128xi32, #tpu.memory_space<hbm>>
        %dma_wait3A_60 = arith.constant 0 : i32
        %dma_wait3A_61 = tpu.memref_slice %arg5[%add3A_21, %dma_wait3A_60] : memref<2560x128xi32, #tpu.memory_space<hbm>> -> memref<16x128xi32, #tpu.memory_space<hbm>>
        tpu.wait_dma2 semaphore(%run_scoped3A : memref<!tpu.dma_semaphore, #tpu.memory_space<semaphore_mem>>) src(%dma_wait3A_61 : memref<16x128xi32, #tpu.memory_space<hbm>>) dst(%arg8 : memref<16x128xi32, #tpu.memory_space<vmem>>)
        tpu.yield
      }) : () -> ()
      %dma_start3A = arith.constant 0 : i32
      %dma_start3A_22 = arith.constant 0 : i32
      %dma_start3A_23 = tpu.memref_slice %arg7[%dma_start3A, %dma_start3A_22] : memref<16x128xi32, #tpu.memory_space<vmem>> -> memref<1x128xi32, #tpu.memory_space<vmem>>
      %dma_start3A_24 = tpu.memref_squeeze %dma_start3A_23 : memref<1x128xi32, #tpu.memory_space<vmem>> -> memref<128xi32, #tpu.memory_space<vmem>>
      %dma_start3A_25 = arith.constant 0 : i32
      %dma_start3A_26 = arith.constant 0 : i32
      %dma_start3A_27 = tpu.memref_slice %arg2[%dma_start3A_25, %dma_start3A_26] : memref<10240x128xf32, #tpu.memory_space<hbm>> -> memref<10240x128xf32, #tpu.memory_space<hbm>>
      tpu.enqueue_indirect_dma source(%dma_start3A_27 : memref<10240x128xf32, #tpu.memory_space<hbm>>) target(%arg9 : memref<128x128xf32, #tpu.memory_space<vmem>>) offsets(%dma_start3A_24 : memref<128xi32, #tpu.memory_space<vmem>>) semaphore(%arg12 : memref<!tpu.dma_semaphore, #tpu.memory_space<semaphore_mem>>)
      %dma_start3A_28 = arith.constant 1 : i32
      %dma_start3A_29 = arith.constant 0 : i32
      %dma_start3A_30 = tpu.memref_slice %arg7[%dma_start3A_28, %dma_start3A_29] : memref<16x128xi32, #tpu.memory_space<vmem>> -> memref<1x128xi32, #tpu.memory_space<vmem>>
      %dma_start3A_31 = tpu.memref_squeeze %dma_start3A_30 : memref<1x128xi32, #tpu.memory_space<vmem>> -> memref<128xi32, #tpu.memory_space<vmem>>
      %dma_start3A_32 = arith.constant 0 : i32
      %dma_start3A_33 = arith.constant 0 : i32
      %dma_start3A_34 = tpu.memref_slice %arg2[%dma_start3A_32, %dma_start3A_33] : memref<10240x128xf32, #tpu.memory_space<hbm>> -> memref<10240x128xf32, #tpu.memory_space<hbm>>
      tpu.enqueue_indirect_dma source(%dma_start3A_34 : memref<10240x128xf32, #tpu.memory_space<hbm>>) target(%arg10 : memref<128x128xf32, #tpu.memory_space<vmem>>) offsets(%dma_start3A_31 : memref<128xi32, #tpu.memory_space<vmem>>) semaphore(%arg13 : memref<!tpu.dma_semaphore, #tpu.memory_space<semaphore_mem>>)
      %scan3A_35 = arith.constant 0 : i32
      %scan3A_36 = arith.constant 0 : i32
      %scan3A_37 = arith.constant 8 : i32
      %scan3A_38 = arith.addi %scan3A_36, %scan3A_37 : i32
      %scan3A_39 = arith.constant 1 : i32
      scf.for %scan3A_54 = %scan3A_36 to %scan3A_38 step %scan3A_39  : i32 {
        %mul3A_55 = arith.constant 2 : i32
        %mul3A_56 = arith.muli %mul3A_55, %scan3A_54 : i32
        %add3A_57 = arith.constant 0 : i32
        %add3A_58 = arith.addi %mul3A_56, %add3A_57 : i32
        %dma_wait3A_59 = arith.constant 0 : i32
        %dma_wait3A_60 = tpu.memref_slice %arg7[%add3A_58, %dma_wait3A_59] : memref<16x128xi32, #tpu.memory_space<vmem>> -> memref<1x128xi32, #tpu.memory_space<vmem>>
        %dma_wait3A_61 = tpu.memref_squeeze %dma_wait3A_60 : memref<1x128xi32, #tpu.memory_space<vmem>> -> memref<128xi32, #tpu.memory_space<vmem>>
        %dma_wait3A_62 = arith.constant 0 : i32
        %dma_wait3A_63 = arith.constant 0 : i32
        %dma_wait3A_64 = tpu.memref_slice %arg2[%dma_wait3A_62, %dma_wait3A_63] : memref<10240x128xf32, #tpu.memory_space<hbm>> -> memref<10240x128xf32, #tpu.memory_space<hbm>>
        tpu.wait_indirect_dma semaphore(%arg12 : memref<!tpu.dma_semaphore, #tpu.memory_space<semaphore_mem>>) src(%dma_wait3A_64 : memref<10240x128xf32, #tpu.memory_space<hbm>>) dst(%arg9 : memref<128x128xf32, #tpu.memory_space<vmem>>)
        %add3A_65 = arith.constant 0 : i32
        %add3A_66 = arith.addi %mul3A_56, %add3A_65 : i32
        %dma_start3A_67 = arith.constant 0 : i32
        %dma_start3A_68 = tpu.memref_slice %arg8[%add3A_66, %dma_start3A_67] : memref<16x128xi32, #tpu.memory_space<vmem>> -> memref<1x128xi32, #tpu.memory_space<vmem>>
        %dma_start3A_69 = tpu.memref_squeeze %dma_start3A_68 : memref<1x128xi32, #tpu.memory_space<vmem>> -> memref<128xi32, #tpu.memory_space<vmem>>
        %dma_start3A_70 = arith.constant 0 : i32
        %dma_start3A_71 = arith.constant 0 : i32
        %dma_start3A_72 = tpu.memref_slice %arg11[%dma_start3A_70, %dma_start3A_71] : memref<10240x128xf32, #tpu.memory_space<vmem_shared>> -> memref<10240x128xf32, #tpu.memory_space<vmem_shared>>
        tpu.enqueue_indirect_dma source(%arg9 : memref<128x128xf32, #tpu.memory_space<vmem>>) target(%dma_start3A_72 : memref<10240x128xf32, #tpu.memory_space<vmem_shared>>) offsets(%dma_start3A_69 : memref<128xi32, #tpu.memory_space<vmem>>) semaphore(%arg14 : memref<!tpu.dma_semaphore, #tpu.memory_space<semaphore_mem>>) {add = true}
        %add3A_73 = arith.constant 1 : i32
        %add3A_74 = arith.addi %mul3A_56, %add3A_73 : i32
        %dma_wait3A_75 = arith.constant 0 : i32
        %dma_wait3A_76 = tpu.memref_slice %arg7[%add3A_74, %dma_wait3A_75] : memref<16x128xi32, #tpu.memory_space<vmem>> -> memref<1x128xi32, #tpu.memory_space<vmem>>
        %dma_wait3A_77 = tpu.memref_squeeze %dma_wait3A_76 : memref<1x128xi32, #tpu.memory_space<vmem>> -> memref<128xi32, #tpu.memory_space<vmem>>
        %dma_wait3A_78 = arith.constant 0 : i32
        %dma_wait3A_79 = arith.constant 0 : i32
        %dma_wait3A_80 = tpu.memref_slice %arg2[%dma_wait3A_78, %dma_wait3A_79] : memref<10240x128xf32, #tpu.memory_space<hbm>> -> memref<10240x128xf32, #tpu.memory_space<hbm>>
        tpu.wait_indirect_dma semaphore(%arg13 : memref<!tpu.dma_semaphore, #tpu.memory_space<semaphore_mem>>) src(%dma_wait3A_80 : memref<10240x128xf32, #tpu.memory_space<hbm>>) dst(%arg10 : memref<128x128xf32, #tpu.memory_space<vmem>>)
        %add3A_81 = arith.constant 1 : i32
        %add3A_82 = arith.addi %mul3A_56, %add3A_81 : i32
        %dma_start3A_83 = arith.constant 0 : i32
        %dma_start3A_84 = tpu.memref_slice %arg8[%add3A_82, %dma_start3A_83] : memref<16x128xi32, #tpu.memory_space<vmem>> -> memref<1x128xi32, #tpu.memory_space<vmem>>
        %dma_start3A_85 = tpu.memref_squeeze %dma_start3A_84 : memref<1x128xi32, #tpu.memory_space<vmem>> -> memref<128xi32, #tpu.memory_space<vmem>>
        %dma_start3A_86 = arith.constant 0 : i32
        %dma_start3A_87 = arith.constant 0 : i32
        %dma_start3A_88 = tpu.memref_slice %arg11[%dma_start3A_86, %dma_start3A_87] : memref<10240x128xf32, #tpu.memory_space<vmem_shared>> -> memref<10240x128xf32, #tpu.memory_space<vmem_shared>>
        tpu.enqueue_indirect_dma source(%arg10 : memref<128x128xf32, #tpu.memory_space<vmem>>) target(%dma_start3A_88 : memref<10240x128xf32, #tpu.memory_space<vmem_shared>>) offsets(%dma_start3A_85 : memref<128xi32, #tpu.memory_space<vmem>>) semaphore(%arg15 : memref<!tpu.dma_semaphore, #tpu.memory_space<semaphore_mem>>) {add = true}
        %add3A_89 = arith.constant 0 : i32
        %add3A_90 = arith.addi %mul3A_56, %add3A_89 : i32
        %add3A_91 = arith.constant 2 : i32
        %add3A_92 = arith.addi %add3A_90, %add3A_91 : i32
        %lt3A = arith.constant 16 : i32
        %lt3A_93 = arith.cmpi slt, %add3A_92, %lt3A : i32
        %convert_element_type3A_94 = arith.extui %lt3A_93 : i1 to i32
        %cond3A_95 = arith.constant 0 : i32
        %cond3A_96 = arith.cmpi ne, %convert_element_type3A_94, %cond3A_95 : i32
        scf.if %cond3A_96 {
          %add3A_106 = arith.constant 0 : i32
          %add3A_107 = arith.addi %mul3A_56, %add3A_106 : i32
          %dma_wait3A_108 = arith.constant 0 : i32
          %dma_wait3A_109 = tpu.memref_slice %arg8[%add3A_107, %dma_wait3A_108] : memref<16x128xi32, #tpu.memory_space<vmem>> -> memref<1x128xi32, #tpu.memory_space<vmem>>
          %dma_wait3A_110 = tpu.memref_squeeze %dma_wait3A_109 : memref<1x128xi32, #tpu.memory_space<vmem>> -> memref<128xi32, #tpu.memory_space<vmem>>
          %dma_wait3A_111 = arith.constant 0 : i32
          %dma_wait3A_112 = arith.constant 0 : i32
          %dma_wait3A_113 = tpu.memref_slice %arg11[%dma_wait3A_111, %dma_wait3A_112] : memref<10240x128xf32, #tpu.memory_space<vmem_shared>> -> memref<10240x128xf32, #tpu.memory_space<vmem_shared>>
          tpu.wait_indirect_dma semaphore(%arg14 : memref<!tpu.dma_semaphore, #tpu.memory_space<semaphore_mem>>) src(%arg9 : memref<128x128xf32, #tpu.memory_space<vmem>>) dst(%dma_wait3A_113 : memref<10240x128xf32, #tpu.memory_space<vmem_shared>>)
          %add3A_114 = arith.constant 0 : i32
          %add3A_115 = arith.addi %mul3A_56, %add3A_114 : i32
          %add3A_116 = arith.constant 2 : i32
          %add3A_117 = arith.addi %add3A_115, %add3A_116 : i32
          %dma_start3A_118 = arith.constant 0 : i32
          %dma_start3A_119 = tpu.memref_slice %arg7[%add3A_117, %dma_start3A_118] : memref<16x128xi32, #tpu.memory_space<vmem>> -> memref<1x128xi32, #tpu.memory_space<vmem>>
          %dma_start3A_120 = tpu.memref_squeeze %dma_start3A_119 : memref<1x128xi32, #tpu.memory_space<vmem>> -> memref<128xi32, #tpu.memory_space<vmem>>
          %dma_start3A_121 = arith.constant 0 : i32
          %dma_start3A_122 = arith.constant 0 : i32
          %dma_start3A_123 = tpu.memref_slice %arg2[%dma_start3A_121, %dma_start3A_122] : memref<10240x128xf32, #tpu.memory_space<hbm>> -> memref<10240x128xf32, #tpu.memory_space<hbm>>
          tpu.enqueue_indirect_dma source(%dma_start3A_123 : memref<10240x128xf32, #tpu.memory_space<hbm>>) target(%arg9 : memref<128x128xf32, #tpu.memory_space<vmem>>) offsets(%dma_start3A_120 : memref<128xi32, #tpu.memory_space<vmem>>) semaphore(%arg12 : memref<!tpu.dma_semaphore, #tpu.memory_space<semaphore_mem>>)
        } else {
        }
        %add3A_97 = arith.constant 1 : i32
        %add3A_98 = arith.addi %mul3A_56, %add3A_97 : i32
        %add3A_99 = arith.constant 2 : i32
        %add3A_100 = arith.addi %add3A_98, %add3A_99 : i32
        %lt3A_101 = arith.constant 16 : i32
        %lt3A_102 = arith.cmpi slt, %add3A_100, %lt3A_101 : i32
        %convert_element_type3A_103 = arith.extui %lt3A_102 : i1 to i32
        %cond3A_104 = arith.constant 0 : i32
        %cond3A_105 = arith.cmpi ne, %convert_element_type3A_103, %cond3A_104 : i32
        scf.if %cond3A_105 {
          %add3A_106 = arith.constant 1 : i32
          %add3A_107 = arith.addi %mul3A_56, %add3A_106 : i32
          %dma_wait3A_108 = arith.constant 0 : i32
          %dma_wait3A_109 = tpu.memref_slice %arg8[%add3A_107, %dma_wait3A_108] : memref<16x128xi32, #tpu.memory_space<vmem>> -> memref<1x128xi32, #tpu.memory_space<vmem>>
          %dma_wait3A_110 = tpu.memref_squeeze %dma_wait3A_109 : memref<1x128xi32, #tpu.memory_space<vmem>> -> memref<128xi32, #tpu.memory_space<vmem>>
          %dma_wait3A_111 = arith.constant 0 : i32
          %dma_wait3A_112 = arith.constant 0 : i32
          %dma_wait3A_113 = tpu.memref_slice %arg11[%dma_wait3A_111, %dma_wait3A_112] : memref<10240x128xf32, #tpu.memory_space<vmem_shared>> -> memref<10240x128xf32, #tpu.memory_space<vmem_shared>>
          tpu.wait_indirect_dma semaphore(%arg15 : memref<!tpu.dma_semaphore, #tpu.memory_space<semaphore_mem>>) src(%arg10 : memref<128x128xf32, #tpu.memory_space<vmem>>) dst(%dma_wait3A_113 : memref<10240x128xf32, #tpu.memory_space<vmem_shared>>)
          %add3A_114 = arith.constant 1 : i32
          %add3A_115 = arith.addi %mul3A_56, %add3A_114 : i32
          %add3A_116 = arith.constant 2 : i32
          %add3A_117 = arith.addi %add3A_115, %add3A_116 : i32
          %dma_start3A_118 = arith.constant 0 : i32
          %dma_start3A_119 = tpu.memref_slice %arg7[%add3A_117, %dma_start3A_118] : memref<16x128xi32, #tpu.memory_space<vmem>> -> memref<1x128xi32, #tpu.memory_space<vmem>>
          %dma_start3A_120 = tpu.memref_squeeze %dma_start3A_119 : memref<1x128xi32, #tpu.memory_space<vmem>> -> memref<128xi32, #tpu.memory_space<vmem>>
          %dma_start3A_121 = arith.constant 0 : i32
          %dma_start3A_122 = arith.constant 0 : i32
          %dma_start3A_123 = tpu.memref_slice %arg2[%dma_start3A_121, %dma_start3A_122] : memref<10240x128xf32, #tpu.memory_space<hbm>> -> memref<10240x128xf32, #tpu.memory_space<hbm>>
          tpu.enqueue_indirect_dma source(%dma_start3A_123 : memref<10240x128xf32, #tpu.memory_space<hbm>>) target(%arg10 : memref<128x128xf32, #tpu.memory_space<vmem>>) offsets(%dma_start3A_120 : memref<128xi32, #tpu.memory_space<vmem>>) semaphore(%arg13 : memref<!tpu.dma_semaphore, #tpu.memory_space<semaphore_mem>>)
        } else {
        }
      }
      %scan3A_40 = arith.constant 8 : i32
      %dma_wait3A = arith.constant 14 : i32
      %dma_wait3A_41 = arith.constant 0 : i32
      %dma_wait3A_42 = tpu.memref_slice %arg8[%dma_wait3A, %dma_wait3A_41] : memref<16x128xi32, #tpu.memory_space<vmem>> -> memref<1x128xi32, #tpu.memory_space<vmem>>
      %dma_wait3A_43 = tpu.memref_squeeze %dma_wait3A_42 : memref<1x128xi32, #tpu.memory_space<vmem>> -> memref<128xi32, #tpu.memory_space<vmem>>
      %dma_wait3A_44 = arith.constant 0 : i32
      %dma_wait3A_45 = arith.constant 0 : i32
      %dma_wait3A_46 = tpu.memref_slice %arg11[%dma_wait3A_44, %dma_wait3A_45] : memref<10240x128xf32, #tpu.memory_space<vmem_shared>> -> memref<10240x128xf32, #tpu.memory_space<vmem_shared>>
      tpu.wait_indirect_dma semaphore(%arg14 : memref<!tpu.dma_semaphore, #tpu.memory_space<semaphore_mem>>) src(%arg9 : memref<128x128xf32, #tpu.memory_space<vmem>>) dst(%dma_wait3A_46 : memref<10240x128xf32, #tpu.memory_space<vmem_shared>>)
      %dma_wait3A_47 = arith.constant 15 : i32
      %dma_wait3A_48 = arith.constant 0 : i32
      %dma_wait3A_49 = tpu.memref_slice %arg8[%dma_wait3A_47, %dma_wait3A_48] : memref<16x128xi32, #tpu.memory_space<vmem>> -> memref<1x128xi32, #tpu.memory_space<vmem>>
      %dma_wait3A_50 = tpu.memref_squeeze %dma_wait3A_49 : memref<1x128xi32, #tpu.memory_space<vmem>> -> memref<128xi32, #tpu.memory_space<vmem>>
      %dma_wait3A_51 = arith.constant 0 : i32
      %dma_wait3A_52 = arith.constant 0 : i32
      %dma_wait3A_53 = tpu.memref_slice %arg11[%dma_wait3A_51, %dma_wait3A_52] : memref<10240x128xf32, #tpu.memory_space<vmem_shared>> -> memref<10240x128xf32, #tpu.memory_space<vmem_shared>>
      tpu.wait_indirect_dma semaphore(%arg15 : memref<!tpu.dma_semaphore, #tpu.memory_space<semaphore_mem>>) src(%arg10 : memref<128x128xf32, #tpu.memory_space<vmem>>) dst(%dma_wait3A_53 : memref<10240x128xf32, #tpu.memory_space<vmem_shared>>)
    }
    %scan3A_14 = arith.constant 5 : i32
    %barrier3A_15 = arith.constant 0 : index
    tpu.barrier barrier_id(%barrier3A_15)
    "tpu.region"() ({
      %run_scoped3A = tpu.sem_alloc : memref<!tpu.dma_semaphore, #tpu.memory_space<semaphore_mem>>
      %dma_start3A = arith.constant 0 : i32
      %dma_start3A_16 = tpu.memref_slice %arg6[%arg0, %mul3A_2, %dma_start3A] : memref<2x10240x128xf32, #tpu.memory_space<hbm>> -> memref<1x640x128xf32, #tpu.memory_space<hbm>>
      %dma_start3A_17 = tpu.memref_squeeze %dma_start3A_16 : memref<1x640x128xf32, #tpu.memory_space<hbm>> -> memref<640x128xf32, #tpu.memory_space<hbm>>
      %dma_start3A_18 = arith.constant 0 : i32
      %dma_start3A_19 = tpu.memref_slice %arg11[%mul3A_2, %dma_start3A_18] : memref<10240x128xf32, #tpu.memory_space<vmem_shared>> -> memref<640x128xf32, #tpu.memory_space<vmem_shared>>
      tpu.enqueue_dma source(%dma_start3A_19 : memref<640x128xf32, #tpu.memory_space<vmem_shared>>) target(%dma_start3A_17 : memref<640x128xf32, #tpu.memory_space<hbm>>) target_semaphore(%run_scoped3A : memref<!tpu.dma_semaphore, #tpu.memory_space<semaphore_mem>>)
      %dma_wait3A = arith.constant 0 : i32
      %dma_wait3A_20 = tpu.memref_slice %arg6[%arg0, %mul3A_2, %dma_wait3A] : memref<2x10240x128xf32, #tpu.memory_space<hbm>> -> memref<1x640x128xf32, #tpu.memory_space<hbm>>
      %dma_wait3A_21 = tpu.memref_squeeze %dma_wait3A_20 : memref<1x640x128xf32, #tpu.memory_space<hbm>> -> memref<640x128xf32, #tpu.memory_space<hbm>>
      %dma_wait3A_22 = arith.constant 0 : i32
      %dma_wait3A_23 = tpu.memref_slice %arg11[%mul3A_2, %dma_wait3A_22] : memref<10240x128xf32, #tpu.memory_space<vmem_shared>> -> memref<640x128xf32, #tpu.memory_space<vmem_shared>>
      tpu.wait_dma2 semaphore(%run_scoped3A : memref<!tpu.dma_semaphore, #tpu.memory_space<semaphore_mem>>) src(%dma_wait3A_23 : memref<640x128xf32, #tpu.memory_space<vmem_shared>>) dst(%dma_wait3A_21 : memref<640x128xf32, #tpu.memory_space<hbm>>)
      tpu.yield
    }) : () -> ()
    return
  }
}

#map = affine_map<(d0, d1) -> (0, 0)>
#map1 = affine_map<(d0, d1) -> (0, 0, 0)>
module attributes {stable_mosaic.version = 14 : i64} {
  func.func @_scatter_body(%arg0: i32, %arg1: i32, %arg2: memref<10240x128xf32, #tpu.memory_space<hbm>>, %arg3: memref<10240x128xf32, #tpu.memory_space<hbm>>, %arg4: memref<2560x128xi32, #tpu.memory_space<hbm>>, %arg5: memref<2560x128xi32, #tpu.memory_space<hbm>>, %arg6: memref<2x10240x128xf32, #tpu.memory_space<hbm>>, %arg7: memref<16x128xi32, #tpu.memory_space<vmem>>, %arg8: memref<16x128xi32, #tpu.memory_space<vmem>>, %arg9: memref<128x128xf32, #tpu.memory_space<vmem>>, %arg10: memref<128x128xf32, #tpu.memory_space<vmem>>, %arg11: memref<10240x128xf32, #tpu.memory_space<vmem_shared>>, %arg12: memref<!tpu.dma_semaphore, #tpu.memory_space<semaphore_mem>>, %arg13: memref<!tpu.dma_semaphore, #tpu.memory_space<semaphore_mem>>, %arg14: memref<!tpu.dma_semaphore, #tpu.memory_space<semaphore_mem>>, %arg15: memref<!tpu.dma_semaphore, #tpu.memory_space<semaphore_mem>>) attributes {dimension_semantics = [#tpu.dimension_semantics<core_parallel>, #tpu.dimension_semantics<subcore_parallel>], iteration_bounds = array<i64: 2, 16>, scalar_prefetch = 0 : i64, scratch_operands = 9 : i64, tpu.core_type = #tpu.core_type<sc_vector_subcore>, window_params = [{transform_indices = #map}, {transform_indices = #map}, {transform_indices = #map}, {transform_indices = #map}, {transform_indices = #map1}]} {
    %mul3A = arith.constant 16 : i32
    %mul3A_0 = arith.muli %arg0, %mul3A : i32
    %add3A = arith.addi %mul3A_0, %arg1 : i32
    %mul3A_1 = arith.constant 640 : i32
    %mul3A_2 = arith.muli %arg1, %mul3A_1 : i32
    %eq3A = arith.constant 0 : i32
    %eq3A_3 = arith.cmpi eq, %arg0, %eq3A : i32
    %convert_element_type3A = arith.extui %eq3A_3 : i1 to i32
    %cond3A = arith.constant 0 : i32
    %cond3A_4 = arith.cmpi ne, %convert_element_type3A, %cond3A : i32
    scf.if %cond3A_4 {
      "tpu.region"() ({
        %run_scoped3A = tpu.sem_alloc : memref<!tpu.dma_semaphore, #tpu.memory_space<semaphore_mem>>
        %dma_start3A = arith.constant 0 : i32
        %dma_start3A_16 = tpu.memref_slice %arg11[%mul3A_2, %dma_start3A] : memref<10240x128xf32, #tpu.memory_space<vmem_shared>> -> memref<640x128xf32, #tpu.memory_space<vmem_shared>>
        %dma_start3A_17 = arith.constant 0 : i32
        %dma_start3A_18 = tpu.memref_slice %arg2[%mul3A_2, %dma_start3A_17] : memref<10240x128xf32, #tpu.memory_space<hbm>> -> memref<640x128xf32, #tpu.memory_space<hbm>>
        tpu.enqueue_dma source(%dma_start3A_18 : memref<640x128xf32, #tpu.memory_space<hbm>>) target(%dma_start3A_16 : memref<640x128xf32, #tpu.memory_space<vmem_shared>>) target_semaphore(%run_scoped3A : memref<!tpu.dma_semaphore, #tpu.memory_space<semaphore_mem>>)
        %dma_wait3A = arith.constant 0 : i32
        %dma_wait3A_19 = tpu.memref_slice %arg11[%mul3A_2, %dma_wait3A] : memref<10240x128xf32, #tpu.memory_space<vmem_shared>> -> memref<640x128xf32, #tpu.memory_space<vmem_shared>>
        %dma_wait3A_20 = arith.constant 0 : i32
        %dma_wait3A_21 = tpu.memref_slice %arg2[%mul3A_2, %dma_wait3A_20] : memref<10240x128xf32, #tpu.memory_space<hbm>> -> memref<640x128xf32, #tpu.memory_space<hbm>>
        tpu.wait_dma2 semaphore(%run_scoped3A : memref<!tpu.dma_semaphore, #tpu.memory_space<semaphore_mem>>) src(%dma_wait3A_21 : memref<640x128xf32, #tpu.memory_space<hbm>>) dst(%dma_wait3A_19 : memref<640x128xf32, #tpu.memory_space<vmem_shared>>)
        tpu.yield
      }) : () -> ()
    } else {
    }
    %eq3A_5 = arith.constant 1 : i32
    %eq3A_6 = arith.cmpi eq, %arg0, %eq3A_5 : i32
    %convert_element_type3A_7 = arith.extui %eq3A_6 : i1 to i32
    %cond3A_8 = arith.constant 0 : i32
    %cond3A_9 = arith.cmpi ne, %convert_element_type3A_7, %cond3A_8 : i32
    scf.if %cond3A_9 {
      "tpu.region"() ({
        %run_scoped3A = tpu.sem_alloc : memref<!tpu.dma_semaphore, #tpu.memory_space<semaphore_mem>>
        %dma_start3A = arith.constant 0 : i32
        %dma_start3A_16 = tpu.memref_slice %arg11[%mul3A_2, %dma_start3A] : memref<10240x128xf32, #tpu.memory_space<vmem_shared>> -> memref<640x128xf32, #tpu.memory_space<vmem_shared>>
        %dma_start3A_17 = arith.constant 0 : i32
        %dma_start3A_18 = tpu.memref_slice %arg3[%mul3A_2, %dma_start3A_17] : memref<10240x128xf32, #tpu.memory_space<hbm>> -> memref<640x128xf32, #tpu.memory_space<hbm>>
        tpu.enqueue_dma source(%dma_start3A_18 : memref<640x128xf32, #tpu.memory_space<hbm>>) target(%dma_start3A_16 : memref<640x128xf32, #tpu.memory_space<vmem_shared>>) target_semaphore(%run_scoped3A : memref<!tpu.dma_semaphore, #tpu.memory_space<semaphore_mem>>)
        %dma_wait3A = arith.constant 0 : i32
        %dma_wait3A_19 = tpu.memref_slice %arg11[%mul3A_2, %dma_wait3A] : memref<10240x128xf32, #tpu.memory_space<vmem_shared>> -> memref<640x128xf32, #tpu.memory_space<vmem_shared>>
        %dma_wait3A_20 = arith.constant 0 : i32
        %dma_wait3A_21 = tpu.memref_slice %arg3[%mul3A_2, %dma_wait3A_20] : memref<10240x128xf32, #tpu.memory_space<hbm>> -> memref<640x128xf32, #tpu.memory_space<hbm>>
        tpu.wait_dma2 semaphore(%run_scoped3A : memref<!tpu.dma_semaphore, #tpu.memory_space<semaphore_mem>>) src(%dma_wait3A_21 : memref<640x128xf32, #tpu.memory_space<hbm>>) dst(%dma_wait3A_19 : memref<640x128xf32, #tpu.memory_space<vmem_shared>>)
        tpu.yield
      }) : () -> ()
    } else {
    }
    %barrier3A = arith.constant 0 : index
    tpu.barrier barrier_id(%barrier3A)
    %scan3A = arith.constant 0 : i32
    %scan3A_10 = arith.constant 0 : i32
    %scan3A_11 = arith.constant 5 : i32
    %scan3A_12 = arith.addi %scan3A_10, %scan3A_11 : i32
    %scan3A_13 = arith.constant 1 : i32
    scf.for %scan3A_16 = %scan3A_10 to %scan3A_12 step %scan3A_13  : i32 {
      %mul3A_17 = arith.constant 80 : i32
      %mul3A_18 = arith.muli %add3A, %mul3A_17 : i32
      %mul3A_19 = arith.constant 16 : i32
      %mul3A_20 = arith.muli %scan3A_16, %mul3A_19 : i32
      %add3A_21 = arith.addi %mul3A_18, %mul3A_20 : i32
      "tpu.region"() ({
        %run_scoped3A = tpu.sem_alloc : memref<!tpu.dma_semaphore, #tpu.memory_space<semaphore_mem>>
        %dma_start3A_54 = arith.constant 0 : i32
        %dma_start3A_55 = tpu.memref_slice %arg4[%add3A_21, %dma_start3A_54] : memref<2560x128xi32, #tpu.memory_space<hbm>> -> memref<16x128xi32, #tpu.memory_space<hbm>>
        %dma_start3A_56 = arith.constant 0 : i32
        %dma_start3A_57 = tpu.memref_slice %arg4[%add3A_21, %dma_start3A_56] : memref<2560x128xi32, #tpu.memory_space<hbm>> -> memref<16x128xi32, #tpu.memory_space<hbm>>
        tpu.enqueue_dma source(%dma_start3A_57 : memref<16x128xi32, #tpu.memory_space<hbm>>) target(%arg7 : memref<16x128xi32, #tpu.memory_space<vmem>>) target_semaphore(%run_scoped3A : memref<!tpu.dma_semaphore, #tpu.memory_space<semaphore_mem>>)
        %dma_wait3A_58 = arith.constant 0 : i32
        %dma_wait3A_59 = tpu.memref_slice %arg4[%add3A_21, %dma_wait3A_58] : memref<2560x128xi32, #tpu.memory_space<hbm>> -> memref<16x128xi32, #tpu.memory_space<hbm>>
        %dma_wait3A_60 = arith.constant 0 : i32
        %dma_wait3A_61 = tpu.memref_slice %arg4[%add3A_21, %dma_wait3A_60] : memref<2560x128xi32, #tpu.memory_space<hbm>> -> memref<16x128xi32, #tpu.memory_space<hbm>>
        tpu.wait_dma2 semaphore(%run_scoped3A : memref<!tpu.dma_semaphore, #tpu.memory_space<semaphore_mem>>) src(%dma_wait3A_61 : memref<16x128xi32, #tpu.memory_space<hbm>>) dst(%arg7 : memref<16x128xi32, #tpu.memory_space<vmem>>)
        tpu.yield
      }) : () -> ()
      "tpu.region"() ({
        %run_scoped3A = tpu.sem_alloc : memref<!tpu.dma_semaphore, #tpu.memory_space<semaphore_mem>>
        %dma_start3A_54 = arith.constant 0 : i32
        %dma_start3A_55 = tpu.memref_slice %arg5[%add3A_21, %dma_start3A_54] : memref<2560x128xi32, #tpu.memory_space<hbm>> -> memref<16x128xi32, #tpu.memory_space<hbm>>
        %dma_start3A_56 = arith.constant 0 : i32
        %dma_start3A_57 = tpu.memref_slice %arg5[%add3A_21, %dma_start3A_56] : memref<2560x128xi32, #tpu.memory_space<hbm>> -> memref<16x128xi32, #tpu.memory_space<hbm>>
        tpu.enqueue_dma source(%dma_start3A_57 : memref<16x128xi32, #tpu.memory_space<hbm>>) target(%arg8 : memref<16x128xi32, #tpu.memory_space<vmem>>) target_semaphore(%run_scoped3A : memref<!tpu.dma_semaphore, #tpu.memory_space<semaphore_mem>>)
        %dma_wait3A_58 = arith.constant 0 : i32
        %dma_wait3A_59 = tpu.memref_slice %arg5[%add3A_21, %dma_wait3A_58] : memref<2560x128xi32, #tpu.memory_space<hbm>> -> memref<16x128xi32, #tpu.memory_space<hbm>>
        %dma_wait3A_60 = arith.constant 0 : i32
        %dma_wait3A_61 = tpu.memref_slice %arg5[%add3A_21, %dma_wait3A_60] : memref<2560x128xi32, #tpu.memory_space<hbm>> -> memref<16x128xi32, #tpu.memory_space<hbm>>
        tpu.wait_dma2 semaphore(%run_scoped3A : memref<!tpu.dma_semaphore, #tpu.memory_space<semaphore_mem>>) src(%dma_wait3A_61 : memref<16x128xi32, #tpu.memory_space<hbm>>) dst(%arg8 : memref<16x128xi32, #tpu.memory_space<vmem>>)
        tpu.yield
      }) : () -> ()
      %dma_start3A = arith.constant 0 : i32
      %dma_start3A_22 = arith.constant 0 : i32
      %dma_start3A_23 = tpu.memref_slice %arg7[%dma_start3A, %dma_start3A_22] : memref<16x128xi32, #tpu.memory_space<vmem>> -> memref<1x128xi32, #tpu.memory_space<vmem>>
      %dma_start3A_24 = tpu.memref_squeeze %dma_start3A_23 : memref<1x128xi32, #tpu.memory_space<vmem>> -> memref<128xi32, #tpu.memory_space<vmem>>
      %dma_start3A_25 = arith.constant 0 : i32
      %dma_start3A_26 = arith.constant 0 : i32
      %dma_start3A_27 = tpu.memref_slice %arg2[%dma_start3A_25, %dma_start3A_26] : memref<10240x128xf32, #tpu.memory_space<hbm>> -> memref<10240x128xf32, #tpu.memory_space<hbm>>
      tpu.enqueue_indirect_dma source(%dma_start3A_27 : memref<10240x128xf32, #tpu.memory_space<hbm>>) target(%arg9 : memref<128x128xf32, #tpu.memory_space<vmem>>) offsets(%dma_start3A_24 : memref<128xi32, #tpu.memory_space<vmem>>) semaphore(%arg12 : memref<!tpu.dma_semaphore, #tpu.memory_space<semaphore_mem>>)
      %dma_start3A_28 = arith.constant 1 : i32
      %dma_start3A_29 = arith.constant 0 : i32
      %dma_start3A_30 = tpu.memref_slice %arg7[%dma_start3A_28, %dma_start3A_29] : memref<16x128xi32, #tpu.memory_space<vmem>> -> memref<1x128xi32, #tpu.memory_space<vmem>>
      %dma_start3A_31 = tpu.memref_squeeze %dma_start3A_30 : memref<1x128xi32, #tpu.memory_space<vmem>> -> memref<128xi32, #tpu.memory_space<vmem>>
      %dma_start3A_32 = arith.constant 0 : i32
      %dma_start3A_33 = arith.constant 0 : i32
      %dma_start3A_34 = tpu.memref_slice %arg2[%dma_start3A_32, %dma_start3A_33] : memref<10240x128xf32, #tpu.memory_space<hbm>> -> memref<10240x128xf32, #tpu.memory_space<hbm>>
      tpu.enqueue_indirect_dma source(%dma_start3A_34 : memref<10240x128xf32, #tpu.memory_space<hbm>>) target(%arg10 : memref<128x128xf32, #tpu.memory_space<vmem>>) offsets(%dma_start3A_31 : memref<128xi32, #tpu.memory_space<vmem>>) semaphore(%arg13 : memref<!tpu.dma_semaphore, #tpu.memory_space<semaphore_mem>>)
      %scan3A_35 = arith.constant 0 : i32
      %scan3A_36 = arith.constant 0 : i32
      %scan3A_37 = arith.constant 8 : i32
      %scan3A_38 = arith.addi %scan3A_36, %scan3A_37 : i32
      %scan3A_39 = arith.constant 1 : i32
      scf.for %scan3A_54 = %scan3A_36 to %scan3A_38 step %scan3A_39  : i32 {
        %mul3A_55 = arith.constant 2 : i32
        %mul3A_56 = arith.muli %mul3A_55, %scan3A_54 : i32
        %add3A_57 = arith.constant 0 : i32
        %add3A_58 = arith.addi %mul3A_56, %add3A_57 : i32
        %dma_wait3A_59 = arith.constant 0 : i32
        %dma_wait3A_60 = tpu.memref_slice %arg7[%add3A_58, %dma_wait3A_59] : memref<16x128xi32, #tpu.memory_space<vmem>> -> memref<1x128xi32, #tpu.memory_space<vmem>>
        %dma_wait3A_61 = tpu.memref_squeeze %dma_wait3A_60 : memref<1x128xi32, #tpu.memory_space<vmem>> -> memref<128xi32, #tpu.memory_space<vmem>>
        %dma_wait3A_62 = arith.constant 0 : i32
        %dma_wait3A_63 = arith.constant 0 : i32
        %dma_wait3A_64 = tpu.memref_slice %arg2[%dma_wait3A_62, %dma_wait3A_63] : memref<10240x128xf32, #tpu.memory_space<hbm>> -> memref<10240x128xf32, #tpu.memory_space<hbm>>
        tpu.wait_indirect_dma semaphore(%arg12 : memref<!tpu.dma_semaphore, #tpu.memory_space<semaphore_mem>>) src(%dma_wait3A_64 : memref<10240x128xf32, #tpu.memory_space<hbm>>) dst(%arg9 : memref<128x128xf32, #tpu.memory_space<vmem>>)
        %add3A_65 = arith.constant 0 : i32
        %add3A_66 = arith.addi %mul3A_56, %add3A_65 : i32
        %dma_start3A_67 = arith.constant 0 : i32
        %dma_start3A_68 = tpu.memref_slice %arg8[%add3A_66, %dma_start3A_67] : memref<16x128xi32, #tpu.memory_space<vmem>> -> memref<1x128xi32, #tpu.memory_space<vmem>>
        %dma_start3A_69 = tpu.memref_squeeze %dma_start3A_68 : memref<1x128xi32, #tpu.memory_space<vmem>> -> memref<128xi32, #tpu.memory_space<vmem>>
        %dma_start3A_70 = arith.constant 0 : i32
        %dma_start3A_71 = arith.constant 0 : i32
        %dma_start3A_72 = tpu.memref_slice %arg11[%dma_start3A_70, %dma_start3A_71] : memref<10240x128xf32, #tpu.memory_space<vmem_shared>> -> memref<10240x128xf32, #tpu.memory_space<vmem_shared>>
        tpu.enqueue_indirect_dma source(%arg9 : memref<128x128xf32, #tpu.memory_space<vmem>>) target(%dma_start3A_72 : memref<10240x128xf32, #tpu.memory_space<vmem_shared>>) offsets(%dma_start3A_69 : memref<128xi32, #tpu.memory_space<vmem>>) semaphore(%arg14 : memref<!tpu.dma_semaphore, #tpu.memory_space<semaphore_mem>>) {add = true}
        %add3A_73 = arith.constant 1 : i32
        %add3A_74 = arith.addi %mul3A_56, %add3A_73 : i32
        %dma_wait3A_75 = arith.constant 0 : i32
        %dma_wait3A_76 = tpu.memref_slice %arg7[%add3A_74, %dma_wait3A_75] : memref<16x128xi32, #tpu.memory_space<vmem>> -> memref<1x128xi32, #tpu.memory_space<vmem>>
        %dma_wait3A_77 = tpu.memref_squeeze %dma_wait3A_76 : memref<1x128xi32, #tpu.memory_space<vmem>> -> memref<128xi32, #tpu.memory_space<vmem>>
        %dma_wait3A_78 = arith.constant 0 : i32
        %dma_wait3A_79 = arith.constant 0 : i32
        %dma_wait3A_80 = tpu.memref_slice %arg2[%dma_wait3A_78, %dma_wait3A_79] : memref<10240x128xf32, #tpu.memory_space<hbm>> -> memref<10240x128xf32, #tpu.memory_space<hbm>>
        tpu.wait_indirect_dma semaphore(%arg13 : memref<!tpu.dma_semaphore, #tpu.memory_space<semaphore_mem>>) src(%dma_wait3A_80 : memref<10240x128xf32, #tpu.memory_space<hbm>>) dst(%arg10 : memref<128x128xf32, #tpu.memory_space<vmem>>)
        %add3A_81 = arith.constant 1 : i32
        %add3A_82 = arith.addi %mul3A_56, %add3A_81 : i32
        %dma_start3A_83 = arith.constant 0 : i32
        %dma_start3A_84 = tpu.memref_slice %arg8[%add3A_82, %dma_start3A_83] : memref<16x128xi32, #tpu.memory_space<vmem>> -> memref<1x128xi32, #tpu.memory_space<vmem>>
        %dma_start3A_85 = tpu.memref_squeeze %dma_start3A_84 : memref<1x128xi32, #tpu.memory_space<vmem>> -> memref<128xi32, #tpu.memory_space<vmem>>
        %dma_start3A_86 = arith.constant 0 : i32
        %dma_start3A_87 = arith.constant 0 : i32
        %dma_start3A_88 = tpu.memref_slice %arg11[%dma_start3A_86, %dma_start3A_87] : memref<10240x128xf32, #tpu.memory_space<vmem_shared>> -> memref<10240x128xf32, #tpu.memory_space<vmem_shared>>
        tpu.enqueue_indirect_dma source(%arg10 : memref<128x128xf32, #tpu.memory_space<vmem>>) target(%dma_start3A_88 : memref<10240x128xf32, #tpu.memory_space<vmem_shared>>) offsets(%dma_start3A_85 : memref<128xi32, #tpu.memory_space<vmem>>) semaphore(%arg15 : memref<!tpu.dma_semaphore, #tpu.memory_space<semaphore_mem>>) {add = true}
        %add3A_89 = arith.constant 0 : i32
        %add3A_90 = arith.addi %mul3A_56, %add3A_89 : i32
        %add3A_91 = arith.constant 2 : i32
        %add3A_92 = arith.addi %add3A_90, %add3A_91 : i32
        %lt3A = arith.constant 16 : i32
        %lt3A_93 = arith.cmpi slt, %add3A_92, %lt3A : i32
        %convert_element_type3A_94 = arith.extui %lt3A_93 : i1 to i32
        %cond3A_95 = arith.constant 0 : i32
        %cond3A_96 = arith.cmpi ne, %convert_element_type3A_94, %cond3A_95 : i32
        scf.if %cond3A_96 {
          %add3A_106 = arith.constant 0 : i32
          %add3A_107 = arith.addi %mul3A_56, %add3A_106 : i32
          %dma_wait3A_108 = arith.constant 0 : i32
          %dma_wait3A_109 = tpu.memref_slice %arg8[%add3A_107, %dma_wait3A_108] : memref<16x128xi32, #tpu.memory_space<vmem>> -> memref<1x128xi32, #tpu.memory_space<vmem>>
          %dma_wait3A_110 = tpu.memref_squeeze %dma_wait3A_109 : memref<1x128xi32, #tpu.memory_space<vmem>> -> memref<128xi32, #tpu.memory_space<vmem>>
          %dma_wait3A_111 = arith.constant 0 : i32
          %dma_wait3A_112 = arith.constant 0 : i32
          %dma_wait3A_113 = tpu.memref_slice %arg11[%dma_wait3A_111, %dma_wait3A_112] : memref<10240x128xf32, #tpu.memory_space<vmem_shared>> -> memref<10240x128xf32, #tpu.memory_space<vmem_shared>>
          tpu.wait_indirect_dma semaphore(%arg14 : memref<!tpu.dma_semaphore, #tpu.memory_space<semaphore_mem>>) src(%arg9 : memref<128x128xf32, #tpu.memory_space<vmem>>) dst(%dma_wait3A_113 : memref<10240x128xf32, #tpu.memory_space<vmem_shared>>)
          %add3A_114 = arith.constant 0 : i32
          %add3A_115 = arith.addi %mul3A_56, %add3A_114 : i32
          %add3A_116 = arith.constant 2 : i32
          %add3A_117 = arith.addi %add3A_115, %add3A_116 : i32
          %dma_start3A_118 = arith.constant 0 : i32
          %dma_start3A_119 = tpu.memref_slice %arg7[%add3A_117, %dma_start3A_118] : memref<16x128xi32, #tpu.memory_space<vmem>> -> memref<1x128xi32, #tpu.memory_space<vmem>>
          %dma_start3A_120 = tpu.memref_squeeze %dma_start3A_119 : memref<1x128xi32, #tpu.memory_space<vmem>> -> memref<128xi32, #tpu.memory_space<vmem>>
          %dma_start3A_121 = arith.constant 0 : i32
          %dma_start3A_122 = arith.constant 0 : i32
          %dma_start3A_123 = tpu.memref_slice %arg2[%dma_start3A_121, %dma_start3A_122] : memref<10240x128xf32, #tpu.memory_space<hbm>> -> memref<10240x128xf32, #tpu.memory_space<hbm>>
          tpu.enqueue_indirect_dma source(%dma_start3A_123 : memref<10240x128xf32, #tpu.memory_space<hbm>>) target(%arg9 : memref<128x128xf32, #tpu.memory_space<vmem>>) offsets(%dma_start3A_120 : memref<128xi32, #tpu.memory_space<vmem>>) semaphore(%arg12 : memref<!tpu.dma_semaphore, #tpu.memory_space<semaphore_mem>>)
        } else {
        }
        %add3A_97 = arith.constant 1 : i32
        %add3A_98 = arith.addi %mul3A_56, %add3A_97 : i32
        %add3A_99 = arith.constant 2 : i32
        %add3A_100 = arith.addi %add3A_98, %add3A_99 : i32
        %lt3A_101 = arith.constant 16 : i32
        %lt3A_102 = arith.cmpi slt, %add3A_100, %lt3A_101 : i32
        %convert_element_type3A_103 = arith.extui %lt3A_102 : i1 to i32
        %cond3A_104 = arith.constant 0 : i32
        %cond3A_105 = arith.cmpi ne, %convert_element_type3A_103, %cond3A_104 : i32
        scf.if %cond3A_105 {
          %add3A_106 = arith.constant 1 : i32
          %add3A_107 = arith.addi %mul3A_56, %add3A_106 : i32
          %dma_wait3A_108 = arith.constant 0 : i32
          %dma_wait3A_109 = tpu.memref_slice %arg8[%add3A_107, %dma_wait3A_108] : memref<16x128xi32, #tpu.memory_space<vmem>> -> memref<1x128xi32, #tpu.memory_space<vmem>>
          %dma_wait3A_110 = tpu.memref_squeeze %dma_wait3A_109 : memref<1x128xi32, #tpu.memory_space<vmem>> -> memref<128xi32, #tpu.memory_space<vmem>>
          %dma_wait3A_111 = arith.constant 0 : i32
          %dma_wait3A_112 = arith.constant 0 : i32
          %dma_wait3A_113 = tpu.memref_slice %arg11[%dma_wait3A_111, %dma_wait3A_112] : memref<10240x128xf32, #tpu.memory_space<vmem_shared>> -> memref<10240x128xf32, #tpu.memory_space<vmem_shared>>
          tpu.wait_indirect_dma semaphore(%arg15 : memref<!tpu.dma_semaphore, #tpu.memory_space<semaphore_mem>>) src(%arg10 : memref<128x128xf32, #tpu.memory_space<vmem>>) dst(%dma_wait3A_113 : memref<10240x128xf32, #tpu.memory_space<vmem_shared>>)
          %add3A_114 = arith.constant 1 : i32
          %add3A_115 = arith.addi %mul3A_56, %add3A_114 : i32
          %add3A_116 = arith.constant 2 : i32
          %add3A_117 = arith.addi %add3A_115, %add3A_116 : i32
          %dma_start3A_118 = arith.constant 0 : i32
          %dma_start3A_119 = tpu.memref_slice %arg7[%add3A_117, %dma_start3A_118] : memref<16x128xi32, #tpu.memory_space<vmem>> -> memref<1x128xi32, #tpu.memory_space<vmem>>
          %dma_start3A_120 = tpu.memref_squeeze %dma_start3A_119 : memref<1x128xi32, #tpu.memory_space<vmem>> -> memref<128xi32, #tpu.memory_space<vmem>>
          %dma_start3A_121 = arith.constant 0 : i32
          %dma_start3A_122 = arith.constant 0 : i32
          %dma_start3A_123 = tpu.memref_slice %arg2[%dma_start3A_121, %dma_start3A_122] : memref<10240x128xf32, #tpu.memory_space<hbm>> -> memref<10240x128xf32, #tpu.memory_space<hbm>>
          tpu.enqueue_indirect_dma source(%dma_start3A_123 : memref<10240x128xf32, #tpu.memory_space<hbm>>) target(%arg10 : memref<128x128xf32, #tpu.memory_space<vmem>>) offsets(%dma_start3A_120 : memref<128xi32, #tpu.memory_space<vmem>>) semaphore(%arg13 : memref<!tpu.dma_semaphore, #tpu.memory_space<semaphore_mem>>)
        } else {
        }
      }
      %scan3A_40 = arith.constant 8 : i32
      %dma_wait3A = arith.constant 14 : i32
      %dma_wait3A_41 = arith.constant 0 : i32
      %dma_wait3A_42 = tpu.memref_slice %arg8[%dma_wait3A, %dma_wait3A_41] : memref<16x128xi32, #tpu.memory_space<vmem>> -> memref<1x128xi32, #tpu.memory_space<vmem>>
      %dma_wait3A_43 = tpu.memref_squeeze %dma_wait3A_42 : memref<1x128xi32, #tpu.memory_space<vmem>> -> memref<128xi32, #tpu.memory_space<vmem>>
      %dma_wait3A_44 = arith.constant 0 : i32
      %dma_wait3A_45 = arith.constant 0 : i32
      %dma_wait3A_46 = tpu.memref_slice %arg11[%dma_wait3A_44, %dma_wait3A_45] : memref<10240x128xf32, #tpu.memory_space<vmem_shared>> -> memref<10240x128xf32, #tpu.memory_space<vmem_shared>>
      tpu.wait_indirect_dma semaphore(%arg14 : memref<!tpu.dma_semaphore, #tpu.memory_space<semaphore_mem>>) src(%arg9 : memref<128x128xf32, #tpu.memory_space<vmem>>) dst(%dma_wait3A_46 : memref<10240x128xf32, #tpu.memory_space<vmem_shared>>)
      %dma_wait3A_47 = arith.constant 15 : i32
      %dma_wait3A_48 = arith.constant 0 : i32
      %dma_wait3A_49 = tpu.memref_slice %arg8[%dma_wait3A_47, %dma_wait3A_48] : memref<16x128xi32, #tpu.memory_space<vmem>> -> memref<1x128xi32, #tpu.memory_space<vmem>>
      %dma_wait3A_50 = tpu.memref_squeeze %dma_wait3A_49 : memref<1x128xi32, #tpu.memory_space<vmem>> -> memref<128xi32, #tpu.memory_space<vmem>>
      %dma_wait3A_51 = arith.constant 0 : i32
      %dma_wait3A_52 = arith.constant 0 : i32
      %dma_wait3A_53 = tpu.memref_slice %arg11[%dma_wait3A_51, %dma_wait3A_52] : memref<10240x128xf32, #tpu.memory_space<vmem_shared>> -> memref<10240x128xf32, #tpu.memory_space<vmem_shared>>
      tpu.wait_indirect_dma semaphore(%arg15 : memref<!tpu.dma_semaphore, #tpu.memory_space<semaphore_mem>>) src(%arg10 : memref<128x128xf32, #tpu.memory_space<vmem>>) dst(%dma_wait3A_53 : memref<10240x128xf32, #tpu.memory_space<vmem_shared>>)
    }
    %scan3A_14 = arith.constant 5 : i32
    %barrier3A_15 = arith.constant 0 : index
    tpu.barrier barrier_id(%barrier3A_15)
    "tpu.region"() ({
      %run_scoped3A = tpu.sem_alloc : memref<!tpu.dma_semaphore, #tpu.memory_space<semaphore_mem>>
      %dma_start3A = arith.constant 0 : i32
      %dma_start3A_16 = tpu.memref_slice %arg6[%arg0, %mul3A_2, %dma_start3A] : memref<2x10240x128xf32, #tpu.memory_space<hbm>> -> memref<1x640x128xf32, #tpu.memory_space<hbm>>
      %dma_start3A_17 = tpu.memref_squeeze %dma_start3A_16 : memref<1x640x128xf32, #tpu.memory_space<hbm>> -> memref<640x128xf32, #tpu.memory_space<hbm>>
      %dma_start3A_18 = arith.constant 0 : i32
      %dma_start3A_19 = tpu.memref_slice %arg11[%mul3A_2, %dma_start3A_18] : memref<10240x128xf32, #tpu.memory_space<vmem_shared>> -> memref<640x128xf32, #tpu.memory_space<vmem_shared>>
      tpu.enqueue_dma source(%dma_start3A_19 : memref<640x128xf32, #tpu.memory_space<vmem_shared>>) target(%dma_start3A_17 : memref<640x128xf32, #tpu.memory_space<hbm>>) target_semaphore(%run_scoped3A : memref<!tpu.dma_semaphore, #tpu.memory_space<semaphore_mem>>)
      %dma_wait3A = arith.constant 0 : i32
      %dma_wait3A_20 = tpu.memref_slice %arg6[%arg0, %mul3A_2, %dma_wait3A] : memref<2x10240x128xf32, #tpu.memory_space<hbm>> -> memref<1x640x128xf32, #tpu.memory_space<hbm>>
      %dma_wait3A_21 = tpu.memref_squeeze %dma_wait3A_20 : memref<1x640x128xf32, #tpu.memory_space<hbm>> -> memref<640x128xf32, #tpu.memory_space<hbm>>
      %dma_wait3A_22 = arith.constant 0 : i32
      %dma_wait3A_23 = tpu.memref_slice %arg11[%mul3A_2, %dma_wait3A_22] : memref<10240x128xf32, #tpu.memory_space<vmem_shared>> -> memref<640x128xf32, #tpu.memory_space<vmem_shared>>
      tpu.wait_dma2 semaphore(%run_scoped3A : memref<!tpu.dma_semaphore, #tpu.memory_space<semaphore_mem>>) src(%dma_wait3A_23 : memref<640x128xf32, #tpu.memory_space<vmem_shared>>) dst(%dma_wait3A_21 : memref<640x128xf32, #tpu.memory_space<hbm>>)
      tpu.yield
    }) : () -> ()
    return
  }
}

module attributes {stable_mosaic.version = 14 : i64} {
  func.func @_prescale_body(%arg0: memref<10240x128xf32, #tpu.memory_space<vmem>>, %arg1: memref<2x10240x1xf32, #tpu.memory_space<vmem>>, %arg2: memref<10240x128xf32, #tpu.memory_space<vmem>>, %arg3: memref<10240x1xf32, #tpu.memory_space<vmem>>) attributes {dimension_semantics = [], scalar_prefetch = 0 : i64, scratch_operands = 0 : i64, tpu.core_type = #tpu.core_type<tc>} {
    %get3A = arith.constant 0 : index
    %get3A_0 = arith.constant 0 : index
    %get3A_1 = arith.constant 0 : index
    %get3A_2 = vector.load %arg1[%get3A, %get3A_0, %get3A_1] : memref<2x10240x1xf32, #tpu.memory_space<vmem>>, vector<1x10240x1xf32>
    %get3A_3 = vector.shape_cast %get3A_2 : vector<1x10240x1xf32> to vector<10240x1xf32>
    %get3A_4 = arith.constant 1 : index
    %get3A_5 = arith.constant 0 : index
    %get3A_6 = arith.constant 0 : index
    %get3A_7 = vector.load %arg1[%get3A_4, %get3A_5, %get3A_6] : memref<2x10240x1xf32, #tpu.memory_space<vmem>>, vector<1x10240x1xf32>
    %get3A_8 = vector.shape_cast %get3A_7 : vector<1x10240x1xf32> to vector<10240x1xf32>
    %add3A = arith.addf %get3A_3, %get3A_8 : vector<10240x1xf32>
    %add3A_9 = arith.constant 1.000000e+00 : f32
    %add3A_10 = vector.broadcast %add3A_9 : f32 to vector<10240x1xf32>
    %add3A_11 = arith.addf %add3A, %add3A_10 : vector<10240x1xf32>
    %rsqrt3A = math.rsqrt %add3A_11 : vector<10240x1xf32>
    %swap3A = arith.constant 0 : index
    %swap3A_12 = arith.constant 0 : index
    %swap3A_13 = vector.load %arg3[%swap3A, %swap3A_12] : memref<10240x1xf32, #tpu.memory_space<vmem>>, vector<10240x1xf32>
    tpu.vector_store %arg3[%swap3A, %swap3A_12], %rsqrt3A {strides = array<i32>} : memref<10240x1xf32, #tpu.memory_space<vmem>>, vector<10240x1xf32>,
    %get3A_14 = arith.constant 0 : index
    %get3A_15 = arith.constant 0 : index
    %get3A_16 = vector.load %arg0[%get3A_14, %get3A_15] : memref<10240x128xf32, #tpu.memory_space<vmem>>, vector<10240x128xf32>
    %mul3A = vector.broadcast %rsqrt3A : vector<10240x1xf32> to vector<10240x128xf32>
    %mul3A_17 = arith.mulf %get3A_16, %mul3A : vector<10240x128xf32>
    %swap3A_18 = arith.constant 0 : index
    %swap3A_19 = arith.constant 0 : index
    %swap3A_20 = vector.load %arg2[%swap3A_18, %swap3A_19] : memref<10240x128xf32, #tpu.memory_space<vmem>>, vector<10240x128xf32>
    tpu.vector_store %arg2[%swap3A_18, %swap3A_19], %mul3A_17 {strides = array<i32>} : memref<10240x128xf32, #tpu.memory_space<vmem>>, vector<10240x128xf32>,
    return
  }
}

module attributes {stable_mosaic.version = 14 : i64} {
  func.func @_mid_body(%arg0: memref<2x10240x128xf32, #tpu.memory_space<vmem>>, %arg1: memref<10240x1xf32, #tpu.memory_space<vmem>>, %arg2: memref<128x256xf32, #tpu.memory_space<vmem>>, %arg3: memref<1x256xf32, #tpu.memory_space<vmem>>, %arg4: memref<256x128xf32, #tpu.memory_space<vmem>>, %arg5: memref<10240x128xf32, #tpu.memory_space<vmem>>) attributes {dimension_semantics = [], scalar_prefetch = 0 : i64, scratch_operands = 0 : i64, tpu.core_type = #tpu.core_type<tc>} {
    %get3A = arith.constant 0 : index
    %get3A_0 = arith.constant 0 : index
    %get3A_1 = vector.load %arg1[%get3A, %get3A_0] : memref<10240x1xf32, #tpu.memory_space<vmem>>, vector<10240x1xf32>
    %get3A_2 = arith.constant 0 : index
    %get3A_3 = arith.constant 0 : index
    %get3A_4 = arith.constant 0 : index
    %get3A_5 = vector.load %arg0[%get3A_2, %get3A_3, %get3A_4] : memref<2x10240x128xf32, #tpu.memory_space<vmem>>, vector<1x10240x128xf32>
    %get3A_6 = vector.shape_cast %get3A_5 : vector<1x10240x128xf32> to vector<10240x128xf32>
    %get3A_7 = arith.constant 1 : index
    %get3A_8 = arith.constant 0 : index
    %get3A_9 = arith.constant 0 : index
    %get3A_10 = vector.load %arg0[%get3A_7, %get3A_8, %get3A_9] : memref<2x10240x128xf32, #tpu.memory_space<vmem>>, vector<1x10240x128xf32>
    %get3A_11 = vector.shape_cast %get3A_10 : vector<1x10240x128xf32> to vector<10240x128xf32>
    %add3A = arith.addf %get3A_6, %get3A_11 : vector<10240x128xf32>
    %mul3A = vector.broadcast %get3A_1 : vector<10240x1xf32> to vector<10240x128xf32>
    %mul3A_12 = arith.mulf %add3A, %mul3A : vector<10240x128xf32>
    %get3A_13 = arith.constant 0 : index
    %get3A_14 = arith.constant 0 : index
    %get3A_15 = vector.load %arg2[%get3A_13, %get3A_14] : memref<128x256xf32, #tpu.memory_space<vmem>>, vector<128x256xf32>
    %dot_general3A = arith.constant dense<0.000000e+00> : vector<10240x256xf32>
    %dot_general3A_16 = tpu.matmul %mul3A_12, %get3A_15, %dot_general3A {dimension_numbers = #tpu.dot_dimension_numbers<[1], [0], [0], [1], [0, 0, 1, 1], [], []>, transpose_lhs_hint = false} : vector<10240x128xf32>, vector<128x256xf32>, vector<10240x256xf32> -> vector<10240x256xf32>
    %get3A_17 = arith.constant 0 : index
    %get3A_18 = arith.constant 0 : index
    %get3A_19 = vector.load %arg3[%get3A_17, %get3A_18] : memref<1x256xf32, #tpu.memory_space<vmem>>, vector<1x256xf32>
    %add3A_20 = vector.broadcast %get3A_19 : vector<1x256xf32> to vector<10240x256xf32>
    %add3A_21 = arith.addf %dot_general3A_16, %add3A_20 : vector<10240x256xf32>
    %max3A = arith.constant 0.000000e+00 : f32
    %max3A_22 = vector.broadcast %max3A : f32 to vector<10240x256xf32>
    %max3A_23 = arith.maximumf %add3A_21, %max3A_22 : vector<10240x256xf32>
    %get3A_24 = arith.constant 0 : index
    %get3A_25 = arith.constant 0 : index
    %get3A_26 = vector.load %arg4[%get3A_24, %get3A_25] : memref<256x128xf32, #tpu.memory_space<vmem>>, vector<256x128xf32>
    %dot_general3A_27 = arith.constant dense<0.000000e+00> : vector<10240x128xf32>
    %dot_general3A_28 = tpu.matmul %max3A_23, %get3A_26, %dot_general3A_27 {dimension_numbers = #tpu.dot_dimension_numbers<[1], [0], [0], [1], [0, 0, 1, 1], [], []>, transpose_lhs_hint = false} : vector<10240x256xf32>, vector<256x128xf32>, vector<10240x128xf32> -> vector<10240x128xf32>
    %mul3A_29 = vector.broadcast %get3A_1 : vector<10240x1xf32> to vector<10240x128xf32>
    %mul3A_30 = arith.mulf %dot_general3A_28, %mul3A_29 : vector<10240x128xf32>
    %swap3A = arith.constant 0 : index
    %swap3A_31 = arith.constant 0 : index
    %swap3A_32 = vector.load %arg5[%swap3A, %swap3A_31] : memref<10240x128xf32, #tpu.memory_space<vmem>>, vector<10240x128xf32>
    tpu.vector_store %arg5[%swap3A, %swap3A_31], %mul3A_30 {strides = array<i32>} : memref<10240x128xf32, #tpu.memory_space<vmem>>, vector<10240x128xf32>,
    return
  }
}

module attributes {stable_mosaic.version = 14 : i64} {
  func.func @_final_body(%arg0: memref<2x10240x128xf32, #tpu.memory_space<vmem>>, %arg1: memref<10240x1xf32, #tpu.memory_space<vmem>>, %arg2: memref<1x128xf32, #tpu.memory_space<vmem>>, %arg3: memref<10000x128xf32, #tpu.memory_space<vmem>>) attributes {dimension_semantics = [], scalar_prefetch = 0 : i64, scratch_operands = 0 : i64, tpu.core_type = #tpu.core_type<tc>} {
    %get3A = arith.constant 0 : index
    %get3A_0 = arith.constant 0 : index
    %get3A_1 = arith.constant 0 : index
    %get3A_2 = vector.load %arg0[%get3A, %get3A_0, %get3A_1] : memref<2x10240x128xf32, #tpu.memory_space<vmem>>, vector<1x10000x128xf32>
    %get3A_3 = vector.shape_cast %get3A_2 : vector<1x10000x128xf32> to vector<10000x128xf32>
    %get3A_4 = arith.constant 1 : index
    %get3A_5 = arith.constant 0 : index
    %get3A_6 = arith.constant 0 : index
    %get3A_7 = vector.load %arg0[%get3A_4, %get3A_5, %get3A_6] : memref<2x10240x128xf32, #tpu.memory_space<vmem>>, vector<1x10000x128xf32>
    %get3A_8 = vector.shape_cast %get3A_7 : vector<1x10000x128xf32> to vector<10000x128xf32>
    %add3A = arith.addf %get3A_3, %get3A_8 : vector<10000x128xf32>
    %get3A_9 = arith.constant 0 : index
    %get3A_10 = arith.constant 0 : index
    %get3A_11 = vector.load %arg1[%get3A_9, %get3A_10] : memref<10240x1xf32, #tpu.memory_space<vmem>>, vector<10000x1xf32>
    %mul3A = vector.broadcast %get3A_11 : vector<10000x1xf32> to vector<10000x128xf32>
    %mul3A_12 = arith.mulf %add3A, %mul3A : vector<10000x128xf32>
    %get3A_13 = arith.constant 0 : index
    %get3A_14 = arith.constant 0 : index
    %get3A_15 = vector.load %arg2[%get3A_13, %get3A_14] : memref<1x128xf32, #tpu.memory_space<vmem>>, vector<1x128xf32>
    %add3A_16 = vector.broadcast %get3A_15 : vector<1x128xf32> to vector<10000x128xf32>
    %add3A_17 = arith.addf %mul3A_12, %add3A_16 : vector<10000x128xf32>
    %swap3A = arith.constant 0 : index
    %swap3A_18 = arith.constant 0 : index
    %swap3A_19 = vector.load %arg3[%swap3A, %swap3A_18] : memref<10000x128xf32, #tpu.memory_space<vmem>>, vector<10000x128xf32>
    tpu.vector_store %arg3[%swap3A, %swap3A_18], %add3A_17 {strides = array<i32>} : memref<10000x128xf32, #tpu.memory_space<vmem>>, vector<10000x128xf32>,
    return
  }
}

</mosaic_0001>

<sc_bundles>
// kernel: kernel.11.cloned.1.call-start
scs
__scs_entry_jumppad:
0x0: {  	(pc) =	sbr.rel $0x88, $3  }
0x1: {  	(tag) =	ssettag $0x0;
	lr =	simm.s32 $0x1  }
0x2: {  	[smem:$0x3F9B] =	sst lr;
	_ =	strace $0xD0000000  }
0x3: {  	_ = 	snop  }
0x4: {  	_ = 	snop  }
0x5: {  	_ = 	snop  }
0x6: {  	_ = 	snop  }
0x7: {  	_ = 	snop  }
__scs_overlays_trampoline_lowered:
0x8: {  	[smem:$0x3FAA] =	sst s0  }
0x9: {  	[smem:$0x3FAB] =	sst s1  }
0xa: {  	[smem:$0x3FAC] =	sst s2  }
0xb: {  	[smem:$0x3FAD] =	sst s3  }
0xc: {  	[smem:$0x3FAE] =	sst s4  }
0xd: {  	[smem:$0x3FAF] =	sst s5  }
0xe: {  	[smem:$0x3FB0] =	sst s6  }
0xf: {  	[smem:$0x3FB1] =	sst s7  }
0x10: {  	[smem:$0x3FB2] =	sst s8  }
0x11: {  	[smem:$0x3FB3] =	sst s9;
	s0 =	simm.s32 @!p0 $0x0  }
0x12: {  	s1 =	sld [smem:$0x3F99];
	s0 =	simm.s32 @p0 $0x1  }
0x13: {  	[smem:$0x3FB4] =	sst s0;
	s0 =	simm.s32 @!p1 $0x0  }
0x14: {  	s2 =	sld [smem:$0x3F98];
	s0 =	simm.s32 @p1 $0x1  }
0x15: {  	[smem:$0x3FB5] =	sst s0;
	s0 =	simm.s32 @!p2 $0x0  }
0x16: {  	s3 =	sld [smem:$0x3FDB];
	s0 =	simm.s32 @p2 $0x1  }
0x17: {  	s4 =	simm.s32 $0x1BF5;
	[smem:$0x3FB7] =	sst s0  }
0x18: {  	s0 =	sld [smem:$0x3F9A];
	_ =	swait.ge [sflag:s4], $0x0  }
0x19: {  	s7 =	sld [smem:$0x3F9B]  }
0x1a: {  	s8 =	sadd.s32 $0xFFFFE003, lr  }
0x1b: {  	s9 =	sadd.s32 $0xFFFFFEF7, lr;
	s5 =	simm.s32 $0xFFFFFFFF;
	p2 =	slt.u32 s8, $0xFFFFF086  }
0x1c: {  	p1 =	slt.u32 s9, $0xF7A;
	s5 =	simm.s32 @!p2 $0x0  }
0x1d: {  	s5 =	simm.s32 @p1 $0x1;
	p0 =	seq.s32 s7, s2  }
0x1e: {  	s7 =	smul.u32 @!p0 $0xF7A, s2;
	p2 =	seq.s32 @!p0 s5, $0x0  }
0x1f: {  	s9 =	smul.u32 $0xF7A, s1;
	s8 =	simm.s32 @!p0 $0x1BF5;
	p2 =	por !p2, p0  }
0x20: {  	[sflag:s8] =	ssyncset.s32 @!p0 $0xFFFFF086;
	s6 =	sadd.s32 @!p0 s3, s7;
	s7 =	simm.s32 @!p0 $0x108  }
0x21: {  	s3 =	sadd.s32 s3, s9;
	s6 =	sadd.s32 @!p0 $0x88, s6;
	s7 =	simm.s32 @p2 $0x1082  }
0x22: {  	[simem:s7], [sflag:s8] =	dma.local @!p0 [hbm:s6], $0xF7A  }
0x23: {  	s9 =	sor.u32 $0xD0000000, s2;
	s6 =	simm.s32 $0x108;
	_ =	swait.ge @!p0 [sflag:s8], $0x0  }
0x24: {  	s3 =	sadd.s32 $0x88, s3;
	s6 =	simm.s32 @!p1 $0x1082;
	[sflag:s4] =	ssyncset.s32 $0xFFFFF086  }
0x25: {  	[simem:s6], [sflag:s4] =	dma.local [hbm:s3], $0xF7A  }
0x26: {  	[smem:$0x3F9B] =	sst s1;
	(tag) =	ssettag s2;
	_ =	strace s9  }
0x27: {  	s1 =	sld [smem:$0x3FAB]  }
0x28: {  	s2 =	sld [smem:$0x3FAC]  }
0x29: {  	s4 =	sld [smem:$0x3FAE]  }
0x2a: {  	p0 =	seq.s32 s5, $0x0;
	s5 =	sld [smem:$0x3FAF]  }
0x2b: {  	s6 =	sld [smem:$0x3FB0]  }
0x2c: {  	s7 =	sld [smem:$0x3FB1]  }
0x2d: {  	s3 =	simm.s32 $0x108;
	s8 =	sld [smem:$0x3FB2]  }
0x2e: {  	s3 =	simm.s32 @!p0 $0x1082;
	s9 =	sld [smem:$0x3FB3]  }
0x2f: {  	lr =	sadd.s32 s0, s3;
	s0 =	sld [smem:$0x3FAA]  }
0x30: {  	s3 =	sld [smem:$0x3FAD]  }
0x31: {  	[smem:$0x3FB6] =	sst s10  }
0x32: {  	s10 =	sld [smem:$0x3FB4];
	_ =	sdelay $0x3  }
0x33: {  	p0 =	seq.s32 s10, $0x1;
	s10 =	sld [smem:$0x3FB6];
	_ =	sdelay $0x3  }
0x34: {  	[smem:$0x3FB6] =	sst s10  }
0x35: {  	s10 =	sld [smem:$0x3FB5];
	_ =	sdelay $0x3  }
0x36: {  	p1 =	seq.s32 s10, $0x1;
	s10 =	sld [smem:$0x3FB6];
	_ =	sdelay $0x3  }
0x37: {  	[smem:$0x3FB6] =	sst s10  }
0x38: {  	s10 =	sld [smem:$0x3FB7]  }
0x39: {  	_ = 	snop;
	(pc) =	sbr.ind lr, $3  }
0x3a: {  	_ = 	snop  }
0x3b: {  	_ = 	snop  }
0x3c: {  	p2 =	seq.s32 s10, $0x1;
	s10 =	sld [smem:$0x3FB6]  }
0x3d: {  	_ =	shalt  }
0x3e: {  	_ =	shalt  }
0x3f: {  	_ =	shalt  }
0x40: {  	_ =	shalt  }
0x41: {  	_ =	shalt  }
0x42: {  	_ =	shalt  }
0x43: {  	_ =	shalt  }
0x44: {  	_ =	shalt  }
0x45: {  	_ =	shalt  }
0x46: {  	_ =	shalt  }
0x47: {  	_ =	shalt  }
0x48: {  	_ =	shalt  }
0x49: {  	_ =	shalt  }
0x4a: {  	_ =	shalt  }
0x4b: {  	_ =	shalt  }
0x4c: {  	_ =	shalt  }
0x4d: {  	_ =	shalt  }
0x4e: {  	_ =	shalt  }
0x4f: {  	_ =	shalt  }
0x50: {  	_ =	shalt  }
0x51: {  	_ =	shalt  }
0x52: {  	_ =	shalt  }
0x53: {  	_ =	shalt  }
0x54: {  	_ =	shalt  }
0x55: {  	_ =	shalt  }
0x56: {  	_ =	shalt  }
0x57: {  	_ =	shalt  }
0x58: {  	_ =	shalt  }
0x59: {  	_ =	shalt  }
0x5a: {  	_ =	shalt  }
0x5b: {  	_ =	shalt  }
0x5c: {  	_ =	shalt  }
0x5d: {  	_ =	shalt  }
0x5e: {  	_ =	shalt  }
0x5f: {  	_ =	shalt  }
0x60: {  	_ =	shalt  }
0x61: {  	_ =	shalt  }
0x62: {  	_ =	shalt  }
0x63: {  	_ =	shalt  }
0x64: {  	_ =	shalt  }
0x65: {  	_ =	shalt  }
0x66: {  	_ =	shalt  }
0x67: {  	_ =	shalt  }
0x68: {  	_ =	shalt  }
0x69: {  	_ =	shalt  }
0x6a: {  	_ =	shalt  }
0x6b: {  	_ =	shalt  }
0x6c: {  	_ =	shalt  }
0x6d: {  	_ =	shalt  }
0x6e: {  	_ =	shalt  }
0x6f: {  	_ =	shalt  }
0x70: {  	_ =	shalt  }
0x71: {  	_ =	shalt  }
0x72: {  	_ =	shalt  }
0x73: {  	_ =	shalt  }
0x74: {  	_ =	shalt  }
0x75: {  	_ =	shalt  }
0x76: {  	_ =	shalt  }
0x77: {  	_ =	shalt  }
0x78: {  	_ =	shalt  }
0x79: {  	_ =	shalt  }
0x7a: {  	_ =	shalt  }
0x7b: {  	_ =	shalt  }
0x7c: {  	_ =	shalt  }
0x7d: {  	_ =	shalt  }
0x7e: {  	_ =	shalt  }
0x7f: {  	_ =	shalt  }
0x80: {  	_ =	shalt  }
0x81: {  	_ =	shalt  }
0x82: {  	_ =	shalt  }
0x83: {  	_ =	shalt  }
0x84: {  	_ =	shalt  }
0x85: {  	_ =	shalt  }
0x86: {  	_ =	shalt  }
0x87: {  	_ =	shalt  }
.Lfunc_end0:
.L_simem_size_0:
called_computation.1_lowered:
.L_overlay_start_0:
0x88: {  	s2 =	sld [smem:$0x3FD9]  }
0x89: {  	s3 =	sld [smem:$0x3FFE];
	_ =	sdelay $0x1  }
0x8a: {  	s1 =	srdreg.scid  }
0x8b: {  	s0 =	sand.u32 $0x1, s1  }
0x8c: {  	s17 =	sshll.u32 s0, $0xA;
	s2 =	sadd.s32 s3, s2  }
0x8d: {  	s2 =	sadd.s32 s2, s17  }
0x8e: {  	[smem:$0x3FC2] =	sst s2  }
0x8f: {  	_ = 	snop  }
0x90: {  	s2 =	sld [smem:$0x3FD0];
	(tm) =	ssettm $0x1  }
0x91: {  	s18 =	sld [smem:$0x3FFB];
	_ =	sdelay $0x3  }
0x92: {  	_ =	strace s18  }
0x93: {  	s3 =	sld [smem:$0x3FFC];
	_ =	sdelay $0x3  }
0x94: {  	_ =	strace s3  }
0x95: {  	s3 =	sld [smem:$0x3FFD];
	_ =	sdelay $0x3  }
0x96: {  	_ =	strace s3  }
0x97: {  	_ =	strace $0x8FFFFFFF  }
0x98: {  	s19 =	sld [smem:$0x3FDB];
	_ =	sdelay $0x1  }
0x99: {  	s4 =	simm.s32 $_scs_section_size  }
0x9a: {  	s5 =	simm.s32 $_size__tile_overlayer_lowered;
	s6 =	simm.s32 $_tile_overlayer_lowered  }
0x9b: {  	s22 =	simm.s32 $0x1BFF;
	s21 =	sshll.u32 s6, $0x1;
	s3 =	sadd.s32 s4, s19  }
0x9c: {  	s7 =	simm.s32 $0x0;
	s20 =	sshll.u32 s5, $0x1;
	s5 =	sadd.s32 s21, s3  }
0x9d: {  	[timem:s7], [sflag:s22] =	dma.local [hbm:s5], s20  }
0x9e: {  	_ =	swait.ge [sflag:s22], s20  }
0x9f: {  	s4 =	ssub.s32 $0x0, s20;
	[sflag:s22] =	ssyncset.done $0x0  }
0xa0: {  	[sflag:s22] =	ssyncadd.s32 s4;
	_ =	sdelay $0x1  }
0xa1: {  	s23 =	simm.s32 $0x1B8B  }
0xa2: {  	_ =	swait.ge [sflag:s23], $0x1  }
0xa3: {  	[sflag:s23] =	ssyncset.done $0x0  }
0xa4: {  	s25 =	simm.s32 $0x1B8E;
	s24 =	sld [smem:$0x3FFE];
	[sflag:s23] =	ssyncadd.s32 $0xFFFFFFFF  }
0xa5: {  	s26 =	simm.s32 $execute0_lowered;
	[smem:$0x3FD2] =	sst s25  }
0xa6: {  	s5 =	sshll.u32 s26, $0x1;
	_ =	strace $0x80000049;
	[dreg:$0x1] =	wrdreg $0xFFFFFFFF  }
0xa7: {  	s28 =	simm.s32 $_size_execute0_lowered;
	s3 =	sadd.s32 s3, s5;
	[dreg:$0x0] =	wrdreg $0x0  }
0xa8: {  	s5 =	sshll.u32 s28, $0x1;
	[dreg:$0x2] =	wrdreg s3  }
0xa9: {  	[dreg:$0x3] =	wrdreg s5  }
0xaa: {  	[dreg:$0x4] =	wrdreg $0xC0  }
0xab: {  	_ =	task [dreg:s7], $0x5FFFF  }
0xac: {  	[dreg:$0x1] =	wrdreg $0xFFFFFFFF  }
0xad: {  	[dreg:$0x0] =	wrdreg $0x60  }
0xae: {  	[dreg:$0x2] =	wrdreg s24  }
0xaf: {  	[dreg:$0x3] =	wrdreg s2  }
0xb0: {  	[dreg:$0x4] =	wrdreg $0x90000  }
0xb1: {  	[dreg:$0x5] =	wrdreg $0x9  }
0xb2: {  	_ =	task.clear_ibuf [dreg:s7], $0x6FFFF;
	_ =	strace $0x90000049  }
0xb3: {  	s29 =	simm.s32 $0x9;
	_ =	strace $0x8000004B  }
0xb4: {  	_ =	swait.ge [sflag:s29], $0x1  }
0xb5: {  	[sflag:s29] =	ssyncadd.s32 $0xFFFFFFFF  }
0xb6: {  	_ =	strace $0x9000004B  }
0xb7: {  	_ =	sfence  }
0xb8: {  	s30 =	sld [smem:$0x0];
	_ =	sdelay $0x2  }
0xb9: {  	s31 =	sshll.u32 s1, $0xD;
	s1 =	sshrl.u32 s1, $0x2  }
0xba: {  	s3 =	sand.u32 $0x4000, s31;
	s1 =	sadd.s32 s1, s30  }
0xbb: {  	s0 =	sor.u32 s3, s0;
	s1 =	sshll.u32 s1, $0x11  }
0xbc: {  	s0 =	sor.u32 s1, s0  }
0xbd: {  	s0 =	sadd.s32 $0x8F2B, s0  }
0xbe: {  	[sflag:s0] =	ssyncadd.remote.s32 $0x1  }
0xbf: {  	_ =	sfence.sel $0xFFFF  }
0xc0: {  	[dreg:$0x0] =	wrdreg $0xFFFFFFFF;
	(pc) =	sbr.abs _section_cstart, $3  }
0xc1: {  	[dreg:$0x1] =	wrdreg $0xFFFFFFFF  }
0xc2: {  	_ =	task.clear_ibuf [dreg:s7], $0x2FFFF;
	_ =	strace $0x9FFFFFFF  }
0xc3: {  	(tm) =	ssettm $0x7FFFFFFF  }
tec
execute0_lowered:
.L_overlay_start_1:
0x0: {  	(tag) =	ssettag $0x1  }
0x1: {  	s0 =	rddreg [dreg:$0x0]  }
0x2: {  	s1 =	rddreg [dreg:$0x1];
	s3 =	srdreg.scid  }
0x3: {  	s14 =	stileid.u32;
	s2 =	rddreg [dreg:$0x2]  }
0x4: {  	s16 =	simm.s32 $0x900;
	s17 =	simm.s32 $0x980;
	s18 =	simm.s32 $0x200  }
0x5: {  	s19 =	simm.s32 $0x280;
	s20 =	simm.s32 $0xA00;
	s21 =	simm.s32 $0xA80  }
0x6: {  	s28 =	simm.s32 $0x680;
	s29 =	simm.s32 $0xE00;
	s30 =	simm.s32 $0xE80  }
0x7: {  	s31 =	simm.s32 $0x700;
	s5 =	sand.u32 $0x1, s3;
	s6 =	smul.u32 $0x2800, s14  }
0x8: {  	s3 =	simm.s32 $0x0;
	s9 =	smul.u32 $0x14000, s14;
	s10 =	sadd.s32 $0x34000, s0  }
0x9: {  	s11 =	smul.u32 $0x50000, s14;
	s15 =	sshll.u32 s14, $0x6;
	[smem:$0x7FF] =	sst s3  }
0xa: {  	s4 =	smul.u32 $0x28000, s5;
	_ =	strace $0x8000004A;
	[dreg:$0x9] =	wrdreg s16  }
0xb: {  	s14 =	simm.s32 $0x5000;
	s7 =	smul.u32 $0x140000, s5;
	[dreg:$0xa] =	wrdreg s17  }
0xc: {  	s22 =	ssub.s32 $0x2, s5;
	p0 =	seq.s32 s5, $0x1;
	[dreg:$0xb] =	wrdreg s18  }
0xd: {  	s5 =	simm.s32 $0xF80;
	s13 =	sshrl.u32 s22, $0x1;
	[dreg:$0xc] =	wrdreg s19  }
0xe: {  	s24 =	sshrl.u32 s11, $0x2;
	s11 =	simm.s32 $0x880;
	[dreg:$0xd] =	wrdreg s20  }
0xf: {  	[dreg:$0xe] =	wrdreg s21;
	s16 =	simm.s32 $0x2;
	s17 =	simm.s32 $0x3  }
0x10: {  	s18 =	simm.s32 $0x4;
	s19 =	simm.s32 $0x480;
	s20 =	simm.s32 $0xC00  }
0x11: {  	s21 =	simm.s32 $0xC80;
	s8 =	sadd.s32 s6, s4;
	s4 =	sadd.s32 $0xC000, s0  }
0x12: {  	s7 =	sadd.s32 s9, s7;
	s23 =	ssub.s32 s22, s13;
	s25 =	sadd.s32 s24, s2  }
0x13: {  	[dreg:$0x6] =	wrdreg s11;
	s13 =	simm.s32 $0x180;
	s11 =	simm.s32 $0x800  }
0x14: {  	s22 =	simm.s32 $0x300;
	s24 =	simm.s32 $0xB00;
	s8 =	sshrl.u32 s8, $0x3  }
0x15: {  	s7 =	sshrl.u32 s7, $0x3;
	s9 =	smax.u32 s23, $0x1;
	[dreg:$0x8] =	wrdreg s13  }
0x16: {  	s13 =	simm.s32 $0x1000;
	[dreg:$0xf] =	wrdreg s22;
	s23 =	simm.s32 $0x380  }
0x17: {  	[dreg:$0x11] =	wrdreg s24;
	s22 =	simm.s32 $0x500;
	s24 =	simm.s32 $0xD00  }
0x18: {  	s12 =	sadd.s32 s8, s0;
	s0 =	sadd.s32 s7, s0;
	[dreg:$0x15] =	wrdreg s9  }
0x19: {  	s8 =	sadd.s32 s8, s1;
	s1 =	smov.u32 s4;
	[dreg:$0x10] =	wrdreg s23  }
0x1a: {  	s7 =	sor.u32 $0x1C05, s15;
	s15 =	simm.s32 $0x1;
	[dreg:$0x5] =	wrdreg s8  }
0x1b: {  	s23 =	simm.s32 $0x580;
	s0 =	sadd.s32 $0x5C000, s0;
	[dreg:$0x17] =	wrdreg s7  }
0x1c: {  	s9 =	simm.s32 $0x0;
	s26 =	sadd.s32 $0x2000, s12;
	[dreg:$0x14] =	wrdreg s0  }
0x1d: {  	s1 =	smov.u32 @p0 s10;
	s12 =	simm.s32 $0x100;
	[dreg:$0x4] =	wrdreg s26  }
0x1e: {  	s8 =	sshrl.u32 s25, $0x3;
	s25 =	simm.s32 $0xB80;
	[dreg:$0x7] =	wrdreg s12  }
0x1f: {  	s10 =	simm.s32 $0x5;
	s1 =	sadd.s32 s1, s6;
	[dreg:$0x12] =	wrdreg s25  }
0x20: {  	s12 =	simm.s32 $0x80;
	s26 =	simm.s32 $0x400;
	[dreg:$0x18] =	wrdreg s8  }
0x21: {  	s25 =	simm.s32 $0xD80;
	s0 =	simm.s32 $0xF00;
	[dreg:$0x16] =	wrdreg s1  }
0x22: {  	[dreg:$0x13] =	wrdreg s26;
	s26 =	simm.s32 $0x600;
	s1 =	simm.s32 $0x780  }
.LBB2_1:
0x23: {  	[dreg:$0x19] =	wrdreg s9  }
0x24: {  	s6 =	rddreg [dreg:$0x16]  }
0x25: {  	[spmem:s8], [sflag:s7] =	dma.local [hbm:s6], $0x2800  }
0x26: {  	_ =	swait.ge [sflag:s10], $0x2800  }
0x27: {  	[sflag:s10] =	ssyncset.done $0x0  }
0x28: {  	[sflag:s10] =	ssyncadd.s32 $0xFFFFD800  }
0x29: {  	[bflag:$0x0] =	sbarrier.arrive $0xFFFF  }
0x2a: {  	s9 =	rddreg [dreg:$0x5]  }
0x2b: {  	s7 =	sadd.s32 $0x0, s9  }
0x2c: {  	[tilespmem:s3], [sflag:$0x5] =	stream.linear.gather [hbm4b:s7+s3], $0x800, $0x38;
	[tilespmem:$0x1D000] =	vst v63  }
0x2d: {  	_ =	swait.ge [sflag:s10], $0x800  }
0x2e: {  	s6 =	rddreg [dreg:$0x4];
	[sflag:s10] =	ssyncset.done $0x0  }
0x2f: {  	[sflag:s10] =	ssyncadd.s32 $0xFFFFF800;
	s7 =	sadd.s32 $0x0, s6  }
0x30: {  	[tilespmem:s11], [sflag:$0x5] =	stream.linear.gather [hbm4b:s7+s3], $0x800, $0x38;
	[tilespmem:$0x1D000] =	vst v63  }
0x31: {  	_ =	swait.ge [sflag:s10], $0x800  }
0x32: {  	[sflag:s10] =	ssyncset.done $0x0  }
0x33: {  	[sflag:s10] =	ssyncadd.s32 $0xFFFFF800  }
0x34: {  	[tilespmem:s13], [sflag:$0x1] =	stream.indirect.gather [hbm4b:s4+s12], $0x80, s3, s12, $0xb8;
	[tilespmem:$0x1D000] =	vst v63  }
0x35: {  	_ = 	snop  }
0x36: {  	[tilespmem:s14], [sflag:$0x2] =	stream.indirect.gather [hbm4b:s4+s12], $0x80, s12, s12, $0xb8;
	[tilespmem:$0x1D000] =	vst v63  }
0x37: {  	_ =	swait.ge [sflag:s15], $0x4000  }
0x38: {  	[sflag:s15] =	ssyncset.done $0x0  }
0x39: {  	[sflag:s15] =	ssyncadd.s32 $0xFFFFC000  }
0x3a: {  	[spmem:s2] =	stream.indirect.scatter.add.f32 [tilespmem:s13], [sflag:$0x3], $0x80, s11, s12, $0xb8;
	[tilespmem:$0x1D000] =	vst v63  }
0x3b: {  	_ =	swait.ge [sflag:s16], $0x4000  }
0x3c: {  	[sflag:s16] =	ssyncset.done $0x0  }
0x3d: {  	s8 =	rddreg [dreg:$0x6];
	[sflag:s16] =	ssyncadd.s32 $0xFFFFC000  }
0x3e: {  	[spmem:s2] =	stream.indirect.scatter.add.f32 [tilespmem:s14], [sflag:$0x4], $0x80, s8, s12, $0xb8;
	[tilespmem:$0x1D000] =	vst v63  }
0x3f: {  	_ =	swait.ge [sflag:s17], $0x4000  }
0x40: {  	[sflag:s17] =	ssyncset.done $0x0  }
0x41: {  	s9 =	rddreg [dreg:$0x7];
	[sflag:s17] =	ssyncadd.s32 $0xFFFFC000  }
0x42: {  	[tilespmem:s13], [sflag:$0x1] =	stream.indirect.gather [hbm4b:s4+s12], $0x80, s9, s12, $0xb8;
	[tilespmem:$0x1D000] =	vst v63  }
0x43: {  	_ =	swait.ge [sflag:s18], $0x4000  }
0x44: {  	[sflag:s18] =	ssyncset.done $0x0  }
0x45: {  	s6 =	rddreg [dreg:$0x8];
	[sflag:s18] =	ssyncadd.s32 $0xFFFFC000  }
0x46: {  	[tilespmem:s14], [sflag:$0x2] =	stream.indirect.gather [hbm4b:s4+s12], $0x80, s6, s12, $0xb8;
	[tilespmem:$0x1D000] =	vst v63  }
0x47: {  	_ =	swait.ge [sflag:s15], $0x4000  }
0x48: {  	[sflag:s15] =	ssyncset.done $0x0  }
0x49: {  	s8 =	rddreg [dreg:$0x9];
	[sflag:s15] =	ssyncadd.s32 $0xFFFFC000  }
0x4a: {  	[spmem:s2] =	stream.indirect.scatter.add.f32 [tilespmem:s13], [sflag:$0x3], $0x80, s8, s12, $0xb8;
	[tilespmem:$0x1D000] =	vst v63  }
0x4b: {  	_ =	swait.ge [sflag:s16], $0x4000  }
0x4c: {  	[sflag:s16] =	ssyncset.done $0x0  }
0x4d: {  	s9 =	rddreg [dreg:$0xa];
	[sflag:s16] =	ssyncadd.s32 $0xFFFFC000  }
0x4e: {  	[spmem:s2] =	stream.indirect.scatter.add.f32 [tilespmem:s14], [sflag:$0x4], $0x80, s9, s12, $0xb8;
	[tilespmem:$0x1D000] =	vst v63  }
0x4f: {  	_ =	swait.ge [sflag:s17], $0x4000  }
0x50: {  	[sflag:s17] =	ssyncset.done $0x0  }
0x51: {  	s6 =	rddreg [dreg:$0xb];
	[sflag:s17] =	ssyncadd.s32 $0xFFFFC000  }
0x52: {  	[tilespmem:s13], [sflag:$0x1] =	stream.indirect.gather [hbm4b:s4+s12], $0x80, s6, s12, $0xb8;
	[tilespmem:$0x1D000] =	vst v63  }
0x53: {  	_ =	swait.ge [sflag:s18], $0x4000  }
0x54: {  	[sflag:s18] =	ssyncset.done $0x0  }
0x55: {  	s8 =	rddreg [dreg:$0xc];
	[sflag:s18] =	ssyncadd.s32 $0xFFFFC000  }
0x56: {  	[tilespmem:s14], [sflag:$0x2] =	stream.indirect.gather [hbm4b:s4+s12], $0x80, s8, s12, $0xb8;
	[tilespmem:$0x1D000] =	vst v63  }
0x57: {  	_ =	swait.ge [sflag:s15], $0x4000  }
0x58: {  	[sflag:s15] =	ssyncset.done $0x0  }
0x59: {  	s9 =	rddreg [dreg:$0xd];
	[sflag:s15] =	ssyncadd.s32 $0xFFFFC000  }
0x5a: {  	[spmem:s2] =	stream.indirect.scatter.add.f32 [tilespmem:s13], [sflag:$0x3], $0x80, s9, s12, $0xb8;
	[tilespmem:$0x1D000] =	vst v63  }
0x5b: {  	_ =	swait.ge [sflag:s16], $0x4000  }
0x5c: {  	[sflag:s16] =	ssyncset.done $0x0  }
0x5d: {  	s6 =	rddreg [dreg:$0xe];
	[sflag:s16] =	ssyncadd.s32 $0xFFFFC000  }
0x5e: {  	[spmem:s2] =	stream.indirect.scatter.add.f32 [tilespmem:s14], [sflag:$0x4], $0x80, s6, s12, $0xb8;
	[tilespmem:$0x1D000] =	vst v63  }
0x5f: {  	_ =	swait.ge [sflag:s17], $0x4000  }
0x60: {  	[sflag:s17] =	ssyncset.done $0x0  }
0x61: {  	s8 =	rddreg [dreg:$0xf];
	[sflag:s17] =	ssyncadd.s32 $0xFFFFC000  }
0x62: {  	[tilespmem:s13], [sflag:$0x1] =	stream.indirect.gather [hbm4b:s4+s12], $0x80, s8, s12, $0xb8;
	[tilespmem:$0x1D000] =	vst v63  }
0x63: {  	_ =	swait.ge [sflag:s18], $0x4000  }
0x64: {  	[sflag:s18] =	ssyncset.done $0x0  }
0x65: {  	s9 =	rddreg [dreg:$0x10];
	[sflag:s18] =	ssyncadd.s32 $0xFFFFC000  }
0x66: {  	[tilespmem:s14], [sflag:$0x2] =	stream.indirect.gather [hbm4b:s4+s12], $0x80, s9, s12, $0xb8;
	[tilespmem:$0x1D000] =	vst v63  }
0x67: {  	_ =	swait.ge [sflag:s15], $0x4000  }
0x68: {  	[sflag:s15] =	ssyncset.done $0x0  }
0x69: {  	s6 =	rddreg [dreg:$0x11];
	[sflag:s15] =	ssyncadd.s32 $0xFFFFC000  }
0x6a: {  	[spmem:s2] =	stream.indirect.scatter.add.f32 [tilespmem:s13], [sflag:$0x3], $0x80, s6, s12, $0xb8;
	[tilespmem:$0x1D000] =	vst v63  }
0x6b: {  	_ =	swait.ge [sflag:s16], $0x4000  }
0x6c: {  	[sflag:s16] =	ssyncset.done $0x0  }
0x6d: {  	s8 =	rddreg [dreg:$0x12];
	[sflag:s16] =	ssyncadd.s32 $0xFFFFC000  }
0x6e: {  	[spmem:s2] =	stream.indirect.scatter.add.f32 [tilespmem:s14], [sflag:$0x4], $0x80, s8, s12, $0xb8;
	[tilespmem:$0x1D000] =	vst v63  }
0x6f: {  	_ =	swait.ge [sflag:s17], $0x4000  }
0x70: {  	[sflag:s17] =	ssyncset.done $0x0  }
0x71: {  	s9 =	rddreg [dreg:$0x13];
	[sflag:s17] =	ssyncadd.s32 $0xFFFFC000  }
0x72: {  	[tilespmem:s13], [sflag:$0x1] =	stream.indirect.gather [hbm4b:s4+s12], $0x80, s9, s12, $0xb8;
	[tilespmem:$0x1D000] =	vst v63  }
0x73: {  	_ =	swait.ge [sflag:s18], $0x4000  }
0x74: {  	[sflag:s18] =	ssyncset.done $0x0  }
0x75: {  	[sflag:s18] =	ssyncadd.s32 $0xFFFFC000  }
0x76: {  	[tilespmem:s14], [sflag:$0x2] =	stream.indirect.gather [hbm4b:s4+s12], $0x80, s19, s12, $0xb8;
	[tilespmem:$0x1D000] =	vst v63  }
0x77: {  	_ =	swait.ge [sflag:s15], $0x4000  }
0x78: {  	[sflag:s15] =	ssyncset.done $0x0  }
0x79: {  	[sflag:s15] =	ssyncadd.s32 $0xFFFFC000  }
0x7a: {  	[spmem:s2] =	stream.indirect.scatter.add.f32 [tilespmem:s13], [sflag:$0x3], $0x80, s20, s12, $0xb8;
	[tilespmem:$0x1D000] =	vst v63  }
0x7b: {  	_ =	swait.ge [sflag:s16], $0x4000  }
0x7c: {  	[sflag:s16] =	ssyncset.done $0x0  }
0x7d: {  	[sflag:s16] =	ssyncadd.s32 $0xFFFFC000  }
0x7e: {  	[spmem:s2] =	stream.indirect.scatter.add.f32 [tilespmem:s14], [sflag:$0x4], $0x80, s21, s12, $0xb8;
	[tilespmem:$0x1D000] =	vst v63  }
0x7f: {  	_ =	swait.ge [sflag:s17], $0x4000  }
0x80: {  	[sflag:s17] =	ssyncset.done $0x0  }
0x81: {  	[sflag:s17] =	ssyncadd.s32 $0xFFFFC000  }
0x82: {  	[tilespmem:s13], [sflag:$0x1] =	stream.indirect.gather [hbm4b:s4+s12], $0x80, s22, s12, $0xb8;
	[tilespmem:$0x1D000] =	vst v63  }
0x83: {  	_ =	swait.ge [sflag:s18], $0x4000  }
0x84: {  	[sflag:s18] =	ssyncset.done $0x0  }
0x85: {  	[sflag:s18] =	ssyncadd.s32 $0xFFFFC000  }
0x86: {  	[tilespmem:s14], [sflag:$0x2] =	stream.indirect.gather [hbm4b:s4+s12], $0x80, s23, s12, $0xb8;
	[tilespmem:$0x1D000] =	vst v63  }
0x87: {  	_ =	swait.ge [sflag:s15], $0x4000  }
0x88: {  	[sflag:s15] =	ssyncset.done $0x0  }
0x89: {  	[sflag:s15] =	ssyncadd.s32 $0xFFFFC000  }
0x8a: {  	[spmem:s2] =	stream.indirect.scatter.add.f32 [tilespmem:s13], [sflag:$0x3], $0x80, s24, s12, $0xb8;
	[tilespmem:$0x1D000] =	vst v63  }
0x8b: {  	_ =	swait.ge [sflag:s16], $0x4000  }
0x8c: {  	[sflag:s16] =	ssyncset.done $0x0  }
0x8d: {  	[sflag:s16] =	ssyncadd.s32 $0xFFFFC000  }
0x8e: {  	[spmem:s2] =	stream.indirect.scatter.add.f32 [tilespmem:s14], [sflag:$0x4], $0x80, s25, s12, $0xb8;
	[tilespmem:$0x1D000] =	vst v63  }
0x8f: {  	_ =	swait.ge [sflag:s17], $0x4000  }
0x90: {  	[sflag:s17] =	ssyncset.done $0x0  }
0x91: {  	[sflag:s17] =	ssyncadd.s32 $0xFFFFC000  }
0x92: {  	[tilespmem:s13], [sflag:$0x1] =	stream.indirect.gather [hbm4b:s4+s12], $0x80, s26, s12, $0xb8;
	[tilespmem:$0x1D000] =	vst v63  }
0x93: {  	_ =	swait.ge [sflag:s18], $0x4000  }
0x94: {  	[sflag:s18] =	ssyncset.done $0x0  }
0x95: {  	[sflag:s18] =	ssyncadd.s32 $0xFFFFC000  }
0x96: {  	[tilespmem:s14], [sflag:$0x2] =	stream.indirect.gather [hbm4b:s4+s12], $0x80, s28, s12, $0xb8;
	[tilespmem:$0x1D000] =	vst v63  }
0x97: {  	_ =	swait.ge [sflag:s15], $0x4000  }
0x98: {  	[sflag:s15] =	ssyncset.done $0x0  }
0x99: {  	[sflag:s15] =	ssyncadd.s32 $0xFFFFC000  }
0x9a: {  	[spmem:s2] =	stream.indirect.scatter.add.f32 [tilespmem:s13], [sflag:$0x3], $0x80, s29, s12, $0xb8;
	[tilespmem:$0x1D000] =	vst v63  }
0x9b: {  	_ =	swait.ge [sflag:s16], $0x4000  }
0x9c: {  	[sflag:s16] =	ssyncset.done $0x0  }
0x9d: {  	[sflag:s16] =	ssyncadd.s32 $0xFFFFC000  }
0x9e: {  	[spmem:s2] =	stream.indirect.scatter.add.f32 [tilespmem:s14], [sflag:$0x4], $0x80, s30, s12, $0xb8;
	[tilespmem:$0x1D000] =	vst v63  }
0x9f: {  	_ =	swait.ge [sflag:s17], $0x4000  }
0xa0: {  	[sflag:s17] =	ssyncset.done $0x0  }
0xa1: {  	[sflag:s17] =	ssyncadd.s32 $0xFFFFC000  }
0xa2: {  	[tilespmem:s13], [sflag:$0x1] =	stream.indirect.gather [hbm4b:s4+s12], $0x80, s31, s12, $0xb8;
	[tilespmem:$0x1D000] =	vst v63  }
0xa3: {  	_ =	swait.ge [sflag:s18], $0x4000  }
0xa4: {  	[sflag:s18] =	ssyncset.done $0x0  }
0xa5: {  	[sflag:s18] =	ssyncadd.s32 $0xFFFFC000  }
0xa6: {  	[tilespmem:s14], [sflag:$0x2] =	stream.indirect.gather [hbm4b:s4+s12], $0x80, s1, s12, $0xb8;
	[tilespmem:$0x1D000] =	vst v63  }
0xa7: {  	_ =	swait.ge [sflag:s15], $0x4000  }
0xa8: {  	[sflag:s15] =	ssyncset.done $0x0  }
0xa9: {  	[sflag:s15] =	ssyncadd.s32 $0xFFFFC000  }
0xaa: {  	[spmem:s2] =	stream.indirect.scatter.add.f32 [tilespmem:s13], [sflag:$0x3], $0x80, s0, s12, $0xb8;
	[tilespmem:$0x1D000] =	vst v63  }
0xab: {  	_ =	swait.ge [sflag:s16], $0x4000  }
0xac: {  	[sflag:s16] =	ssyncset.done $0x0  }
0xad: {  	[sflag:s16] =	ssyncadd.s32 $0xFFFFC000  }
0xae: {  	[spmem:s2] =	stream.indirect.scatter.add.f32 [tilespmem:s14], [sflag:$0x4], $0x80, s5, s12, $0xb8;
	[tilespmem:$0x1D000] =	vst v63  }
0xaf: {  	_ =	swait.ge [sflag:s17], $0x4000  }
0xb0: {  	[sflag:s17] =	ssyncset.done $0x0  }
0xb1: {  	[sflag:s17] =	ssyncadd.s32 $0xFFFFC000  }
0xb2: {  	s7 =	simm.s32 $0x100;
	_ =	swait.ge [sflag:s18], $0x4000  }
0xb3: {  	s8 =	simm.s32 $0x200;
	s9 =	rddreg [dreg:$0x5];
	[sflag:s18] =	ssyncset.done $0x0  }
.LBB2_2:
0xb4: {  	[sflag:s18] =	ssyncadd.s32 $0xFFFFC000;
	s9 =	sadd.s32 s7, s9  }
0xb5: {  	[tilespmem:s3], [sflag:$0x5] =	stream.linear.gather [hbm4b:s9+s3], $0x800, $0x38;
	[tilespmem:$0x1D000] =	vst v63  }
0xb6: {  	_ =	swait.ge [sflag:s10], $0x800  }
0xb7: {  	s9 =	rddreg [dreg:$0x4];
	[sflag:s10] =	ssyncset.done $0x0  }
0xb8: {  	[sflag:s10] =	ssyncadd.s32 $0xFFFFF800;
	s9 =	sadd.s32 s7, s9  }
0xb9: {  	[tilespmem:s11], [sflag:$0x5] =	stream.linear.gather [hbm4b:s9+s3], $0x800, $0x38;
	[tilespmem:$0x1D000] =	vst v63  }
0xba: {  	_ =	swait.ge [sflag:s10], $0x800  }
0xbb: {  	[sflag:s10] =	ssyncset.done $0x0  }
0xbc: {  	[sflag:s10] =	ssyncadd.s32 $0xFFFFF800  }
0xbd: {  	[tilespmem:s13], [sflag:$0x1] =	stream.indirect.gather [hbm4b:s4+s12], $0x80, s3, s12, $0xb8;
	[tilespmem:$0x1D000] =	vst v63  }
0xbe: {  	_ = 	snop  }
0xbf: {  	[tilespmem:s14], [sflag:$0x2] =	stream.indirect.gather [hbm4b:s4+s12], $0x80, s12, s12, $0xb8;
	[tilespmem:$0x1D000] =	vst v63  }
0xc0: {  	_ =	swait.ge [sflag:s15], $0x4000  }
0xc1: {  	[sflag:s15] =	ssyncset.done $0x0  }
0xc2: {  	[sflag:s15] =	ssyncadd.s32 $0xFFFFC000  }
0xc3: {  	[spmem:s2] =	stream.indirect.scatter.add.f32 [tilespmem:s13], [sflag:$0x3], $0x80, s11, s12, $0xb8;
	[tilespmem:$0x1D000] =	vst v63  }
0xc4: {  	_ =	swait.ge [sflag:s16], $0x4000  }
0xc5: {  	[sflag:s16] =	ssyncset.done $0x0  }
0xc6: {  	s9 =	rddreg [dreg:$0x6];
	[sflag:s16] =	ssyncadd.s32 $0xFFFFC000  }
0xc7: {  	[spmem:s2] =	stream.indirect.scatter.add.f32 [tilespmem:s14], [sflag:$0x4], $0x80, s9, s12, $0xb8;
	[tilespmem:$0x1D000] =	vst v63  }
0xc8: {  	_ =	swait.ge [sflag:s17], $0x4000  }
0xc9: {  	[sflag:s17] =	ssyncset.done $0x0  }
0xca: {  	s9 =	rddreg [dreg:$0x7];
	[sflag:s17] =	ssyncadd.s32 $0xFFFFC000  }
0xcb: {  	[tilespmem:s13], [sflag:$0x1] =	stream.indirect.gather [hbm4b:s4+s12], $0x80, s9, s12, $0xb8;
	[tilespmem:$0x1D000] =	vst v63  }
0xcc: {  	_ =	swait.ge [sflag:s18], $0x4000  }
0xcd: {  	[sflag:s18] =	ssyncset.done $0x0  }
0xce: {  	s9 =	rddreg [dreg:$0x8];
	[sflag:s18] =	ssyncadd.s32 $0xFFFFC000  }
0xcf: {  	[tilespmem:s14], [sflag:$0x2] =	stream.indirect.gather [hbm4b:s4+s12], $0x80, s9, s12, $0xb8;
	[tilespmem:$0x1D000] =	vst v63  }
0xd0: {  	_ =	swait.ge [sflag:s15], $0x4000  }
0xd1: {  	[sflag:s15] =	ssyncset.done $0x0  }
0xd2: {  	s9 =	rddreg [dreg:$0x9];
	[sflag:s15] =	ssyncadd.s32 $0xFFFFC000  }
0xd3: {  	[spmem:s2] =	stream.indirect.scatter.add.f32 [tilespmem:s13], [sflag:$0x3], $0x80, s9, s12, $0xb8;
	[tilespmem:$0x1D000] =	vst v63  }
0xd4: {  	_ =	swait.ge [sflag:s16], $0x4000  }
0xd5: {  	[sflag:s16] =	ssyncset.done $0x0  }
0xd6: {  	s9 =	rddreg [dreg:$0xa];
	[sflag:s16] =	ssyncadd.s32 $0xFFFFC000  }
0xd7: {  	[spmem:s2] =	stream.indirect.scatter.add.f32 [tilespmem:s14], [sflag:$0x4], $0x80, s9, s12, $0xb8;
	[tilespmem:$0x1D000] =	vst v63  }
0xd8: {  	_ =	swait.ge [sflag:s17], $0x4000  }
0xd9: {  	[sflag:s17] =	ssyncset.done $0x0  }
0xda: {  	s9 =	rddreg [dreg:$0xb];
	[sflag:s17] =	ssyncadd.s32 $0xFFFFC000  }
0xdb: {  	[tilespmem:s13], [sflag:$0x1] =	stream.indirect.gather [hbm4b:s4+s12], $0x80, s9, s12, $0xb8;
	[tilespmem:$0x1D000] =	vst v63  }
0xdc: {  	_ =	swait.ge [sflag:s18], $0x4000  }
0xdd: {  	[sflag:s18] =	ssyncset.done $0x0  }
0xde: {  	s9 =	rddreg [dreg:$0xc];
	[sflag:s18] =	ssyncadd.s32 $0xFFFFC000  }
0xdf: {  	[tilespmem:s14], [sflag:$0x2] =	stream.indirect.gather [hbm4b:s4+s12], $0x80, s9, s12, $0xb8;
	[tilespmem:$0x1D000] =	vst v63  }
0xe0: {  	_ =	swait.ge [sflag:s15], $0x4000  }
0xe1: {  	[sflag:s15] =	ssyncset.done $0x0  }
0xe2: {  	s9 =	rddreg [dreg:$0xd];
	[sflag:s15] =	ssyncadd.s32 $0xFFFFC000  }
0xe3: {  	[spmem:s2] =	stream.indirect.scatter.add.f32 [tilespmem:s13], [sflag:$0x3], $0x80, s9, s12, $0xb8;
	[tilespmem:$0x1D000] =	vst v63  }
0xe4: {  	_ =	swait.ge [sflag:s16], $0x4000  }
0xe5: {  	[sflag:s16] =	ssyncset.done $0x0  }
0xe6: {  	s9 =	rddreg [dreg:$0xe];
	[sflag:s16] =	ssyncadd.s32 $0xFFFFC000  }
0xe7: {  	[spmem:s2] =	stream.indirect.scatter.add.f32 [tilespmem:s14], [sflag:$0x4], $0x80, s9, s12, $0xb8;
	[tilespmem:$0x1D000] =	vst v63  }
0xe8: {  	_ =	swait.ge [sflag:s17], $0x4000  }
0xe9: {  	[sflag:s17] =	ssyncset.done $0x0  }
0xea: {  	s9 =	rddreg [dreg:$0xf];
	[sflag:s17] =	ssyncadd.s32 $0xFFFFC000  }
0xeb: {  	[tilespmem:s13], [sflag:$0x1] =	stream.indirect.gather [hbm4b:s4+s12], $0x80, s9, s12, $0xb8;
	[tilespmem:$0x1D000] =	vst v63  }
0xec: {  	_ =	swait.ge [sflag:s18], $0x4000  }
0xed: {  	[sflag:s18] =	ssyncset.done $0x0  }
0xee: {  	s9 =	rddreg [dreg:$0x10];
	[sflag:s18] =	ssyncadd.s32 $0xFFFFC000  }
0xef: {  	[tilespmem:s14], [sflag:$0x2] =	stream.indirect.gather [hbm4b:s4+s12], $0x80, s9, s12, $0xb8;
	[tilespmem:$0x1D000] =	vst v63  }
0xf0: {  	_ =	swait.ge [sflag:s15], $0x4000  }
0xf1: {  	[sflag:s15] =	ssyncset.done $0x0  }
0xf2: {  	s9 =	rddreg [dreg:$0x11];
	[sflag:s15] =	ssyncadd.s32 $0xFFFFC000  }
0xf3: {  	[spmem:s2] =	stream.indirect.scatter.add.f32 [tilespmem:s13], [sflag:$0x3], $0x80, s9, s12, $0xb8;
	[tilespmem:$0x1D000] =	vst v63  }
0xf4: {  	_ =	swait.ge [sflag:s16], $0x4000  }
0xf5: {  	[sflag:s16] =	ssyncset.done $0x0  }
0xf6: {  	s9 =	rddreg [dreg:$0x12];
	[sflag:s16] =	ssyncadd.s32 $0xFFFFC000  }
0xf7: {  	[spmem:s2] =	stream.indirect.scatter.add.f32 [tilespmem:s14], [sflag:$0x4], $0x80, s9, s12, $0xb8;
	[tilespmem:$0x1D000] =	vst v63  }
0xf8: {  	_ =	swait.ge [sflag:s17], $0x4000  }
0xf9: {  	[sflag:s17] =	ssyncset.done $0x0  }
0xfa: {  	s9 =	rddreg [dreg:$0x13];
	[sflag:s17] =	ssyncadd.s32 $0xFFFFC000  }
0xfb: {  	[tilespmem:s13], [sflag:$0x1] =	stream.indirect.gather [hbm4b:s4+s12], $0x80, s9, s12, $0xb8;
	[tilespmem:$0x1D000] =	vst v63  }
0xfc: {  	_ =	swait.ge [sflag:s18], $0x4000  }
0xfd: {  	[sflag:s18] =	ssyncset.done $0x0  }
0xfe: {  	[sflag:s18] =	ssyncadd.s32 $0xFFFFC000  }
0xff: {  	[tilespmem:s14], [sflag:$0x2] =	stream.indirect.gather [hbm4b:s4+s12], $0x80, s19, s12, $0xb8;
	[tilespmem:$0x1D000] =	vst v63  }
0x100: {  	_ =	swait.ge [sflag:s15], $0x4000  }
0x101: {  	[sflag:s15] =	ssyncset.done $0x0  }
0x102: {  	[sflag:s15] =	ssyncadd.s32 $0xFFFFC000  }
0x103: {  	[spmem:s2] =	stream.indirect.scatter.add.f32 [tilespmem:s13], [sflag:$0x3], $0x80, s20, s12, $0xb8;
	[tilespmem:$0x1D000] =	vst v63  }
0x104: {  	_ =	swait.ge [sflag:s16], $0x4000  }
0x105: {  	[sflag:s16] =	ssyncset.done $0x0  }
0x106: {  	[sflag:s16] =	ssyncadd.s32 $0xFFFFC000  }
0x107: {  	[spmem:s2] =	stream.indirect.scatter.add.f32 [tilespmem:s14], [sflag:$0x4], $0x80, s21, s12, $0xb8;
	[tilespmem:$0x1D000] =	vst v63  }
0x108: {  	_ =	swait.ge [sflag:s17], $0x4000  }
0x109: {  	[sflag:s17] =	ssyncset.done $0x0  }
0x10a: {  	[sflag:s17] =	ssyncadd.s32 $0xFFFFC000  }
0x10b: {  	[tilespmem:s13], [sflag:$0x1] =	stream.indirect.gather [hbm4b:s4+s12], $0x80, s22, s12, $0xb8;
	[tilespmem:$0x1D000] =	vst v63  }
0x10c: {  	_ =	swait.ge [sflag:s18], $0x4000  }
0x10d: {  	[sflag:s18] =	ssyncset.done $0x0  }
0x10e: {  	[sflag:s18] =	ssyncadd.s32 $0xFFFFC000  }
0x10f: {  	[tilespmem:s14], [sflag:$0x2] =	stream.indirect.gather [hbm4b:s4+s12], $0x80, s23, s12, $0xb8;
	[tilespmem:$0x1D000] =	vst v63  }
0x110: {  	_ =	swait.ge [sflag:s15], $0x4000  }
0x111: {  	[sflag:s15] =	ssyncset.done $0x0  }
0x112: {  	[sflag:s15] =	ssyncadd.s32 $0xFFFFC000  }
0x113: {  	[spmem:s2] =	stream.indirect.scatter.add.f32 [tilespmem:s13], [sflag:$0x3], $0x80, s24, s12, $0xb8;
	[tilespmem:$0x1D000] =	vst v63  }
0x114: {  	_ =	swait.ge [sflag:s16], $0x4000  }
0x115: {  	[sflag:s16] =	ssyncset.done $0x0  }
0x116: {  	[sflag:s16] =	ssyncadd.s32 $0xFFFFC000  }
0x117: {  	[spmem:s2] =	stream.indirect.scatter.add.f32 [tilespmem:s14], [sflag:$0x4], $0x80, s25, s12, $0xb8;
	[tilespmem:$0x1D000] =	vst v63  }
0x118: {  	_ =	swait.ge [sflag:s17], $0x4000  }
0x119: {  	[sflag:s17] =	ssyncset.done $0x0  }
0x11a: {  	[sflag:s17] =	ssyncadd.s32 $0xFFFFC000  }
0x11b: {  	[tilespmem:s13], [sflag:$0x1] =	stream.indirect.gather [hbm4b:s4+s12], $0x80, s26, s12, $0xb8;
	[tilespmem:$0x1D000] =	vst v63  }
0x11c: {  	_ =	swait.ge [sflag:s18], $0x4000  }
0x11d: {  	[sflag:s18] =	ssyncset.done $0x0  }
0x11e: {  	[sflag:s18] =	ssyncadd.s32 $0xFFFFC000  }
0x11f: {  	[tilespmem:s14], [sflag:$0x2] =	stream.indirect.gather [hbm4b:s4+s12], $0x80, s28, s12, $0xb8;
	[tilespmem:$0x1D000] =	vst v63  }
0x120: {  	_ =	swait.ge [sflag:s15], $0x4000  }
0x121: {  	[sflag:s15] =	ssyncset.done $0x0  }
0x122: {  	[sflag:s15] =	ssyncadd.s32 $0xFFFFC000  }
0x123: {  	[spmem:s2] =	stream.indirect.scatter.add.f32 [tilespmem:s13], [sflag:$0x3], $0x80, s29, s12, $0xb8;
	[tilespmem:$0x1D000] =	vst v63  }
0x124: {  	_ =	swait.ge [sflag:s16], $0x4000  }
0x125: {  	[sflag:s16] =	ssyncset.done $0x0  }
0x126: {  	[sflag:s16] =	ssyncadd.s32 $0xFFFFC000  }
0x127: {  	[spmem:s2] =	stream.indirect.scatter.add.f32 [tilespmem:s14], [sflag:$0x4], $0x80, s30, s12, $0xb8;
	[tilespmem:$0x1D000] =	vst v63  }
0x128: {  	_ =	swait.ge [sflag:s17], $0x4000  }
0x129: {  	[sflag:s17] =	ssyncset.done $0x0  }
0x12a: {  	[sflag:s17] =	ssyncadd.s32 $0xFFFFC000  }
0x12b: {  	[tilespmem:s13], [sflag:$0x1] =	stream.indirect.gather [hbm4b:s4+s12], $0x80, s31, s12, $0xb8;
	[tilespmem:$0x1D000] =	vst v63  }
0x12c: {  	_ =	swait.ge [sflag:s18], $0x4000  }
0x12d: {  	[sflag:s18] =	ssyncset.done $0x0  }
0x12e: {  	[sflag:s18] =	ssyncadd.s32 $0xFFFFC000  }
0x12f: {  	[tilespmem:s14], [sflag:$0x2] =	stream.indirect.gather [hbm4b:s4+s12], $0x80, s1, s12, $0xb8;
	[tilespmem:$0x1D000] =	vst v63  }
0x130: {  	_ =	swait.ge [sflag:s15], $0x4000  }
0x131: {  	[sflag:s15] =	ssyncset.done $0x0  }
0x132: {  	[sflag:s15] =	ssyncadd.s32 $0xFFFFC000  }
0x133: {  	[spmem:s2] =	stream.indirect.scatter.add.f32 [tilespmem:s13], [sflag:$0x3], $0x80, s0, s12, $0xb8;
	[tilespmem:$0x1D000] =	vst v63  }
0x134: {  	_ =	swait.ge [sflag:s16], $0x4000  }
0x135: {  	[sflag:s16] =	ssyncset.done $0x0  }
0x136: {  	p0 =	sne.s32 s8, $0x400;
	[sflag:s16] =	ssyncadd.s32 $0xFFFFC000  }
0x137: {  	[spmem:s2] =	stream.indirect.scatter.add.f32 [tilespmem:s14], [sflag:$0x4], $0x80, s5, s12, $0xb8;
	[tilespmem:$0x1D000] =	vst v63  }
.Ltmp0:
0x138: {  	_ =	swait.ge [sflag:s17], $0x4000;
	(pc) =	sbr.rel @p0 .LBB2_2-.Ltmp0, $4  }
0x139: {  	[sflag:s17] =	ssyncset.done $0x0  }
0x13a: {  	[sflag:s17] =	ssyncadd.s32 $0xFFFFC000  }
0x13b: {  	s6 =	smov.u32 s8;
	s8 =	sadd.s32 $0x100, s8;
	_ =	swait.ge [sflag:s18], $0x4000  }
0x13c: {  	s7 =	smov.u32 s6;
	s9 =	rddreg [dreg:$0x5];
	[sflag:s18] =	ssyncset.done $0x0  }
0x13d: {  	[sflag:s18] =	ssyncadd.s32 $0xFFFFC000;
	s6 =	sadd.s32 s7, s9  }
0x13e: {  	[tilespmem:s3], [sflag:$0x5] =	stream.linear.gather [hbm4b:s6+s3], $0x800, $0x38;
	[tilespmem:$0x1D000] =	vst v63  }
0x13f: {  	_ =	swait.ge [sflag:s10], $0x800  }
0x140: {  	s9 =	rddreg [dreg:$0x4];
	[sflag:s10] =	ssyncset.done $0x0  }
0x141: {  	s6 =	sadd.s32 s7, s9;
	[sflag:s10] =	ssyncadd.s32 $0xFFFFF800  }
0x142: {  	[tilespmem:s11], [sflag:$0x5] =	stream.linear.gather [hbm4b:s6+s3], $0x800, $0x38;
	[tilespmem:$0x1D000] =	vst v63  }
0x143: {  	_ =	swait.ge [sflag:s10], $0x800  }
0x144: {  	[sflag:s10] =	ssyncset.done $0x0  }
0x145: {  	[sflag:s10] =	ssyncadd.s32 $0xFFFFF800  }
0x146: {  	[tilespmem:s13], [sflag:$0x1] =	stream.indirect.gather [hbm4b:s4+s12], $0x80, s3, s12, $0xb8;
	[tilespmem:$0x1D000] =	vst v63  }
0x147: {  	_ = 	snop  }
0x148: {  	[tilespmem:s14], [sflag:$0x2] =	stream.indirect.gather [hbm4b:s4+s12], $0x80, s12, s12, $0xb8;
	[tilespmem:$0x1D000] =	vst v63  }
0x149: {  	_ =	swait.ge [sflag:s15], $0x4000  }
0x14a: {  	[sflag:s15] =	ssyncset.done $0x0  }
0x14b: {  	[sflag:s15] =	ssyncadd.s32 $0xFFFFC000  }
0x14c: {  	[spmem:s2] =	stream.indirect.scatter.add.f32 [tilespmem:s13], [sflag:$0x3], $0x80, s11, s12, $0xb8;
	[tilespmem:$0x1D000] =	vst v63  }
0x14d: {  	_ =	swait.ge [sflag:s16], $0x4000  }
0x14e: {  	[sflag:s16] =	ssyncset.done $0x0  }
0x14f: {  	s7 =	rddreg [dreg:$0x6];
	[sflag:s16] =	ssyncadd.s32 $0xFFFFC000  }
0x150: {  	[spmem:s2] =	stream.indirect.scatter.add.f32 [tilespmem:s14], [sflag:$0x4], $0x80, s7, s12, $0xb8;
	[tilespmem:$0x1D000] =	vst v63  }
0x151: {  	_ =	swait.ge [sflag:s17], $0x4000  }
0x152: {  	[sflag:s17] =	ssyncset.done $0x0  }
0x153: {  	s8 =	rddreg [dreg:$0x7];
	[sflag:s17] =	ssyncadd.s32 $0xFFFFC000  }
0x154: {  	[tilespmem:s13], [sflag:$0x1] =	stream.indirect.gather [hbm4b:s4+s12], $0x80, s8, s12, $0xb8;
	[tilespmem:$0x1D000] =	vst v63  }
0x155: {  	_ =	swait.ge [sflag:s18], $0x4000  }
0x156: {  	[sflag:s18] =	ssyncset.done $0x0  }
0x157: {  	s9 =	rddreg [dreg:$0x8];
	[sflag:s18] =	ssyncadd.s32 $0xFFFFC000  }
0x158: {  	[tilespmem:s14], [sflag:$0x2] =	stream.indirect.gather [hbm4b:s4+s12], $0x80, s9, s12, $0xb8;
	[tilespmem:$0x1D000] =	vst v63  }
0x159: {  	_ =	swait.ge [sflag:s15], $0x4000  }
0x15a: {  	[sflag:s15] =	ssyncset.done $0x0  }
0x15b: {  	s7 =	rddreg [dreg:$0x9];
	[sflag:s15] =	ssyncadd.s32 $0xFFFFC000  }
0x15c: {  	[spmem:s2] =	stream.indirect.scatter.add.f32 [tilespmem:s13], [sflag:$0x3], $0x80, s7, s12, $0xb8;
	[tilespmem:$0x1D000] =	vst v63  }
0x15d: {  	_ =	swait.ge [sflag:s16], $0x4000  }
0x15e: {  	[sflag:s16] =	ssyncset.done $0x0  }
0x15f: {  	s8 =	rddreg [dreg:$0xa];
	[sflag:s16] =	ssyncadd.s32 $0xFFFFC000  }
0x160: {  	[spmem:s2] =	stream.indirect.scatter.add.f32 [tilespmem:s14], [sflag:$0x4], $0x80, s8, s12, $0xb8;
	[tilespmem:$0x1D000] =	vst v63  }
0x161: {  	_ =	swait.ge [sflag:s17], $0x4000  }
0x162: {  	[sflag:s17] =	ssyncset.done $0x0  }
0x163: {  	s9 =	rddreg [dreg:$0xb];
	[sflag:s17] =	ssyncadd.s32 $0xFFFFC000  }
0x164: {  	[tilespmem:s13], [sflag:$0x1] =	stream.indirect.gather [hbm4b:s4+s12], $0x80, s9, s12, $0xb8;
	[tilespmem:$0x1D000] =	vst v63  }
0x165: {  	_ =	swait.ge [sflag:s18], $0x4000  }
0x166: {  	[sflag:s18] =	ssyncset.done $0x0  }
0x167: {  	s7 =	rddreg [dreg:$0xc];
	[sflag:s18] =	ssyncadd.s32 $0xFFFFC000  }
0x168: {  	[tilespmem:s14], [sflag:$0x2] =	stream.indirect.gather [hbm4b:s4+s12], $0x80, s7, s12, $0xb8;
	[tilespmem:$0x1D000] =	vst v63  }
0x169: {  	_ =	swait.ge [sflag:s15], $0x4000  }
0x16a: {  	[sflag:s15] =	ssyncset.done $0x0  }
0x16b: {  	s8 =	rddreg [dreg:$0xd];
	[sflag:s15] =	ssyncadd.s32 $0xFFFFC000  }
0x16c: {  	[spmem:s2] =	stream.indirect.scatter.add.f32 [tilespmem:s13], [sflag:$0x3], $0x80, s8, s12, $0xb8;
	[tilespmem:$0x1D000] =	vst v63  }
0x16d: {  	_ =	swait.ge [sflag:s16], $0x4000  }
0x16e: {  	[sflag:s16] =	ssyncset.done $0x0  }
0x16f: {  	s9 =	rddreg [dreg:$0xe];
	[sflag:s16] =	ssyncadd.s32 $0xFFFFC000  }
0x170: {  	[spmem:s2] =	stream.indirect.scatter.add.f32 [tilespmem:s14], [sflag:$0x4], $0x80, s9, s12, $0xb8;
	[tilespmem:$0x1D000] =	vst v63  }
0x171: {  	_ =	swait.ge [sflag:s17], $0x4000  }
0x172: {  	[sflag:s17] =	ssyncset.done $0x0  }
0x173: {  	s7 =	rddreg [dreg:$0xf];
	[sflag:s17] =	ssyncadd.s32 $0xFFFFC000  }
0x174: {  	[tilespmem:s13], [sflag:$0x1] =	stream.indirect.gather [hbm4b:s4+s12], $0x80, s7, s12, $0xb8;
	[tilespmem:$0x1D000] =	vst v63  }
0x175: {  	_ =	swait.ge [sflag:s18], $0x4000  }
0x176: {  	[sflag:s18] =	ssyncset.done $0x0  }
0x177: {  	s8 =	rddreg [dreg:$0x10];
	[sflag:s18] =	ssyncadd.s32 $0xFFFFC000  }
0x178: {  	[tilespmem:s14], [sflag:$0x2] =	stream.indirect.gather [hbm4b:s4+s12], $0x80, s8, s12, $0xb8;
	[tilespmem:$0x1D000] =	vst v63  }
0x179: {  	_ =	swait.ge [sflag:s15], $0x4000  }
0x17a: {  	[sflag:s15] =	ssyncset.done $0x0  }
0x17b: {  	s9 =	rddreg [dreg:$0x11];
	[sflag:s15] =	ssyncadd.s32 $0xFFFFC000  }
0x17c: {  	[spmem:s2] =	stream.indirect.scatter.add.f32 [tilespmem:s13], [sflag:$0x3], $0x80, s9, s12, $0xb8;
	[tilespmem:$0x1D000] =	vst v63  }
0x17d: {  	_ =	swait.ge [sflag:s16], $0x4000  }
0x17e: {  	[sflag:s16] =	ssyncset.done $0x0  }
0x17f: {  	s7 =	rddreg [dreg:$0x12];
	[sflag:s16] =	ssyncadd.s32 $0xFFFFC000  }
0x180: {  	[spmem:s2] =	stream.indirect.scatter.add.f32 [tilespmem:s14], [sflag:$0x4], $0x80, s7, s12, $0xb8;
	[tilespmem:$0x1D000] =	vst v63  }
0x181: {  	_ =	swait.ge [sflag:s17], $0x4000  }
0x182: {  	[sflag:s17] =	ssyncset.done $0x0  }
0x183: {  	s8 =	rddreg [dreg:$0x13];
	[sflag:s17] =	ssyncadd.s32 $0xFFFFC000  }
0x184: {  	[tilespmem:s13], [sflag:$0x1] =	stream.indirect.gather [hbm4b:s4+s12], $0x80, s8, s12, $0xb8;
	[tilespmem:$0x1D000] =	vst v63  }
0x185: {  	_ =	swait.ge [sflag:s18], $0x4000  }
0x186: {  	[sflag:s18] =	ssyncset.done $0x0  }
0x187: {  	[sflag:s18] =	ssyncadd.s32 $0xFFFFC000  }
0x188: {  	[tilespmem:s14], [sflag:$0x2] =	stream.indirect.gather [hbm4b:s4+s12], $0x80, s19, s12, $0xb8;
	[tilespmem:$0x1D000] =	vst v63  }
0x189: {  	_ =	swait.ge [sflag:s15], $0x4000  }
0x18a: {  	[sflag:s15] =	ssyncset.done $0x0  }
0x18b: {  	[sflag:s15] =	ssyncadd.s32 $0xFFFFC000  }
0x18c: {  	[spmem:s2] =	stream.indirect.scatter.add.f32 [tilespmem:s13], [sflag:$0x3], $0x80, s20, s12, $0xb8;
	[tilespmem:$0x1D000] =	vst v63  }
0x18d: {  	_ =	swait.ge [sflag:s16], $0x4000  }
0x18e: {  	[sflag:s16] =	ssyncset.done $0x0  }
0x18f: {  	[sflag:s16] =	ssyncadd.s32 $0xFFFFC000  }
0x190: {  	[spmem:s2] =	stream.indirect.scatter.add.f32 [tilespmem:s14], [sflag:$0x4], $0x80, s21, s12, $0xb8;
	[tilespmem:$0x1D000] =	vst v63  }
0x191: {  	_ =	swait.ge [sflag:s17], $0x4000  }
0x192: {  	[sflag:s17] =	ssyncset.done $0x0  }
0x193: {  	[sflag:s17] =	ssyncadd.s32 $0xFFFFC000  }
0x194: {  	[tilespmem:s13], [sflag:$0x1] =	stream.indirect.gather [hbm4b:s4+s12], $0x80, s22, s12, $0xb8;
	[tilespmem:$0x1D000] =	vst v63  }
0x195: {  	_ =	swait.ge [sflag:s18], $0x4000  }
0x196: {  	[sflag:s18] =	ssyncset.done $0x0  }
0x197: {  	[sflag:s18] =	ssyncadd.s32 $0xFFFFC000  }
0x198: {  	[tilespmem:s14], [sflag:$0x2] =	stream.indirect.gather [hbm4b:s4+s12], $0x80, s23, s12, $0xb8;
	[tilespmem:$0x1D000] =	vst v63  }
0x199: {  	_ =	swait.ge [sflag:s15], $0x4000  }
0x19a: {  	[sflag:s15] =	ssyncset.done $0x0  }
0x19b: {  	[sflag:s15] =	ssyncadd.s32 $0xFFFFC000  }
0x19c: {  	[spmem:s2] =	stream.indirect.scatter.add.f32 [tilespmem:s13], [sflag:$0x3], $0x80, s24, s12, $0xb8;
	[tilespmem:$0x1D000] =	vst v63  }
0x19d: {  	_ =	swait.ge [sflag:s16], $0x4000  }
0x19e: {  	[sflag:s16] =	ssyncset.done $0x0  }
0x19f: {  	[sflag:s16] =	ssyncadd.s32 $0xFFFFC000  }
0x1a0: {  	[spmem:s2] =	stream.indirect.scatter.add.f32 [tilespmem:s14], [sflag:$0x4], $0x80, s25, s12, $0xb8;
	[tilespmem:$0x1D000] =	vst v63  }
0x1a1: {  	_ =	swait.ge [sflag:s17], $0x4000  }
0x1a2: {  	[sflag:s17] =	ssyncset.done $0x0  }
0x1a3: {  	[sflag:s17] =	ssyncadd.s32 $0xFFFFC000  }
0x1a4: {  	[tilespmem:s13], [sflag:$0x1] =	stream.indirect.gather [hbm4b:s4+s12], $0x80, s26, s12, $0xb8;
	[tilespmem:$0x1D000] =	vst v63  }
0x1a5: {  	_ =	swait.ge [sflag:s18], $0x4000  }
0x1a6: {  	[sflag:s18] =	ssyncset.done $0x0  }
0x1a7: {  	[sflag:s18] =	ssyncadd.s32 $0xFFFFC000  }
0x1a8: {  	[tilespmem:s14], [sflag:$0x2] =	stream.indirect.gather [hbm4b:s4+s12], $0x80, s28, s12, $0xb8;
	[tilespmem:$0x1D000] =	vst v63  }
0x1a9: {  	_ =	swait.ge [sflag:s15], $0x4000  }
0x1aa: {  	[sflag:s15] =	ssyncset.done $0x0  }
0x1ab: {  	[sflag:s15] =	ssyncadd.s32 $0xFFFFC000  }
0x1ac: {  	[spmem:s2] =	stream.indirect.scatter.add.f32 [tilespmem:s13], [sflag:$0x3], $0x80, s29, s12, $0xb8;
	[tilespmem:$0x1D000] =	vst v63  }
0x1ad: {  	_ =	swait.ge [sflag:s16], $0x4000  }
0x1ae: {  	[sflag:s16] =	ssyncset.done $0x0  }
0x1af: {  	[sflag:s16] =	ssyncadd.s32 $0xFFFFC000  }
0x1b0: {  	[spmem:s2] =	stream.indirect.scatter.add.f32 [tilespmem:s14], [sflag:$0x4], $0x80, s30, s12, $0xb8;
	[tilespmem:$0x1D000] =	vst v63  }
0x1b1: {  	_ =	swait.ge [sflag:s17], $0x4000  }
0x1b2: {  	[sflag:s17] =	ssyncset.done $0x0  }
0x1b3: {  	[sflag:s17] =	ssyncadd.s32 $0xFFFFC000  }
0x1b4: {  	[tilespmem:s13], [sflag:$0x1] =	stream.indirect.gather [hbm4b:s4+s12], $0x80, s31, s12, $0xb8;
	[tilespmem:$0x1D000] =	vst v63  }
0x1b5: {  	_ =	swait.ge [sflag:s18], $0x4000  }
0x1b6: {  	[sflag:s18] =	ssyncset.done $0x0  }
0x1b7: {  	[sflag:s18] =	ssyncadd.s32 $0xFFFFC000  }
0x1b8: {  	[tilespmem:s14], [sflag:$0x2] =	stream.indirect.gather [hbm4b:s4+s12], $0x80, s1, s12, $0xb8;
	[tilespmem:$0x1D000] =	vst v63  }
0x1b9: {  	_ =	swait.ge [sflag:s15], $0x4000  }
0x1ba: {  	[sflag:s15] =	ssyncset.done $0x0  }
0x1bb: {  	[sflag:s15] =	ssyncadd.s32 $0xFFFFC000  }
0x1bc: {  	[spmem:s2] =	stream.indirect.scatter.add.f32 [tilespmem:s13], [sflag:$0x3], $0x80, s0, s12, $0xb8;
	[tilespmem:$0x1D000] =	vst v63  }
0x1bd: {  	_ =	swait.ge [sflag:s16], $0x4000  }
0x1be: {  	[sflag:s16] =	ssyncset.done $0x0  }
0x1bf: {  	[sflag:s16] =	ssyncadd.s32 $0xFFFFC000  }
0x1c0: {  	[spmem:s2] =	stream.indirect.scatter.add.f32 [tilespmem:s14], [sflag:$0x4], $0x80, s5, s12, $0xb8;
	[tilespmem:$0x1D000] =	vst v63  }
0x1c1: {  	_ =	swait.ge [sflag:s17], $0x4000  }
0x1c2: {  	[sflag:s17] =	ssyncset.done $0x0  }
0x1c3: {  	[sflag:s17] =	ssyncadd.s32 $0xFFFFC000  }
0x1c4: {  	_ =	swait.ge [sflag:s18], $0x4000  }
0x1c5: {  	[sflag:s18] =	ssyncset.done $0x0  }
0x1c6: {  	[sflag:s18] =	ssyncadd.s32 $0xFFFFC000  }
0x1c7: {  	[bflag:$0x0] =	sbarrier.arrive $0xFFFF  }
0x1c8: {  	s9 =	rddreg [dreg:$0x14]  }
0x1c9: {  	s7 =	rddreg [dreg:$0x17]  }
0x1ca: {  	s8 =	rddreg [dreg:$0x18]  }
0x1cb: {  	[hbm:s9], [sflag:s7] =	dma.local [spmem:s8], $0x2800  }
0x1cc: {  	_ =	swait.ge [sflag:s10], $0x2800  }
0x1cd: {  	s6 =	rddreg [dreg:$0x19]  }
0x1ce: {  	s9 =	sadd.s32 $0x1, s6;
	s6 =	rddreg [dreg:$0x15]  }
0x1cf: {  	p0 =	sne.s32 s9, s6  }
.Ltmp1:
0x1d0: {  	_ = 	snop;
	(pc) =	sbr.rel @p0 .LBB2_1-.Ltmp1, $3  }
0x1d1: {  	_ =	sdelay $0x1  }
0x1d2: {  	[sflag:s10] =	ssyncset.done $0x0  }
0x1d3: {  	[sflag:s10] =	ssyncadd.s32 $0xFFFFD800  }
0x1d4: {  	_ =	sfence.sel $0x180000  }
0x1d5: {  	[bflag:$0x0] =	sbarrier.arrive $0xFFFF  }
0x1d6: {  	_ =	strace $0x9000004A  }
0x1d7: {  	s0 =	stileid.u32;
	[bflag:$0x2] =	sbarrier.arrive $0xFFFF  }
0x1d8: {  	p0 =	sne.s32 s0, $0x0;
	s0 =	rddreg [dreg:$0x3]  }
0x1d9: {  	s0 =	sadd.s32 @!p0 $0x100000, s0  }
0x1da: {  	[sflag:s0] =	ssyncadd.tile.s32 @!p0 $0x1;
	_ =	shalt  }
.Lfunc_end2:
_tile_overlayer_lowered:
.L_overlay_start_2:
0x1db: {  	(tag) =	ssettag $0x2  }
0x1dc: {  	s0 =	rddreg [dreg:$0x0];
	s2 =	stileid.u32  }
0x1dd: {  	s1 =	rddreg [dreg:$0x1];
	p0 =	sne.s32 s2, $0x0  }
0x1de: {  	s3 =	rddreg [dreg:$0x2];
	[bflag:$0x3] =	sbarrier.arrive $0xFFFF;
	s2 =	simm.s32 @!p0 $0x1C05  }
0x1df: {  	[timem:s3], [sflag:s2] =	dma.local @!p0 [hbm:s0], s1  }
0x1e0: {  	s0 =	simm.s32 @!p0 $0x5  }
0x1e1: {  	_ =	swait.ge @!p0 [sflag:s0], s1  }
0x1e2: {  	s1 =	ssub.s32 @!p0 $0x0, s1;
	[sflag:s0] =	ssyncset.done @!p0 $0x0  }
0x1e3: {  	[sflag:s0] =	ssyncadd.s32 @!p0 s1  }
0x1e4: {  	[bflag:$0x3] =	sbarrier.arrive $0xFFFF  }
0x1e5: {  	_ =	shalt  }

// kernel: kernel.14.cloned.1.call-start
scs
__scs_entry_jumppad:
0x0: {  	(pc) =	sbr.rel $0x88, $3  }
0x1: {  	(tag) =	ssettag $0x0;
	lr =	simm.s32 $0x1  }
0x2: {  	[smem:$0x3F9B] =	sst lr;
	_ =	strace $0xD0000000  }
0x3: {  	_ = 	snop  }
0x4: {  	_ = 	snop  }
0x5: {  	_ = 	snop  }
0x6: {  	_ = 	snop  }
0x7: {  	_ = 	snop  }
__scs_overlays_trampoline_lowered:
0x8: {  	[smem:$0x3FAA] =	sst s0  }
0x9: {  	[smem:$0x3FAB] =	sst s1  }
0xa: {  	[smem:$0x3FAC] =	sst s2  }
0xb: {  	[smem:$0x3FAD] =	sst s3  }
0xc: {  	[smem:$0x3FAE] =	sst s4  }
0xd: {  	[smem:$0x3FAF] =	sst s5  }
0xe: {  	[smem:$0x3FB0] =	sst s6  }
0xf: {  	[smem:$0x3FB1] =	sst s7  }
0x10: {  	[smem:$0x3FB2] =	sst s8  }
0x11: {  	[smem:$0x3FB3] =	sst s9;
	s0 =	simm.s32 @!p0 $0x0  }
0x12: {  	s1 =	sld [smem:$0x3F99];
	s0 =	simm.s32 @p0 $0x1  }
0x13: {  	[smem:$0x3FB4] =	sst s0;
	s0 =	simm.s32 @!p1 $0x0  }
0x14: {  	s2 =	sld [smem:$0x3F98];
	s0 =	simm.s32 @p1 $0x1  }
0x15: {  	[smem:$0x3FB5] =	sst s0;
	s0 =	simm.s32 @!p2 $0x0  }
0x16: {  	s3 =	sld [smem:$0x3FDB];
	s0 =	simm.s32 @p2 $0x1  }
0x17: {  	s4 =	simm.s32 $0x1BF5;
	[smem:$0x3FB7] =	sst s0  }
0x18: {  	s0 =	sld [smem:$0x3F9A];
	_ =	swait.ge [sflag:s4], $0x0  }
0x19: {  	s7 =	sld [smem:$0x3F9B]  }
0x1a: {  	s8 =	sadd.s32 $0xFFFFE003, lr  }
0x1b: {  	s9 =	sadd.s32 $0xFFFFFEF7, lr;
	s5 =	simm.s32 $0xFFFFFFFF;
	p2 =	slt.u32 s8, $0xFFFFF086  }
0x1c: {  	p1 =	slt.u32 s9, $0xF7A;
	s5 =	simm.s32 @!p2 $0x0  }
0x1d: {  	s5 =	simm.s32 @p1 $0x1;
	p0 =	seq.s32 s7, s2  }
0x1e: {  	s7 =	smul.u32 @!p0 $0xF7A, s2;
	p2 =	seq.s32 @!p0 s5, $0x0  }
0x1f: {  	s9 =	smul.u32 $0xF7A, s1;
	s8 =	simm.s32 @!p0 $0x1BF5;
	p2 =	por !p2, p0  }
0x20: {  	[sflag:s8] =	ssyncset.s32 @!p0 $0xFFFFF086;
	s6 =	sadd.s32 @!p0 s3, s7;
	s7 =	simm.s32 @!p0 $0x108  }
0x21: {  	s3 =	sadd.s32 s3, s9;
	s6 =	sadd.s32 @!p0 $0x88, s6;
	s7 =	simm.s32 @p2 $0x1082  }
0x22: {  	[simem:s7], [sflag:s8] =	dma.local @!p0 [hbm:s6], $0xF7A  }
0x23: {  	s9 =	sor.u32 $0xD0000000, s2;
	s6 =	simm.s32 $0x108;
	_ =	swait.ge @!p0 [sflag:s8], $0x0  }
0x24: {  	s3 =	sadd.s32 $0x88, s3;
	s6 =	simm.s32 @!p1 $0x1082;
	[sflag:s4] =	ssyncset.s32 $0xFFFFF086  }
0x25: {  	[simem:s6], [sflag:s4] =	dma.local [hbm:s3], $0xF7A  }
0x26: {  	[smem:$0x3F9B] =	sst s1;
	(tag) =	ssettag s2;
	_ =	strace s9  }
0x27: {  	s1 =	sld [smem:$0x3FAB]  }
0x28: {  	s2 =	sld [smem:$0x3FAC]  }
0x29: {  	s4 =	sld [smem:$0x3FAE]  }
0x2a: {  	p0 =	seq.s32 s5, $0x0;
	s5 =	sld [smem:$0x3FAF]  }
0x2b: {  	s6 =	sld [smem:$0x3FB0]  }
0x2c: {  	s7 =	sld [smem:$0x3FB1]  }
0x2d: {  	s3 =	simm.s32 $0x108;
	s8 =	sld [smem:$0x3FB2]  }
0x2e: {  	s3 =	simm.s32 @!p0 $0x1082;
	s9 =	sld [smem:$0x3FB3]  }
0x2f: {  	lr =	sadd.s32 s0, s3;
	s0 =	sld [smem:$0x3FAA]  }
0x30: {  	s3 =	sld [smem:$0x3FAD]  }
0x31: {  	[smem:$0x3FB6] =	sst s10  }
0x32: {  	s10 =	sld [smem:$0x3FB4];
	_ =	sdelay $0x3  }
0x33: {  	p0 =	seq.s32 s10, $0x1;
	s10 =	sld [smem:$0x3FB6];
	_ =	sdelay $0x3  }
0x34: {  	[smem:$0x3FB6] =	sst s10  }
0x35: {  	s10 =	sld [smem:$0x3FB5];
	_ =	sdelay $0x3  }
0x36: {  	p1 =	seq.s32 s10, $0x1;
	s10 =	sld [smem:$0x3FB6];
	_ =	sdelay $0x3  }
0x37: {  	[smem:$0x3FB6] =	sst s10  }
0x38: {  	s10 =	sld [smem:$0x3FB7]  }
0x39: {  	_ = 	snop;
	(pc) =	sbr.ind lr, $3  }
0x3a: {  	_ = 	snop  }
0x3b: {  	_ = 	snop  }
0x3c: {  	p2 =	seq.s32 s10, $0x1;
	s10 =	sld [smem:$0x3FB6]  }
0x3d: {  	_ =	shalt  }
0x3e: {  	_ =	shalt  }
0x3f: {  	_ =	shalt  }
0x40: {  	_ =	shalt  }
0x41: {  	_ =	shalt  }
0x42: {  	_ =	shalt  }
0x43: {  	_ =	shalt  }
0x44: {  	_ =	shalt  }
0x45: {  	_ =	shalt  }
0x46: {  	_ =	shalt  }
0x47: {  	_ =	shalt  }
0x48: {  	_ =	shalt  }
0x49: {  	_ =	shalt  }
0x4a: {  	_ =	shalt  }
0x4b: {  	_ =	shalt  }
0x4c: {  	_ =	shalt  }
0x4d: {  	_ =	shalt  }
0x4e: {  	_ =	shalt  }
0x4f: {  	_ =	shalt  }
0x50: {  	_ =	shalt  }
0x51: {  	_ =	shalt  }
0x52: {  	_ =	shalt  }
0x53: {  	_ =	shalt  }
0x54: {  	_ =	shalt  }
0x55: {  	_ =	shalt  }
0x56: {  	_ =	shalt  }
0x57: {  	_ =	shalt  }
0x58: {  	_ =	shalt  }
0x59: {  	_ =	shalt  }
0x5a: {  	_ =	shalt  }
0x5b: {  	_ =	shalt  }
0x5c: {  	_ =	shalt  }
0x5d: {  	_ =	shalt  }
0x5e: {  	_ =	shalt  }
0x5f: {  	_ =	shalt  }
0x60: {  	_ =	shalt  }
0x61: {  	_ =	shalt  }
0x62: {  	_ =	shalt  }
0x63: {  	_ =	shalt  }
0x64: {  	_ =	shalt  }
0x65: {  	_ =	shalt  }
0x66: {  	_ =	shalt  }
0x67: {  	_ =	shalt  }
0x68: {  	_ =	shalt  }
0x69: {  	_ =	shalt  }
0x6a: {  	_ =	shalt  }
0x6b: {  	_ =	shalt  }
0x6c: {  	_ =	shalt  }
0x6d: {  	_ =	shalt  }
0x6e: {  	_ =	shalt  }
0x6f: {  	_ =	shalt  }
0x70: {  	_ =	shalt  }
0x71: {  	_ =	shalt  }
0x72: {  	_ =	shalt  }
0x73: {  	_ =	shalt  }
0x74: {  	_ =	shalt  }
0x75: {  	_ =	shalt  }
0x76: {  	_ =	shalt  }
0x77: {  	_ =	shalt  }
0x78: {  	_ =	shalt  }
0x79: {  	_ =	shalt  }
0x7a: {  	_ =	shalt  }
0x7b: {  	_ =	shalt  }
0x7c: {  	_ =	shalt  }
0x7d: {  	_ =	shalt  }
0x7e: {  	_ =	shalt  }
0x7f: {  	_ =	shalt  }
0x80: {  	_ =	shalt  }
0x81: {  	_ =	shalt  }
0x82: {  	_ =	shalt  }
0x83: {  	_ =	shalt  }
0x84: {  	_ =	shalt  }
0x85: {  	_ =	shalt  }
0x86: {  	_ =	shalt  }
0x87: {  	_ =	shalt  }
.Lfunc_end0:
.L_simem_size_0:
called_computation.2_lowered:
.L_overlay_start_0:
0x88: {  	s2 =	sld [smem:$0x3FD9]  }
0x89: {  	s3 =	sld [smem:$0x3FFE];
	_ =	sdelay $0x1  }
0x8a: {  	s1 =	srdreg.scid  }
0x8b: {  	s0 =	sand.u32 $0x1, s1  }
0x8c: {  	s17 =	sshll.u32 s0, $0xA;
	s2 =	sadd.s32 s3, s2  }
0x8d: {  	s2 =	sadd.s32 s2, s17  }
0x8e: {  	[smem:$0x3FC2] =	sst s2  }
0x8f: {  	_ = 	snop  }
0x90: {  	s2 =	sld [smem:$0x3FD0];
	(tm) =	ssettm $0x1  }
0x91: {  	s18 =	sld [smem:$0x3FFB];
	_ =	sdelay $0x3  }
0x92: {  	_ =	strace s18  }
0x93: {  	s3 =	sld [smem:$0x3FFC];
	_ =	sdelay $0x3  }
0x94: {  	_ =	strace s3  }
0x95: {  	s3 =	sld [smem:$0x3FFD];
	_ =	sdelay $0x3  }
0x96: {  	_ =	strace s3  }
0x97: {  	_ =	strace $0x8FFFFFFF  }
0x98: {  	s19 =	sld [smem:$0x3FDB];
	_ =	sdelay $0x1  }
0x99: {  	s4 =	simm.s32 $_scs_section_size  }
0x9a: {  	s5 =	simm.s32 $_size__tile_overlayer_lowered;
	s6 =	simm.s32 $_tile_overlayer_lowered  }
0x9b: {  	s22 =	simm.s32 $0x1BFF;
	s21 =	sshll.u32 s6, $0x1;
	s3 =	sadd.s32 s4, s19  }
0x9c: {  	s7 =	simm.s32 $0x0;
	s20 =	sshll.u32 s5, $0x1;
	s5 =	sadd.s32 s21, s3  }
0x9d: {  	[timem:s7], [sflag:s22] =	dma.local [hbm:s5], s20  }
0x9e: {  	_ =	swait.ge [sflag:s22], s20  }
0x9f: {  	s4 =	ssub.s32 $0x0, s20;
	[sflag:s22] =	ssyncset.done $0x0  }
0xa0: {  	[sflag:s22] =	ssyncadd.s32 s4;
	_ =	sdelay $0x1  }
0xa1: {  	s23 =	simm.s32 $0x1B8B  }
0xa2: {  	_ =	swait.ge [sflag:s23], $0x1  }
0xa3: {  	[sflag:s23] =	ssyncset.done $0x0  }
0xa4: {  	s25 =	simm.s32 $0x1B8E;
	s24 =	sld [smem:$0x3FFE];
	[sflag:s23] =	ssyncadd.s32 $0xFFFFFFFF  }
0xa5: {  	s26 =	simm.s32 $execute0_lowered;
	[smem:$0x3FD2] =	sst s25  }
0xa6: {  	s5 =	sshll.u32 s26, $0x1;
	_ =	strace $0x8000004C;
	[dreg:$0x1] =	wrdreg $0xFFFFFFFF  }
0xa7: {  	s28 =	simm.s32 $_size_execute0_lowered;
	s3 =	sadd.s32 s3, s5;
	[dreg:$0x0] =	wrdreg $0x0  }
0xa8: {  	s5 =	sshll.u32 s28, $0x1;
	[dreg:$0x2] =	wrdreg s3  }
0xa9: {  	[dreg:$0x3] =	wrdreg s5  }
0xaa: {  	[dreg:$0x4] =	wrdreg $0xC0  }
0xab: {  	_ =	task [dreg:s7], $0x5FFFF  }
0xac: {  	[dreg:$0x1] =	wrdreg $0xFFFFFFFF  }
0xad: {  	[dreg:$0x0] =	wrdreg $0x60  }
0xae: {  	[dreg:$0x2] =	wrdreg s24  }
0xaf: {  	[dreg:$0x3] =	wrdreg s2  }
0xb0: {  	[dreg:$0x4] =	wrdreg $0x90000  }
0xb1: {  	[dreg:$0x5] =	wrdreg $0x9  }
0xb2: {  	_ =	task.clear_ibuf [dreg:s7], $0x6FFFF;
	_ =	strace $0x9000004C  }
0xb3: {  	s29 =	simm.s32 $0x9;
	_ =	strace $0x8000004E  }
0xb4: {  	_ =	swait.ge [sflag:s29], $0x1  }
0xb5: {  	[sflag:s29] =	ssyncadd.s32 $0xFFFFFFFF  }
0xb6: {  	_ =	strace $0x9000004E  }
0xb7: {  	_ =	sfence  }
0xb8: {  	s30 =	sld [smem:$0x0];
	_ =	sdelay $0x2  }
0xb9: {  	s31 =	sshll.u32 s1, $0xD;
	s1 =	sshrl.u32 s1, $0x2  }
0xba: {  	s3 =	sand.u32 $0x4000, s31;
	s1 =	sadd.s32 s1, s30  }
0xbb: {  	s0 =	sor.u32 s3, s0;
	s1 =	sshll.u32 s1, $0x11  }
0xbc: {  	s0 =	sor.u32 s1, s0  }
0xbd: {  	s0 =	sadd.s32 $0x8F2B, s0  }
0xbe: {  	[sflag:s0] =	ssyncadd.remote.s32 $0x1  }
0xbf: {  	_ =	sfence.sel $0xFFFF  }
0xc0: {  	[dreg:$0x0] =	wrdreg $0xFFFFFFFF;
	(pc) =	sbr.abs _section_cstart, $3  }
0xc1: {  	[dreg:$0x1] =	wrdreg $0xFFFFFFFF  }
0xc2: {  	_ =	task.clear_ibuf [dreg:s7], $0x2FFFF;
	_ =	strace $0x9FFFFFFF  }
0xc3: {  	(tm) =	ssettm $0x7FFFFFFF  }
tec
execute0_lowered:
.L_overlay_start_1:
0x0: {  	(tag) =	ssettag $0x1  }
0x1: {  	s0 =	rddreg [dreg:$0x0]  }
0x2: {  	s1 =	rddreg [dreg:$0x1];
	s3 =	srdreg.scid  }
0x3: {  	s14 =	stileid.u32;
	s2 =	rddreg [dreg:$0x2]  }
0x4: {  	s16 =	simm.s32 $0x900;
	s17 =	simm.s32 $0x980;
	s18 =	simm.s32 $0x200  }
0x5: {  	s19 =	simm.s32 $0x280;
	s20 =	simm.s32 $0xA00;
	s21 =	simm.s32 $0xA80  }
0x6: {  	s28 =	simm.s32 $0x680;
	s29 =	simm.s32 $0xE00;
	s30 =	simm.s32 $0xE80  }
0x7: {  	s31 =	simm.s32 $0x700;
	s5 =	sand.u32 $0x1, s3;
	s6 =	smul.u32 $0x2800, s14  }
0x8: {  	s3 =	simm.s32 $0x0;
	s9 =	smul.u32 $0x14000, s14;
	s10 =	sadd.s32 $0x34000, s0  }
0x9: {  	s11 =	smul.u32 $0x50000, s14;
	s15 =	sshll.u32 s14, $0x6;
	[smem:$0x7FF] =	sst s3  }
0xa: {  	s4 =	smul.u32 $0x28000, s5;
	_ =	strace $0x8000004D;
	[dreg:$0x9] =	wrdreg s16  }
0xb: {  	s14 =	simm.s32 $0x5000;
	s7 =	smul.u32 $0x140000, s5;
	[dreg:$0xa] =	wrdreg s17  }
0xc: {  	s22 =	ssub.s32 $0x2, s5;
	p0 =	seq.s32 s5, $0x1;
	[dreg:$0xb] =	wrdreg s18  }
0xd: {  	s5 =	simm.s32 $0xF80;
	s13 =	sshrl.u32 s22, $0x1;
	[dreg:$0xc] =	wrdreg s19  }
0xe: {  	s24 =	sshrl.u32 s11, $0x2;
	s11 =	simm.s32 $0x880;
	[dreg:$0xd] =	wrdreg s20  }
0xf: {  	[dreg:$0xe] =	wrdreg s21;
	s16 =	simm.s32 $0x2;
	s17 =	simm.s32 $0x3  }
0x10: {  	s18 =	simm.s32 $0x4;
	s19 =	simm.s32 $0x480;
	s20 =	simm.s32 $0xC00  }
0x11: {  	s21 =	simm.s32 $0xC80;
	s8 =	sadd.s32 s6, s4;
	s4 =	sadd.s32 $0xC000, s0  }
0x12: {  	s7 =	sadd.s32 s9, s7;
	s23 =	ssub.s32 s22, s13;
	s25 =	sadd.s32 s24, s2  }
0x13: {  	[dreg:$0x6] =	wrdreg s11;
	s13 =	simm.s32 $0x180;
	s11 =	simm.s32 $0x800  }
0x14: {  	s22 =	simm.s32 $0x300;
	s24 =	simm.s32 $0xB00;
	s8 =	sshrl.u32 s8, $0x3  }
0x15: {  	s7 =	sshrl.u32 s7, $0x3;
	s9 =	smax.u32 s23, $0x1;
	[dreg:$0x8] =	wrdreg s13  }
0x16: {  	s13 =	simm.s32 $0x1000;
	[dreg:$0xf] =	wrdreg s22;
	s23 =	simm.s32 $0x380  }
0x17: {  	[dreg:$0x11] =	wrdreg s24;
	s22 =	simm.s32 $0x500;
	s24 =	simm.s32 $0xD00  }
0x18: {  	s12 =	sadd.s32 s8, s0;
	s0 =	sadd.s32 s7, s0;
	[dreg:$0x15] =	wrdreg s9  }
0x19: {  	s8 =	sadd.s32 s8, s1;
	s1 =	smov.u32 s4;
	[dreg:$0x10] =	wrdreg s23  }
0x1a: {  	s7 =	sor.u32 $0x1C05, s15;
	s15 =	simm.s32 $0x1;
	[dreg:$0x5] =	wrdreg s8  }
0x1b: {  	s23 =	simm.s32 $0x580;
	s0 =	sadd.s32 $0x5C000, s0;
	[dreg:$0x17] =	wrdreg s7  }
0x1c: {  	s9 =	simm.s32 $0x0;
	s26 =	sadd.s32 $0x2000, s12;
	[dreg:$0x14] =	wrdreg s0  }
0x1d: {  	s1 =	smov.u32 @p0 s10;
	s12 =	simm.s32 $0x100;
	[dreg:$0x4] =	wrdreg s26  }
0x1e: {  	s8 =	sshrl.u32 s25, $0x3;
	s25 =	simm.s32 $0xB80;
	[dreg:$0x7] =	wrdreg s12  }
0x1f: {  	s10 =	simm.s32 $0x5;
	s1 =	sadd.s32 s1, s6;
	[dreg:$0x12] =	wrdreg s25  }
0x20: {  	s12 =	simm.s32 $0x80;
	s26 =	simm.s32 $0x400;
	[dreg:$0x18] =	wrdreg s8  }
0x21: {  	s25 =	simm.s32 $0xD80;
	s0 =	simm.s32 $0xF00;
	[dreg:$0x16] =	wrdreg s1  }
0x22: {  	[dreg:$0x13] =	wrdreg s26;
	s26 =	simm.s32 $0x600;
	s1 =	simm.s32 $0x780  }
.LBB2_1:
0x23: {  	[dreg:$0x19] =	wrdreg s9  }
0x24: {  	s6 =	rddreg [dreg:$0x16]  }
0x25: {  	[spmem:s8], [sflag:s7] =	dma.local [hbm:s6], $0x2800  }
0x26: {  	_ =	swait.ge [sflag:s10], $0x2800  }
0x27: {  	[sflag:s10] =	ssyncset.done $0x0  }
0x28: {  	[sflag:s10] =	ssyncadd.s32 $0xFFFFD800  }
0x29: {  	[bflag:$0x0] =	sbarrier.arrive $0xFFFF  }
0x2a: {  	s9 =	rddreg [dreg:$0x5]  }
0x2b: {  	s7 =	sadd.s32 $0x0, s9  }
0x2c: {  	[tilespmem:s3], [sflag:$0x5] =	stream.linear.gather [hbm4b:s7+s3], $0x800, $0x38;
	[tilespmem:$0x1D000] =	vst v63  }
0x2d: {  	_ =	swait.ge [sflag:s10], $0x800  }
0x2e: {  	s6 =	rddreg [dreg:$0x4];
	[sflag:s10] =	ssyncset.done $0x0  }
0x2f: {  	[sflag:s10] =	ssyncadd.s32 $0xFFFFF800;
	s7 =	sadd.s32 $0x0, s6  }
0x30: {  	[tilespmem:s11], [sflag:$0x5] =	stream.linear.gather [hbm4b:s7+s3], $0x800, $0x38;
	[tilespmem:$0x1D000] =	vst v63  }
0x31: {  	_ =	swait.ge [sflag:s10], $0x800  }
0x32: {  	[sflag:s10] =	ssyncset.done $0x0  }
0x33: {  	[sflag:s10] =	ssyncadd.s32 $0xFFFFF800  }
0x34: {  	[tilespmem:s13], [sflag:$0x1] =	stream.indirect.gather [hbm4b:s4+s12], $0x80, s3, s12, $0xb8;
	[tilespmem:$0x1D000] =	vst v63  }
0x35: {  	_ = 	snop  }
0x36: {  	[tilespmem:s14], [sflag:$0x2] =	stream.indirect.gather [hbm4b:s4+s12], $0x80, s12, s12, $0xb8;
	[tilespmem:$0x1D000] =	vst v63  }
0x37: {  	_ =	swait.ge [sflag:s15], $0x4000  }
0x38: {  	[sflag:s15] =	ssyncset.done $0x0  }
0x39: {  	[sflag:s15] =	ssyncadd.s32 $0xFFFFC000  }
0x3a: {  	[spmem:s2] =	stream.indirect.scatter.add.f32 [tilespmem:s13], [sflag:$0x3], $0x80, s11, s12, $0xb8;
	[tilespmem:$0x1D000] =	vst v63  }
0x3b: {  	_ =	swait.ge [sflag:s16], $0x4000  }
0x3c: {  	[sflag:s16] =	ssyncset.done $0x0  }
0x3d: {  	s8 =	rddreg [dreg:$0x6];
	[sflag:s16] =	ssyncadd.s32 $0xFFFFC000  }
0x3e: {  	[spmem:s2] =	stream.indirect.scatter.add.f32 [tilespmem:s14], [sflag:$0x4], $0x80, s8, s12, $0xb8;
	[tilespmem:$0x1D000] =	vst v63  }
0x3f: {  	_ =	swait.ge [sflag:s17], $0x4000  }
0x40: {  	[sflag:s17] =	ssyncset.done $0x0  }
0x41: {  	s9 =	rddreg [dreg:$0x7];
	[sflag:s17] =	ssyncadd.s32 $0xFFFFC000  }
0x42: {  	[tilespmem:s13], [sflag:$0x1] =	stream.indirect.gather [hbm4b:s4+s12], $0x80, s9, s12, $0xb8;
	[tilespmem:$0x1D000] =	vst v63  }
0x43: {  	_ =	swait.ge [sflag:s18], $0x4000  }
0x44: {  	[sflag:s18] =	ssyncset.done $0x0  }
0x45: {  	s6 =	rddreg [dreg:$0x8];
	[sflag:s18] =	ssyncadd.s32 $0xFFFFC000  }
0x46: {  	[tilespmem:s14], [sflag:$0x2] =	stream.indirect.gather [hbm4b:s4+s12], $0x80, s6, s12, $0xb8;
	[tilespmem:$0x1D000] =	vst v63  }
0x47: {  	_ =	swait.ge [sflag:s15], $0x4000  }
0x48: {  	[sflag:s15] =	ssyncset.done $0x0  }
0x49: {  	s8 =	rddreg [dreg:$0x9];
	[sflag:s15] =	ssyncadd.s32 $0xFFFFC000  }
0x4a: {  	[spmem:s2] =	stream.indirect.scatter.add.f32 [tilespmem:s13], [sflag:$0x3], $0x80, s8, s12, $0xb8;
	[tilespmem:$0x1D000] =	vst v63  }
0x4b: {  	_ =	swait.ge [sflag:s16], $0x4000  }
0x4c: {  	[sflag:s16] =	ssyncset.done $0x0  }
0x4d: {  	s9 =	rddreg [dreg:$0xa];
	[sflag:s16] =	ssyncadd.s32 $0xFFFFC000  }
0x4e: {  	[spmem:s2] =	stream.indirect.scatter.add.f32 [tilespmem:s14], [sflag:$0x4], $0x80, s9, s12, $0xb8;
	[tilespmem:$0x1D000] =	vst v63  }
0x4f: {  	_ =	swait.ge [sflag:s17], $0x4000  }
0x50: {  	[sflag:s17] =	ssyncset.done $0x0  }
0x51: {  	s6 =	rddreg [dreg:$0xb];
	[sflag:s17] =	ssyncadd.s32 $0xFFFFC000  }
0x52: {  	[tilespmem:s13], [sflag:$0x1] =	stream.indirect.gather [hbm4b:s4+s12], $0x80, s6, s12, $0xb8;
	[tilespmem:$0x1D000] =	vst v63  }
0x53: {  	_ =	swait.ge [sflag:s18], $0x4000  }
0x54: {  	[sflag:s18] =	ssyncset.done $0x0  }
0x55: {  	s8 =	rddreg [dreg:$0xc];
	[sflag:s18] =	ssyncadd.s32 $0xFFFFC000  }
0x56: {  	[tilespmem:s14], [sflag:$0x2] =	stream.indirect.gather [hbm4b:s4+s12], $0x80, s8, s12, $0xb8;
	[tilespmem:$0x1D000] =	vst v63  }
0x57: {  	_ =	swait.ge [sflag:s15], $0x4000  }
0x58: {  	[sflag:s15] =	ssyncset.done $0x0  }
0x59: {  	s9 =	rddreg [dreg:$0xd];
	[sflag:s15] =	ssyncadd.s32 $0xFFFFC000  }
0x5a: {  	[spmem:s2] =	stream.indirect.scatter.add.f32 [tilespmem:s13], [sflag:$0x3], $0x80, s9, s12, $0xb8;
	[tilespmem:$0x1D000] =	vst v63  }
0x5b: {  	_ =	swait.ge [sflag:s16], $0x4000  }
0x5c: {  	[sflag:s16] =	ssyncset.done $0x0  }
0x5d: {  	s6 =	rddreg [dreg:$0xe];
	[sflag:s16] =	ssyncadd.s32 $0xFFFFC000  }
0x5e: {  	[spmem:s2] =	stream.indirect.scatter.add.f32 [tilespmem:s14], [sflag:$0x4], $0x80, s6, s12, $0xb8;
	[tilespmem:$0x1D000] =	vst v63  }
0x5f: {  	_ =	swait.ge [sflag:s17], $0x4000  }
0x60: {  	[sflag:s17] =	ssyncset.done $0x0  }
0x61: {  	s8 =	rddreg [dreg:$0xf];
	[sflag:s17] =	ssyncadd.s32 $0xFFFFC000  }
0x62: {  	[tilespmem:s13], [sflag:$0x1] =	stream.indirect.gather [hbm4b:s4+s12], $0x80, s8, s12, $0xb8;
	[tilespmem:$0x1D000] =	vst v63  }
0x63: {  	_ =	swait.ge [sflag:s18], $0x4000  }
0x64: {  	[sflag:s18] =	ssyncset.done $0x0  }
0x65: {  	s9 =	rddreg [dreg:$0x10];
	[sflag:s18] =	ssyncadd.s32 $0xFFFFC000  }
0x66: {  	[tilespmem:s14], [sflag:$0x2] =	stream.indirect.gather [hbm4b:s4+s12], $0x80, s9, s12, $0xb8;
	[tilespmem:$0x1D000] =	vst v63  }
0x67: {  	_ =	swait.ge [sflag:s15], $0x4000  }
0x68: {  	[sflag:s15] =	ssyncset.done $0x0  }
0x69: {  	s6 =	rddreg [dreg:$0x11];
	[sflag:s15] =	ssyncadd.s32 $0xFFFFC000  }
0x6a: {  	[spmem:s2] =	stream.indirect.scatter.add.f32 [tilespmem:s13], [sflag:$0x3], $0x80, s6, s12, $0xb8;
	[tilespmem:$0x1D000] =	vst v63  }
0x6b: {  	_ =	swait.ge [sflag:s16], $0x4000  }
0x6c: {  	[sflag:s16] =	ssyncset.done $0x0  }
0x6d: {  	s8 =	rddreg [dreg:$0x12];
	[sflag:s16] =	ssyncadd.s32 $0xFFFFC000  }
0x6e: {  	[spmem:s2] =	stream.indirect.scatter.add.f32 [tilespmem:s14], [sflag:$0x4], $0x80, s8, s12, $0xb8;
	[tilespmem:$0x1D000] =	vst v63  }
0x6f: {  	_ =	swait.ge [sflag:s17], $0x4000  }
0x70: {  	[sflag:s17] =	ssyncset.done $0x0  }
0x71: {  	s9 =	rddreg [dreg:$0x13];
	[sflag:s17] =	ssyncadd.s32 $0xFFFFC000  }
0x72: {  	[tilespmem:s13], [sflag:$0x1] =	stream.indirect.gather [hbm4b:s4+s12], $0x80, s9, s12, $0xb8;
	[tilespmem:$0x1D000] =	vst v63  }
0x73: {  	_ =	swait.ge [sflag:s18], $0x4000  }
0x74: {  	[sflag:s18] =	ssyncset.done $0x0  }
0x75: {  	[sflag:s18] =	ssyncadd.s32 $0xFFFFC000  }
0x76: {  	[tilespmem:s14], [sflag:$0x2] =	stream.indirect.gather [hbm4b:s4+s12], $0x80, s19, s12, $0xb8;
	[tilespmem:$0x1D000] =	vst v63  }
0x77: {  	_ =	swait.ge [sflag:s15], $0x4000  }
0x78: {  	[sflag:s15] =	ssyncset.done $0x0  }
0x79: {  	[sflag:s15] =	ssyncadd.s32 $0xFFFFC000  }
0x7a: {  	[spmem:s2] =	stream.indirect.scatter.add.f32 [tilespmem:s13], [sflag:$0x3], $0x80, s20, s12, $0xb8;
	[tilespmem:$0x1D000] =	vst v63  }
0x7b: {  	_ =	swait.ge [sflag:s16], $0x4000  }
0x7c: {  	[sflag:s16] =	ssyncset.done $0x0  }
0x7d: {  	[sflag:s16] =	ssyncadd.s32 $0xFFFFC000  }
0x7e: {  	[spmem:s2] =	stream.indirect.scatter.add.f32 [tilespmem:s14], [sflag:$0x4], $0x80, s21, s12, $0xb8;
	[tilespmem:$0x1D000] =	vst v63  }
0x7f: {  	_ =	swait.ge [sflag:s17], $0x4000  }
0x80: {  	[sflag:s17] =	ssyncset.done $0x0  }
0x81: {  	[sflag:s17] =	ssyncadd.s32 $0xFFFFC000  }
0x82: {  	[tilespmem:s13], [sflag:$0x1] =	stream.indirect.gather [hbm4b:s4+s12], $0x80, s22, s12, $0xb8;
	[tilespmem:$0x1D000] =	vst v63  }
0x83: {  	_ =	swait.ge [sflag:s18], $0x4000  }
0x84: {  	[sflag:s18] =	ssyncset.done $0x0  }
0x85: {  	[sflag:s18] =	ssyncadd.s32 $0xFFFFC000  }
0x86: {  	[tilespmem:s14], [sflag:$0x2] =	stream.indirect.gather [hbm4b:s4+s12], $0x80, s23, s12, $0xb8;
	[tilespmem:$0x1D000] =	vst v63  }
0x87: {  	_ =	swait.ge [sflag:s15], $0x4000  }
0x88: {  	[sflag:s15] =	ssyncset.done $0x0  }
0x89: {  	[sflag:s15] =	ssyncadd.s32 $0xFFFFC000  }
0x8a: {  	[spmem:s2] =	stream.indirect.scatter.add.f32 [tilespmem:s13], [sflag:$0x3], $0x80, s24, s12, $0xb8;
	[tilespmem:$0x1D000] =	vst v63  }
0x8b: {  	_ =	swait.ge [sflag:s16], $0x4000  }
0x8c: {  	[sflag:s16] =	ssyncset.done $0x0  }
0x8d: {  	[sflag:s16] =	ssyncadd.s32 $0xFFFFC000  }
0x8e: {  	[spmem:s2] =	stream.indirect.scatter.add.f32 [tilespmem:s14], [sflag:$0x4], $0x80, s25, s12, $0xb8;
	[tilespmem:$0x1D000] =	vst v63  }
0x8f: {  	_ =	swait.ge [sflag:s17], $0x4000  }
0x90: {  	[sflag:s17] =	ssyncset.done $0x0  }
0x91: {  	[sflag:s17] =	ssyncadd.s32 $0xFFFFC000  }
0x92: {  	[tilespmem:s13], [sflag:$0x1] =	stream.indirect.gather [hbm4b:s4+s12], $0x80, s26, s12, $0xb8;
	[tilespmem:$0x1D000] =	vst v63  }
0x93: {  	_ =	swait.ge [sflag:s18], $0x4000  }
0x94: {  	[sflag:s18] =	ssyncset.done $0x0  }
0x95: {  	[sflag:s18] =	ssyncadd.s32 $0xFFFFC000  }
0x96: {  	[tilespmem:s14], [sflag:$0x2] =	stream.indirect.gather [hbm4b:s4+s12], $0x80, s28, s12, $0xb8;
	[tilespmem:$0x1D000] =	vst v63  }
0x97: {  	_ =	swait.ge [sflag:s15], $0x4000  }
0x98: {  	[sflag:s15] =	ssyncset.done $0x0  }
0x99: {  	[sflag:s15] =	ssyncadd.s32 $0xFFFFC000  }
0x9a: {  	[spmem:s2] =	stream.indirect.scatter.add.f32 [tilespmem:s13], [sflag:$0x3], $0x80, s29, s12, $0xb8;
	[tilespmem:$0x1D000] =	vst v63  }
0x9b: {  	_ =	swait.ge [sflag:s16], $0x4000  }
0x9c: {  	[sflag:s16] =	ssyncset.done $0x0  }
0x9d: {  	[sflag:s16] =	ssyncadd.s32 $0xFFFFC000  }
0x9e: {  	[spmem:s2] =	stream.indirect.scatter.add.f32 [tilespmem:s14], [sflag:$0x4], $0x80, s30, s12, $0xb8;
	[tilespmem:$0x1D000] =	vst v63  }
0x9f: {  	_ =	swait.ge [sflag:s17], $0x4000  }
0xa0: {  	[sflag:s17] =	ssyncset.done $0x0  }
0xa1: {  	[sflag:s17] =	ssyncadd.s32 $0xFFFFC000  }
0xa2: {  	[tilespmem:s13], [sflag:$0x1] =	stream.indirect.gather [hbm4b:s4+s12], $0x80, s31, s12, $0xb8;
	[tilespmem:$0x1D000] =	vst v63  }
0xa3: {  	_ =	swait.ge [sflag:s18], $0x4000  }
0xa4: {  	[sflag:s18] =	ssyncset.done $0x0  }
0xa5: {  	[sflag:s18] =	ssyncadd.s32 $0xFFFFC000  }
0xa6: {  	[tilespmem:s14], [sflag:$0x2] =	stream.indirect.gather [hbm4b:s4+s12], $0x80, s1, s12, $0xb8;
	[tilespmem:$0x1D000] =	vst v63  }
0xa7: {  	_ =	swait.ge [sflag:s15], $0x4000  }
0xa8: {  	[sflag:s15] =	ssyncset.done $0x0  }
0xa9: {  	[sflag:s15] =	ssyncadd.s32 $0xFFFFC000  }
0xaa: {  	[spmem:s2] =	stream.indirect.scatter.add.f32 [tilespmem:s13], [sflag:$0x3], $0x80, s0, s12, $0xb8;
	[tilespmem:$0x1D000] =	vst v63  }
0xab: {  	_ =	swait.ge [sflag:s16], $0x4000  }
0xac: {  	[sflag:s16] =	ssyncset.done $0x0  }
0xad: {  	[sflag:s16] =	ssyncadd.s32 $0xFFFFC000  }
0xae: {  	[spmem:s2] =	stream.indirect.scatter.add.f32 [tilespmem:s14], [sflag:$0x4], $0x80, s5, s12, $0xb8;
	[tilespmem:$0x1D000] =	vst v63  }
0xaf: {  	_ =	swait.ge [sflag:s17], $0x4000  }
0xb0: {  	[sflag:s17] =	ssyncset.done $0x0  }
0xb1: {  	[sflag:s17] =	ssyncadd.s32 $0xFFFFC000  }
0xb2: {  	s7 =	simm.s32 $0x100;
	_ =	swait.ge [sflag:s18], $0x4000  }
0xb3: {  	s8 =	simm.s32 $0x200;
	s9 =	rddreg [dreg:$0x5];
	[sflag:s18] =	ssyncset.done $0x0  }
.LBB2_2:
0xb4: {  	[sflag:s18] =	ssyncadd.s32 $0xFFFFC000;
	s9 =	sadd.s32 s7, s9  }
0xb5: {  	[tilespmem:s3], [sflag:$0x5] =	stream.linear.gather [hbm4b:s9+s3], $0x800, $0x38;
	[tilespmem:$0x1D000] =	vst v63  }
0xb6: {  	_ =	swait.ge [sflag:s10], $0x800  }
0xb7: {  	s9 =	rddreg [dreg:$0x4];
	[sflag:s10] =	ssyncset.done $0x0  }
0xb8: {  	[sflag:s10] =	ssyncadd.s32 $0xFFFFF800;
	s9 =	sadd.s32 s7, s9  }
0xb9: {  	[tilespmem:s11], [sflag:$0x5] =	stream.linear.gather [hbm4b:s9+s3], $0x800, $0x38;
	[tilespmem:$0x1D000] =	vst v63  }
0xba: {  	_ =	swait.ge [sflag:s10], $0x800  }
0xbb: {  	[sflag:s10] =	ssyncset.done $0x0  }
0xbc: {  	[sflag:s10] =	ssyncadd.s32 $0xFFFFF800  }
0xbd: {  	[tilespmem:s13], [sflag:$0x1] =	stream.indirect.gather [hbm4b:s4+s12], $0x80, s3, s12, $0xb8;
	[tilespmem:$0x1D000] =	vst v63  }
0xbe: {  	_ = 	snop  }
0xbf: {  	[tilespmem:s14], [sflag:$0x2] =	stream.indirect.gather [hbm4b:s4+s12], $0x80, s12, s12, $0xb8;
	[tilespmem:$0x1D000] =	vst v63  }
0xc0: {  	_ =	swait.ge [sflag:s15], $0x4000  }
0xc1: {  	[sflag:s15] =	ssyncset.done $0x0  }
0xc2: {  	[sflag:s15] =	ssyncadd.s32 $0xFFFFC000  }
0xc3: {  	[spmem:s2] =	stream.indirect.scatter.add.f32 [tilespmem:s13], [sflag:$0x3], $0x80, s11, s12, $0xb8;
	[tilespmem:$0x1D000] =	vst v63  }
0xc4: {  	_ =	swait.ge [sflag:s16], $0x4000  }
0xc5: {  	[sflag:s16] =	ssyncset.done $0x0  }
0xc6: {  	s9 =	rddreg [dreg:$0x6];
	[sflag:s16] =	ssyncadd.s32 $0xFFFFC000  }
0xc7: {  	[spmem:s2] =	stream.indirect.scatter.add.f32 [tilespmem:s14], [sflag:$0x4], $0x80, s9, s12, $0xb8;
	[tilespmem:$0x1D000] =	vst v63  }
0xc8: {  	_ =	swait.ge [sflag:s17], $0x4000  }
0xc9: {  	[sflag:s17] =	ssyncset.done $0x0  }
0xca: {  	s9 =	rddreg [dreg:$0x7];
	[sflag:s17] =	ssyncadd.s32 $0xFFFFC000  }
0xcb: {  	[tilespmem:s13], [sflag:$0x1] =	stream.indirect.gather [hbm4b:s4+s12], $0x80, s9, s12, $0xb8;
	[tilespmem:$0x1D000] =	vst v63  }
0xcc: {  	_ =	swait.ge [sflag:s18], $0x4000  }
0xcd: {  	[sflag:s18] =	ssyncset.done $0x0  }
0xce: {  	s9 =	rddreg [dreg:$0x8];
	[sflag:s18] =	ssyncadd.s32 $0xFFFFC000  }
0xcf: {  	[tilespmem:s14], [sflag:$0x2] =	stream.indirect.gather [hbm4b:s4+s12], $0x80, s9, s12, $0xb8;
	[tilespmem:$0x1D000] =	vst v63  }
0xd0: {  	_ =	swait.ge [sflag:s15], $0x4000  }
0xd1: {  	[sflag:s15] =	ssyncset.done $0x0  }
0xd2: {  	s9 =	rddreg [dreg:$0x9];
	[sflag:s15] =	ssyncadd.s32 $0xFFFFC000  }
0xd3: {  	[spmem:s2] =	stream.indirect.scatter.add.f32 [tilespmem:s13], [sflag:$0x3], $0x80, s9, s12, $0xb8;
	[tilespmem:$0x1D000] =	vst v63  }
0xd4: {  	_ =	swait.ge [sflag:s16], $0x4000  }
0xd5: {  	[sflag:s16] =	ssyncset.done $0x0  }
0xd6: {  	s9 =	rddreg [dreg:$0xa];
	[sflag:s16] =	ssyncadd.s32 $0xFFFFC000  }
0xd7: {  	[spmem:s2] =	stream.indirect.scatter.add.f32 [tilespmem:s14], [sflag:$0x4], $0x80, s9, s12, $0xb8;
	[tilespmem:$0x1D000] =	vst v63  }
0xd8: {  	_ =	swait.ge [sflag:s17], $0x4000  }
0xd9: {  	[sflag:s17] =	ssyncset.done $0x0  }
0xda: {  	s9 =	rddreg [dreg:$0xb];
	[sflag:s17] =	ssyncadd.s32 $0xFFFFC000  }
0xdb: {  	[tilespmem:s13], [sflag:$0x1] =	stream.indirect.gather [hbm4b:s4+s12], $0x80, s9, s12, $0xb8;
	[tilespmem:$0x1D000] =	vst v63  }
0xdc: {  	_ =	swait.ge [sflag:s18], $0x4000  }
0xdd: {  	[sflag:s18] =	ssyncset.done $0x0  }
0xde: {  	s9 =	rddreg [dreg:$0xc];
	[sflag:s18] =	ssyncadd.s32 $0xFFFFC000  }
0xdf: {  	[tilespmem:s14], [sflag:$0x2] =	stream.indirect.gather [hbm4b:s4+s12], $0x80, s9, s12, $0xb8;
	[tilespmem:$0x1D000] =	vst v63  }
0xe0: {  	_ =	swait.ge [sflag:s15], $0x4000  }
0xe1: {  	[sflag:s15] =	ssyncset.done $0x0  }
0xe2: {  	s9 =	rddreg [dreg:$0xd];
	[sflag:s15] =	ssyncadd.s32 $0xFFFFC000  }
0xe3: {  	[spmem:s2] =	stream.indirect.scatter.add.f32 [tilespmem:s13], [sflag:$0x3], $0x80, s9, s12, $0xb8;
	[tilespmem:$0x1D000] =	vst v63  }
0xe4: {  	_ =	swait.ge [sflag:s16], $0x4000  }
0xe5: {  	[sflag:s16] =	ssyncset.done $0x0  }
0xe6: {  	s9 =	rddreg [dreg:$0xe];
	[sflag:s16] =	ssyncadd.s32 $0xFFFFC000  }
0xe7: {  	[spmem:s2] =	stream.indirect.scatter.add.f32 [tilespmem:s14], [sflag:$0x4], $0x80, s9, s12, $0xb8;
	[tilespmem:$0x1D000] =	vst v63  }
0xe8: {  	_ =	swait.ge [sflag:s17], $0x4000  }
0xe9: {  	[sflag:s17] =	ssyncset.done $0x0  }
0xea: {  	s9 =	rddreg [dreg:$0xf];
	[sflag:s17] =	ssyncadd.s32 $0xFFFFC000  }
0xeb: {  	[tilespmem:s13], [sflag:$0x1] =	stream.indirect.gather [hbm4b:s4+s12], $0x80, s9, s12, $0xb8;
	[tilespmem:$0x1D000] =	vst v63  }
0xec: {  	_ =	swait.ge [sflag:s18], $0x4000  }
0xed: {  	[sflag:s18] =	ssyncset.done $0x0  }
0xee: {  	s9 =	rddreg [dreg:$0x10];
	[sflag:s18] =	ssyncadd.s32 $0xFFFFC000  }
0xef: {  	[tilespmem:s14], [sflag:$0x2] =	stream.indirect.gather [hbm4b:s4+s12], $0x80, s9, s12, $0xb8;
	[tilespmem:$0x1D000] =	vst v63  }
0xf0: {  	_ =	swait.ge [sflag:s15], $0x4000  }
0xf1: {  	[sflag:s15] =	ssyncset.done $0x0  }
0xf2: {  	s9 =	rddreg [dreg:$0x11];
	[sflag:s15] =	ssyncadd.s32 $0xFFFFC000  }
0xf3: {  	[spmem:s2] =	stream.indirect.scatter.add.f32 [tilespmem:s13], [sflag:$0x3], $0x80, s9, s12, $0xb8;
	[tilespmem:$0x1D000] =	vst v63  }
0xf4: {  	_ =	swait.ge [sflag:s16], $0x4000  }
0xf5: {  	[sflag:s16] =	ssyncset.done $0x0  }
0xf6: {  	s9 =	rddreg [dreg:$0x12];
	[sflag:s16] =	ssyncadd.s32 $0xFFFFC000  }
0xf7: {  	[spmem:s2] =	stream.indirect.scatter.add.f32 [tilespmem:s14], [sflag:$0x4], $0x80, s9, s12, $0xb8;
	[tilespmem:$0x1D000] =	vst v63  }
0xf8: {  	_ =	swait.ge [sflag:s17], $0x4000  }
0xf9: {  	[sflag:s17] =	ssyncset.done $0x0  }
0xfa: {  	s9 =	rddreg [dreg:$0x13];
	[sflag:s17] =	ssyncadd.s32 $0xFFFFC000  }
0xfb: {  	[tilespmem:s13], [sflag:$0x1] =	stream.indirect.gather [hbm4b:s4+s12], $0x80, s9, s12, $0xb8;
	[tilespmem:$0x1D000] =	vst v63  }
0xfc: {  	_ =	swait.ge [sflag:s18], $0x4000  }
0xfd: {  	[sflag:s18] =	ssyncset.done $0x0  }
0xfe: {  	[sflag:s18] =	ssyncadd.s32 $0xFFFFC000  }
0xff: {  	[tilespmem:s14], [sflag:$0x2] =	stream.indirect.gather [hbm4b:s4+s12], $0x80, s19, s12, $0xb8;
	[tilespmem:$0x1D000] =	vst v63  }
0x100: {  	_ =	swait.ge [sflag:s15], $0x4000  }
0x101: {  	[sflag:s15] =	ssyncset.done $0x0  }
0x102: {  	[sflag:s15] =	ssyncadd.s32 $0xFFFFC000  }
0x103: {  	[spmem:s2] =	stream.indirect.scatter.add.f32 [tilespmem:s13], [sflag:$0x3], $0x80, s20, s12, $0xb8;
	[tilespmem:$0x1D000] =	vst v63  }
0x104: {  	_ =	swait.ge [sflag:s16], $0x4000  }
0x105: {  	[sflag:s16] =	ssyncset.done $0x0  }
0x106: {  	[sflag:s16] =	ssyncadd.s32 $0xFFFFC000  }
0x107: {  	[spmem:s2] =	stream.indirect.scatter.add.f32 [tilespmem:s14], [sflag:$0x4], $0x80, s21, s12, $0xb8;
	[tilespmem:$0x1D000] =	vst v63  }
0x108: {  	_ =	swait.ge [sflag:s17], $0x4000  }
0x109: {  	[sflag:s17] =	ssyncset.done $0x0  }
0x10a: {  	[sflag:s17] =	ssyncadd.s32 $0xFFFFC000  }
0x10b: {  	[tilespmem:s13], [sflag:$0x1] =	stream.indirect.gather [hbm4b:s4+s12], $0x80, s22, s12, $0xb8;
	[tilespmem:$0x1D000] =	vst v63  }
0x10c: {  	_ =	swait.ge [sflag:s18], $0x4000  }
0x10d: {  	[sflag:s18] =	ssyncset.done $0x0  }
0x10e: {  	[sflag:s18] =	ssyncadd.s32 $0xFFFFC000  }
0x10f: {  	[tilespmem:s14], [sflag:$0x2] =	stream.indirect.gather [hbm4b:s4+s12], $0x80, s23, s12, $0xb8;
	[tilespmem:$0x1D000] =	vst v63  }
0x110: {  	_ =	swait.ge [sflag:s15], $0x4000  }
0x111: {  	[sflag:s15] =	ssyncset.done $0x0  }
0x112: {  	[sflag:s15] =	ssyncadd.s32 $0xFFFFC000  }
0x113: {  	[spmem:s2] =	stream.indirect.scatter.add.f32 [tilespmem:s13], [sflag:$0x3], $0x80, s24, s12, $0xb8;
	[tilespmem:$0x1D000] =	vst v63  }
0x114: {  	_ =	swait.ge [sflag:s16], $0x4000  }
0x115: {  	[sflag:s16] =	ssyncset.done $0x0  }
0x116: {  	[sflag:s16] =	ssyncadd.s32 $0xFFFFC000  }
0x117: {  	[spmem:s2] =	stream.indirect.scatter.add.f32 [tilespmem:s14], [sflag:$0x4], $0x80, s25, s12, $0xb8;
	[tilespmem:$0x1D000] =	vst v63  }
0x118: {  	_ =	swait.ge [sflag:s17], $0x4000  }
0x119: {  	[sflag:s17] =	ssyncset.done $0x0  }
0x11a: {  	[sflag:s17] =	ssyncadd.s32 $0xFFFFC000  }
0x11b: {  	[tilespmem:s13], [sflag:$0x1] =	stream.indirect.gather [hbm4b:s4+s12], $0x80, s26, s12, $0xb8;
	[tilespmem:$0x1D000] =	vst v63  }
0x11c: {  	_ =	swait.ge [sflag:s18], $0x4000  }
0x11d: {  	[sflag:s18] =	ssyncset.done $0x0  }
0x11e: {  	[sflag:s18] =	ssyncadd.s32 $0xFFFFC000  }
0x11f: {  	[tilespmem:s14], [sflag:$0x2] =	stream.indirect.gather [hbm4b:s4+s12], $0x80, s28, s12, $0xb8;
	[tilespmem:$0x1D000] =	vst v63  }
0x120: {  	_ =	swait.ge [sflag:s15], $0x4000  }
0x121: {  	[sflag:s15] =	ssyncset.done $0x0  }
0x122: {  	[sflag:s15] =	ssyncadd.s32 $0xFFFFC000  }
0x123: {  	[spmem:s2] =	stream.indirect.scatter.add.f32 [tilespmem:s13], [sflag:$0x3], $0x80, s29, s12, $0xb8;
	[tilespmem:$0x1D000] =	vst v63  }
0x124: {  	_ =	swait.ge [sflag:s16], $0x4000  }
0x125: {  	[sflag:s16] =	ssyncset.done $0x0  }
0x126: {  	[sflag:s16] =	ssyncadd.s32 $0xFFFFC000  }
0x127: {  	[spmem:s2] =	stream.indirect.scatter.add.f32 [tilespmem:s14], [sflag:$0x4], $0x80, s30, s12, $0xb8;
	[tilespmem:$0x1D000] =	vst v63  }
0x128: {  	_ =	swait.ge [sflag:s17], $0x4000  }
0x129: {  	[sflag:s17] =	ssyncset.done $0x0  }
0x12a: {  	[sflag:s17] =	ssyncadd.s32 $0xFFFFC000  }
0x12b: {  	[tilespmem:s13], [sflag:$0x1] =	stream.indirect.gather [hbm4b:s4+s12], $0x80, s31, s12, $0xb8;
	[tilespmem:$0x1D000] =	vst v63  }
0x12c: {  	_ =	swait.ge [sflag:s18], $0x4000  }
0x12d: {  	[sflag:s18] =	ssyncset.done $0x0  }
0x12e: {  	[sflag:s18] =	ssyncadd.s32 $0xFFFFC000  }
0x12f: {  	[tilespmem:s14], [sflag:$0x2] =	stream.indirect.gather [hbm4b:s4+s12], $0x80, s1, s12, $0xb8;
	[tilespmem:$0x1D000] =	vst v63  }
0x130: {  	_ =	swait.ge [sflag:s15], $0x4000  }
0x131: {  	[sflag:s15] =	ssyncset.done $0x0  }
0x132: {  	[sflag:s15] =	ssyncadd.s32 $0xFFFFC000  }
0x133: {  	[spmem:s2] =	stream.indirect.scatter.add.f32 [tilespmem:s13], [sflag:$0x3], $0x80, s0, s12, $0xb8;
	[tilespmem:$0x1D000] =	vst v63  }
0x134: {  	_ =	swait.ge [sflag:s16], $0x4000  }
0x135: {  	[sflag:s16] =	ssyncset.done $0x0  }
0x136: {  	p0 =	sne.s32 s8, $0x400;
	[sflag:s16] =	ssyncadd.s32 $0xFFFFC000  }
0x137: {  	[spmem:s2] =	stream.indirect.scatter.add.f32 [tilespmem:s14], [sflag:$0x4], $0x80, s5, s12, $0xb8;
	[tilespmem:$0x1D000] =	vst v63  }
.Ltmp0:
0x138: {  	_ =	swait.ge [sflag:s17], $0x4000;
	(pc) =	sbr.rel @p0 .LBB2_2-.Ltmp0, $4  }
0x139: {  	[sflag:s17] =	ssyncset.done $0x0  }
0x13a: {  	[sflag:s17] =	ssyncadd.s32 $0xFFFFC000  }
0x13b: {  	s6 =	smov.u32 s8;
	s8 =	sadd.s32 $0x100, s8;
	_ =	swait.ge [sflag:s18], $0x4000  }
0x13c: {  	s7 =	smov.u32 s6;
	s9 =	rddreg [dreg:$0x5];
	[sflag:s18] =	ssyncset.done $0x0  }
0x13d: {  	[sflag:s18] =	ssyncadd.s32 $0xFFFFC000;
	s6 =	sadd.s32 s7, s9  }
0x13e: {  	[tilespmem:s3], [sflag:$0x5] =	stream.linear.gather [hbm4b:s6+s3], $0x800, $0x38;
	[tilespmem:$0x1D000] =	vst v63  }
0x13f: {  	_ =	swait.ge [sflag:s10], $0x800  }
0x140: {  	s9 =	rddreg [dreg:$0x4];
	[sflag:s10] =	ssyncset.done $0x0  }
0x141: {  	s6 =	sadd.s32 s7, s9;
	[sflag:s10] =	ssyncadd.s32 $0xFFFFF800  }
0x142: {  	[tilespmem:s11], [sflag:$0x5] =	stream.linear.gather [hbm4b:s6+s3], $0x800, $0x38;
	[tilespmem:$0x1D000] =	vst v63  }
0x143: {  	_ =	swait.ge [sflag:s10], $0x800  }
0x144: {  	[sflag:s10] =	ssyncset.done $0x0  }
0x145: {  	[sflag:s10] =	ssyncadd.s32 $0xFFFFF800  }
0x146: {  	[tilespmem:s13], [sflag:$0x1] =	stream.indirect.gather [hbm4b:s4+s12], $0x80, s3, s12, $0xb8;
	[tilespmem:$0x1D000] =	vst v63  }
0x147: {  	_ = 	snop  }
0x148: {  	[tilespmem:s14], [sflag:$0x2] =	stream.indirect.gather [hbm4b:s4+s12], $0x80, s12, s12, $0xb8;
	[tilespmem:$0x1D000] =	vst v63  }
0x149: {  	_ =	swait.ge [sflag:s15], $0x4000  }
0x14a: {  	[sflag:s15] =	ssyncset.done $0x0  }
0x14b: {  	[sflag:s15] =	ssyncadd.s32 $0xFFFFC000  }
0x14c: {  	[spmem:s2] =	stream.indirect.scatter.add.f32 [tilespmem:s13], [sflag:$0x3], $0x80, s11, s12, $0xb8;
	[tilespmem:$0x1D000] =	vst v63  }
0x14d: {  	_ =	swait.ge [sflag:s16], $0x4000  }
0x14e: {  	[sflag:s16] =	ssyncset.done $0x0  }
0x14f: {  	s7 =	rddreg [dreg:$0x6];
	[sflag:s16] =	ssyncadd.s32 $0xFFFFC000  }
0x150: {  	[spmem:s2] =	stream.indirect.scatter.add.f32 [tilespmem:s14], [sflag:$0x4], $0x80, s7, s12, $0xb8;
	[tilespmem:$0x1D000] =	vst v63  }
0x151: {  	_ =	swait.ge [sflag:s17], $0x4000  }
0x152: {  	[sflag:s17] =	ssyncset.done $0x0  }
0x153: {  	s8 =	rddreg [dreg:$0x7];
	[sflag:s17] =	ssyncadd.s32 $0xFFFFC000  }
0x154: {  	[tilespmem:s13], [sflag:$0x1] =	stream.indirect.gather [hbm4b:s4+s12], $0x80, s8, s12, $0xb8;
	[tilespmem:$0x1D000] =	vst v63  }
0x155: {  	_ =	swait.ge [sflag:s18], $0x4000  }
0x156: {  	[sflag:s18] =	ssyncset.done $0x0  }
0x157: {  	s9 =	rddreg [dreg:$0x8];
	[sflag:s18] =	ssyncadd.s32 $0xFFFFC000  }
0x158: {  	[tilespmem:s14], [sflag:$0x2] =	stream.indirect.gather [hbm4b:s4+s12], $0x80, s9, s12, $0xb8;
	[tilespmem:$0x1D000] =	vst v63  }
0x159: {  	_ =	swait.ge [sflag:s15], $0x4000  }
0x15a: {  	[sflag:s15] =	ssyncset.done $0x0  }
0x15b: {  	s7 =	rddreg [dreg:$0x9];
	[sflag:s15] =	ssyncadd.s32 $0xFFFFC000  }
0x15c: {  	[spmem:s2] =	stream.indirect.scatter.add.f32 [tilespmem:s13], [sflag:$0x3], $0x80, s7, s12, $0xb8;
	[tilespmem:$0x1D000] =	vst v63  }
0x15d: {  	_ =	swait.ge [sflag:s16], $0x4000  }
0x15e: {  	[sflag:s16] =	ssyncset.done $0x0  }
0x15f: {  	s8 =	rddreg [dreg:$0xa];
	[sflag:s16] =	ssyncadd.s32 $0xFFFFC000  }
0x160: {  	[spmem:s2] =	stream.indirect.scatter.add.f32 [tilespmem:s14], [sflag:$0x4], $0x80, s8, s12, $0xb8;
	[tilespmem:$0x1D000] =	vst v63  }
0x161: {  	_ =	swait.ge [sflag:s17], $0x4000  }
0x162: {  	[sflag:s17] =	ssyncset.done $0x0  }
0x163: {  	s9 =	rddreg [dreg:$0xb];
	[sflag:s17] =	ssyncadd.s32 $0xFFFFC000  }
0x164: {  	[tilespmem:s13], [sflag:$0x1] =	stream.indirect.gather [hbm4b:s4+s12], $0x80, s9, s12, $0xb8;
	[tilespmem:$0x1D000] =	vst v63  }
0x165: {  	_ =	swait.ge [sflag:s18], $0x4000  }
0x166: {  	[sflag:s18] =	ssyncset.done $0x0  }
0x167: {  	s7 =	rddreg [dreg:$0xc];
	[sflag:s18] =	ssyncadd.s32 $0xFFFFC000  }
0x168: {  	[tilespmem:s14], [sflag:$0x2] =	stream.indirect.gather [hbm4b:s4+s12], $0x80, s7, s12, $0xb8;
	[tilespmem:$0x1D000] =	vst v63  }
0x169: {  	_ =	swait.ge [sflag:s15], $0x4000  }
0x16a: {  	[sflag:s15] =	ssyncset.done $0x0  }
0x16b: {  	s8 =	rddreg [dreg:$0xd];
	[sflag:s15] =	ssyncadd.s32 $0xFFFFC000  }
0x16c: {  	[spmem:s2] =	stream.indirect.scatter.add.f32 [tilespmem:s13], [sflag:$0x3], $0x80, s8, s12, $0xb8;
	[tilespmem:$0x1D000] =	vst v63  }
0x16d: {  	_ =	swait.ge [sflag:s16], $0x4000  }
0x16e: {  	[sflag:s16] =	ssyncset.done $0x0  }
0x16f: {  	s9 =	rddreg [dreg:$0xe];
	[sflag:s16] =	ssyncadd.s32 $0xFFFFC000  }
0x170: {  	[spmem:s2] =	stream.indirect.scatter.add.f32 [tilespmem:s14], [sflag:$0x4], $0x80, s9, s12, $0xb8;
	[tilespmem:$0x1D000] =	vst v63  }
0x171: {  	_ =	swait.ge [sflag:s17], $0x4000  }
0x172: {  	[sflag:s17] =	ssyncset.done $0x0  }
0x173: {  	s7 =	rddreg [dreg:$0xf];
	[sflag:s17] =	ssyncadd.s32 $0xFFFFC000  }
0x174: {  	[tilespmem:s13], [sflag:$0x1] =	stream.indirect.gather [hbm4b:s4+s12], $0x80, s7, s12, $0xb8;
	[tilespmem:$0x1D000] =	vst v63  }
0x175: {  	_ =	swait.ge [sflag:s18], $0x4000  }
0x176: {  	[sflag:s18] =	ssyncset.done $0x0  }
0x177: {  	s8 =	rddreg [dreg:$0x10];
	[sflag:s18] =	ssyncadd.s32 $0xFFFFC000  }
0x178: {  	[tilespmem:s14], [sflag:$0x2] =	stream.indirect.gather [hbm4b:s4+s12], $0x80, s8, s12, $0xb8;
	[tilespmem:$0x1D000] =	vst v63  }
0x179: {  	_ =	swait.ge [sflag:s15], $0x4000  }
0x17a: {  	[sflag:s15] =	ssyncset.done $0x0  }
0x17b: {  	s9 =	rddreg [dreg:$0x11];
	[sflag:s15] =	ssyncadd.s32 $0xFFFFC000  }
0x17c: {  	[spmem:s2] =	stream.indirect.scatter.add.f32 [tilespmem:s13], [sflag:$0x3], $0x80, s9, s12, $0xb8;
	[tilespmem:$0x1D000] =	vst v63  }
0x17d: {  	_ =	swait.ge [sflag:s16], $0x4000  }
0x17e: {  	[sflag:s16] =	ssyncset.done $0x0  }
0x17f: {  	s7 =	rddreg [dreg:$0x12];
	[sflag:s16] =	ssyncadd.s32 $0xFFFFC000  }
0x180: {  	[spmem:s2] =	stream.indirect.scatter.add.f32 [tilespmem:s14], [sflag:$0x4], $0x80, s7, s12, $0xb8;
	[tilespmem:$0x1D000] =	vst v63  }
0x181: {  	_ =	swait.ge [sflag:s17], $0x4000  }
0x182: {  	[sflag:s17] =	ssyncset.done $0x0  }
0x183: {  	s8 =	rddreg [dreg:$0x13];
	[sflag:s17] =	ssyncadd.s32 $0xFFFFC000  }
0x184: {  	[tilespmem:s13], [sflag:$0x1] =	stream.indirect.gather [hbm4b:s4+s12], $0x80, s8, s12, $0xb8;
	[tilespmem:$0x1D000] =	vst v63  }
0x185: {  	_ =	swait.ge [sflag:s18], $0x4000  }
0x186: {  	[sflag:s18] =	ssyncset.done $0x0  }
0x187: {  	[sflag:s18] =	ssyncadd.s32 $0xFFFFC000  }
0x188: {  	[tilespmem:s14], [sflag:$0x2] =	stream.indirect.gather [hbm4b:s4+s12], $0x80, s19, s12, $0xb8;
	[tilespmem:$0x1D000] =	vst v63  }
0x189: {  	_ =	swait.ge [sflag:s15], $0x4000  }
0x18a: {  	[sflag:s15] =	ssyncset.done $0x0  }
0x18b: {  	[sflag:s15] =	ssyncadd.s32 $0xFFFFC000  }
0x18c: {  	[spmem:s2] =	stream.indirect.scatter.add.f32 [tilespmem:s13], [sflag:$0x3], $0x80, s20, s12, $0xb8;
	[tilespmem:$0x1D000] =	vst v63  }
0x18d: {  	_ =	swait.ge [sflag:s16], $0x4000  }
0x18e: {  	[sflag:s16] =	ssyncset.done $0x0  }
0x18f: {  	[sflag:s16] =	ssyncadd.s32 $0xFFFFC000  }
0x190: {  	[spmem:s2] =	stream.indirect.scatter.add.f32 [tilespmem:s14], [sflag:$0x4], $0x80, s21, s12, $0xb8;
	[tilespmem:$0x1D000] =	vst v63  }
0x191: {  	_ =	swait.ge [sflag:s17], $0x4000  }
0x192: {  	[sflag:s17] =	ssyncset.done $0x0  }
0x193: {  	[sflag:s17] =	ssyncadd.s32 $0xFFFFC000  }
0x194: {  	[tilespmem:s13], [sflag:$0x1] =	stream.indirect.gather [hbm4b:s4+s12], $0x80, s22, s12, $0xb8;
	[tilespmem:$0x1D000] =	vst v63  }
0x195: {  	_ =	swait.ge [sflag:s18], $0x4000  }
0x196: {  	[sflag:s18] =	ssyncset.done $0x0  }
0x197: {  	[sflag:s18] =	ssyncadd.s32 $0xFFFFC000  }
0x198: {  	[tilespmem:s14], [sflag:$0x2] =	stream.indirect.gather [hbm4b:s4+s12], $0x80, s23, s12, $0xb8;
	[tilespmem:$0x1D000] =	vst v63  }
0x199: {  	_ =	swait.ge [sflag:s15], $0x4000  }
0x19a: {  	[sflag:s15] =	ssyncset.done $0x0  }
0x19b: {  	[sflag:s15] =	ssyncadd.s32 $0xFFFFC000  }
0x19c: {  	[spmem:s2] =	stream.indirect.scatter.add.f32 [tilespmem:s13], [sflag:$0x3], $0x80, s24, s12, $0xb8;
	[tilespmem:$0x1D000] =	vst v63  }
0x19d: {  	_ =	swait.ge [sflag:s16], $0x4000  }
0x19e: {  	[sflag:s16] =	ssyncset.done $0x0  }
0x19f: {  	[sflag:s16] =	ssyncadd.s32 $0xFFFFC000  }
0x1a0: {  	[spmem:s2] =	stream.indirect.scatter.add.f32 [tilespmem:s14], [sflag:$0x4], $0x80, s25, s12, $0xb8;
	[tilespmem:$0x1D000] =	vst v63  }
0x1a1: {  	_ =	swait.ge [sflag:s17], $0x4000  }
0x1a2: {  	[sflag:s17] =	ssyncset.done $0x0  }
0x1a3: {  	[sflag:s17] =	ssyncadd.s32 $0xFFFFC000  }
0x1a4: {  	[tilespmem:s13], [sflag:$0x1] =	stream.indirect.gather [hbm4b:s4+s12], $0x80, s26, s12, $0xb8;
	[tilespmem:$0x1D000] =	vst v63  }
0x1a5: {  	_ =	swait.ge [sflag:s18], $0x4000  }
0x1a6: {  	[sflag:s18] =	ssyncset.done $0x0  }
0x1a7: {  	[sflag:s18] =	ssyncadd.s32 $0xFFFFC000  }
0x1a8: {  	[tilespmem:s14], [sflag:$0x2] =	stream.indirect.gather [hbm4b:s4+s12], $0x80, s28, s12, $0xb8;
	[tilespmem:$0x1D000] =	vst v63  }
0x1a9: {  	_ =	swait.ge [sflag:s15], $0x4000  }
0x1aa: {  	[sflag:s15] =	ssyncset.done $0x0  }
0x1ab: {  	[sflag:s15] =	ssyncadd.s32 $0xFFFFC000  }
0x1ac: {  	[spmem:s2] =	stream.indirect.scatter.add.f32 [tilespmem:s13], [sflag:$0x3], $0x80, s29, s12, $0xb8;
	[tilespmem:$0x1D000] =	vst v63  }
0x1ad: {  	_ =	swait.ge [sflag:s16], $0x4000  }
0x1ae: {  	[sflag:s16] =	ssyncset.done $0x0  }
0x1af: {  	[sflag:s16] =	ssyncadd.s32 $0xFFFFC000  }
0x1b0: {  	[spmem:s2] =	stream.indirect.scatter.add.f32 [tilespmem:s14], [sflag:$0x4], $0x80, s30, s12, $0xb8;
	[tilespmem:$0x1D000] =	vst v63  }
0x1b1: {  	_ =	swait.ge [sflag:s17], $0x4000  }
0x1b2: {  	[sflag:s17] =	ssyncset.done $0x0  }
0x1b3: {  	[sflag:s17] =	ssyncadd.s32 $0xFFFFC000  }
0x1b4: {  	[tilespmem:s13], [sflag:$0x1] =	stream.indirect.gather [hbm4b:s4+s12], $0x80, s31, s12, $0xb8;
	[tilespmem:$0x1D000] =	vst v63  }
0x1b5: {  	_ =	swait.ge [sflag:s18], $0x4000  }
0x1b6: {  	[sflag:s18] =	ssyncset.done $0x0  }
0x1b7: {  	[sflag:s18] =	ssyncadd.s32 $0xFFFFC000  }
0x1b8: {  	[tilespmem:s14], [sflag:$0x2] =	stream.indirect.gather [hbm4b:s4+s12], $0x80, s1, s12, $0xb8;
	[tilespmem:$0x1D000] =	vst v63  }
0x1b9: {  	_ =	swait.ge [sflag:s15], $0x4000  }
0x1ba: {  	[sflag:s15] =	ssyncset.done $0x0  }
0x1bb: {  	[sflag:s15] =	ssyncadd.s32 $0xFFFFC000  }
0x1bc: {  	[spmem:s2] =	stream.indirect.scatter.add.f32 [tilespmem:s13], [sflag:$0x3], $0x80, s0, s12, $0xb8;
	[tilespmem:$0x1D000] =	vst v63  }
0x1bd: {  	_ =	swait.ge [sflag:s16], $0x4000  }
0x1be: {  	[sflag:s16] =	ssyncset.done $0x0  }
0x1bf: {  	[sflag:s16] =	ssyncadd.s32 $0xFFFFC000  }
0x1c0: {  	[spmem:s2] =	stream.indirect.scatter.add.f32 [tilespmem:s14], [sflag:$0x4], $0x80, s5, s12, $0xb8;
	[tilespmem:$0x1D000] =	vst v63  }
0x1c1: {  	_ =	swait.ge [sflag:s17], $0x4000  }
0x1c2: {  	[sflag:s17] =	ssyncset.done $0x0  }
0x1c3: {  	[sflag:s17] =	ssyncadd.s32 $0xFFFFC000  }
0x1c4: {  	_ =	swait.ge [sflag:s18], $0x4000  }
0x1c5: {  	[sflag:s18] =	ssyncset.done $0x0  }
0x1c6: {  	[sflag:s18] =	ssyncadd.s32 $0xFFFFC000  }
0x1c7: {  	[bflag:$0x0] =	sbarrier.arrive $0xFFFF  }
0x1c8: {  	s9 =	rddreg [dreg:$0x14]  }
0x1c9: {  	s7 =	rddreg [dreg:$0x17]  }
0x1ca: {  	s8 =	rddreg [dreg:$0x18]  }
0x1cb: {  	[hbm:s9], [sflag:s7] =	dma.local [spmem:s8], $0x2800  }
0x1cc: {  	_ =	swait.ge [sflag:s10], $0x2800  }
0x1cd: {  	s6 =	rddreg [dreg:$0x19]  }
0x1ce: {  	s9 =	sadd.s32 $0x1, s6;
	s6 =	rddreg [dreg:$0x15]  }
0x1cf: {  	p0 =	sne.s32 s9, s6  }
.Ltmp1:
0x1d0: {  	_ = 	snop;
	(pc) =	sbr.rel @p0 .LBB2_1-.Ltmp1, $3  }
0x1d1: {  	_ =	sdelay $0x1  }
0x1d2: {  	[sflag:s10] =	ssyncset.done $0x0  }
0x1d3: {  	[sflag:s10] =	ssyncadd.s32 $0xFFFFD800  }
0x1d4: {  	_ =	sfence.sel $0x180000  }
0x1d5: {  	[bflag:$0x0] =	sbarrier.arrive $0xFFFF  }
0x1d6: {  	_ =	strace $0x9000004D  }
0x1d7: {  	s0 =	stileid.u32;
	[bflag:$0x2] =	sbarrier.arrive $0xFFFF  }
0x1d8: {  	p0 =	sne.s32 s0, $0x0;
	s0 =	rddreg [dreg:$0x3]  }
0x1d9: {  	s0 =	sadd.s32 @!p0 $0x100000, s0  }
0x1da: {  	[sflag:s0] =	ssyncadd.tile.s32 @!p0 $0x1;
	_ =	shalt  }
.Lfunc_end2:
_tile_overlayer_lowered:
.L_overlay_start_2:
0x1db: {  	(tag) =	ssettag $0x2  }
0x1dc: {  	s0 =	rddreg [dreg:$0x0];
	s2 =	stileid.u32  }
0x1dd: {  	s1 =	rddreg [dreg:$0x1];
	p0 =	sne.s32 s2, $0x0  }
0x1de: {  	s3 =	rddreg [dreg:$0x2];
	[bflag:$0x3] =	sbarrier.arrive $0xFFFF;
	s2 =	simm.s32 @!p0 $0x1C05  }
0x1df: {  	[timem:s3], [sflag:s2] =	dma.local @!p0 [hbm:s0], s1  }
0x1e0: {  	s0 =	simm.s32 @!p0 $0x5  }
0x1e1: {  	_ =	swait.ge @!p0 [sflag:s0], s1  }
0x1e2: {  	s1 =	ssub.s32 @!p0 $0x0, s1;
	[sflag:s0] =	ssyncset.done @!p0 $0x0  }
0x1e3: {  	[sflag:s0] =	ssyncadd.s32 @!p0 s1  }
0x1e4: {  	[bflag:$0x3] =	sbarrier.arrive $0xFFFF  }
0x1e5: {  	_ =	shalt  }

// kernel: kernel.8.cloned.1.call-start
scs
__scs_entry_jumppad:
0x0: {  	(pc) =	sbr.rel $0x88, $3  }
0x1: {  	(tag) =	ssettag $0x0;
	lr =	simm.s32 $0x1  }
0x2: {  	[smem:$0x3F9B] =	sst lr;
	_ =	strace $0xD0000000  }
0x3: {  	_ = 	snop  }
0x4: {  	_ = 	snop  }
0x5: {  	_ = 	snop  }
0x6: {  	_ = 	snop  }
0x7: {  	_ = 	snop  }
__scs_overlays_trampoline_lowered:
0x8: {  	[smem:$0x3FAA] =	sst s0  }
0x9: {  	[smem:$0x3FAB] =	sst s1  }
0xa: {  	[smem:$0x3FAC] =	sst s2  }
0xb: {  	[smem:$0x3FAD] =	sst s3  }
0xc: {  	[smem:$0x3FAE] =	sst s4  }
0xd: {  	[smem:$0x3FAF] =	sst s5  }
0xe: {  	[smem:$0x3FB0] =	sst s6  }
0xf: {  	[smem:$0x3FB1] =	sst s7  }
0x10: {  	[smem:$0x3FB2] =	sst s8  }
0x11: {  	[smem:$0x3FB3] =	sst s9;
	s0 =	simm.s32 @!p0 $0x0  }
0x12: {  	s1 =	sld [smem:$0x3F99];
	s0 =	simm.s32 @p0 $0x1  }
0x13: {  	[smem:$0x3FB4] =	sst s0;
	s0 =	simm.s32 @!p1 $0x0  }
0x14: {  	s2 =	sld [smem:$0x3F98];
	s0 =	simm.s32 @p1 $0x1  }
0x15: {  	[smem:$0x3FB5] =	sst s0;
	s0 =	simm.s32 @!p2 $0x0  }
0x16: {  	s3 =	sld [smem:$0x3FDB];
	s0 =	simm.s32 @p2 $0x1  }
0x17: {  	s4 =	simm.s32 $0x1BF5;
	[smem:$0x3FB7] =	sst s0  }
0x18: {  	s0 =	sld [smem:$0x3F9A];
	_ =	swait.ge [sflag:s4], $0x0  }
0x19: {  	s7 =	sld [smem:$0x3F9B]  }
0x1a: {  	s8 =	sadd.s32 $0xFFFFE003, lr  }
0x1b: {  	s9 =	sadd.s32 $0xFFFFFEF7, lr;
	s5 =	simm.s32 $0xFFFFFFFF;
	p2 =	slt.u32 s8, $0xFFFFF086  }
0x1c: {  	p1 =	slt.u32 s9, $0xF7A;
	s5 =	simm.s32 @!p2 $0x0  }
0x1d: {  	s5 =	simm.s32 @p1 $0x1;
	p0 =	seq.s32 s7, s2  }
0x1e: {  	s7 =	smul.u32 @!p0 $0xF7A, s2;
	p2 =	seq.s32 @!p0 s5, $0x0  }
0x1f: {  	s9 =	smul.u32 $0xF7A, s1;
	s8 =	simm.s32 @!p0 $0x1BF5;
	p2 =	por !p2, p0  }
0x20: {  	[sflag:s8] =	ssyncset.s32 @!p0 $0xFFFFF086;
	s6 =	sadd.s32 @!p0 s3, s7;
	s7 =	simm.s32 @!p0 $0x108  }
0x21: {  	s3 =	sadd.s32 s3, s9;
	s6 =	sadd.s32 @!p0 $0x88, s6;
	s7 =	simm.s32 @p2 $0x1082  }
0x22: {  	[simem:s7], [sflag:s8] =	dma.local @!p0 [hbm:s6], $0xF7A  }
0x23: {  	s9 =	sor.u32 $0xD0000000, s2;
	s6 =	simm.s32 $0x108;
	_ =	swait.ge @!p0 [sflag:s8], $0x0  }
0x24: {  	s3 =	sadd.s32 $0x88, s3;
	s6 =	simm.s32 @!p1 $0x1082;
	[sflag:s4] =	ssyncset.s32 $0xFFFFF086  }
0x25: {  	[simem:s6], [sflag:s4] =	dma.local [hbm:s3], $0xF7A  }
0x26: {  	[smem:$0x3F9B] =	sst s1;
	(tag) =	ssettag s2;
	_ =	strace s9  }
0x27: {  	s1 =	sld [smem:$0x3FAB]  }
0x28: {  	s2 =	sld [smem:$0x3FAC]  }
0x29: {  	s4 =	sld [smem:$0x3FAE]  }
0x2a: {  	p0 =	seq.s32 s5, $0x0;
	s5 =	sld [smem:$0x3FAF]  }
0x2b: {  	s6 =	sld [smem:$0x3FB0]  }
0x2c: {  	s7 =	sld [smem:$0x3FB1]  }
0x2d: {  	s3 =	simm.s32 $0x108;
	s8 =	sld [smem:$0x3FB2]  }
0x2e: {  	s3 =	simm.s32 @!p0 $0x1082;
	s9 =	sld [smem:$0x3FB3]  }
0x2f: {  	lr =	sadd.s32 s0, s3;
	s0 =	sld [smem:$0x3FAA]  }
0x30: {  	s3 =	sld [smem:$0x3FAD]  }
0x31: {  	[smem:$0x3FB6] =	sst s10  }
0x32: {  	s10 =	sld [smem:$0x3FB4];
	_ =	sdelay $0x3  }
0x33: {  	p0 =	seq.s32 s10, $0x1;
	s10 =	sld [smem:$0x3FB6];
	_ =	sdelay $0x3  }
0x34: {  	[smem:$0x3FB6] =	sst s10  }
0x35: {  	s10 =	sld [smem:$0x3FB5];
	_ =	sdelay $0x3  }
0x36: {  	p1 =	seq.s32 s10, $0x1;
	s10 =	sld [smem:$0x3FB6];
	_ =	sdelay $0x3  }
0x37: {  	[smem:$0x3FB6] =	sst s10  }
0x38: {  	s10 =	sld [smem:$0x3FB7]  }
0x39: {  	_ = 	snop;
	(pc) =	sbr.ind lr, $3  }
0x3a: {  	_ = 	snop  }
0x3b: {  	_ = 	snop  }
0x3c: {  	p2 =	seq.s32 s10, $0x1;
	s10 =	sld [smem:$0x3FB6]  }
0x3d: {  	_ =	shalt  }
0x3e: {  	_ =	shalt  }
0x3f: {  	_ =	shalt  }
0x40: {  	_ =	shalt  }
0x41: {  	_ =	shalt  }
0x42: {  	_ =	shalt  }
0x43: {  	_ =	shalt  }
0x44: {  	_ =	shalt  }
0x45: {  	_ =	shalt  }
0x46: {  	_ =	shalt  }
0x47: {  	_ =	shalt  }
0x48: {  	_ =	shalt  }
0x49: {  	_ =	shalt  }
0x4a: {  	_ =	shalt  }
0x4b: {  	_ =	shalt  }
0x4c: {  	_ =	shalt  }
0x4d: {  	_ =	shalt  }
0x4e: {  	_ =	shalt  }
0x4f: {  	_ =	shalt  }
0x50: {  	_ =	shalt  }
0x51: {  	_ =	shalt  }
0x52: {  	_ =	shalt  }
0x53: {  	_ =	shalt  }
0x54: {  	_ =	shalt  }
0x55: {  	_ =	shalt  }
0x56: {  	_ =	shalt  }
0x57: {  	_ =	shalt  }
0x58: {  	_ =	shalt  }
0x59: {  	_ =	shalt  }
0x5a: {  	_ =	shalt  }
0x5b: {  	_ =	shalt  }
0x5c: {  	_ =	shalt  }
0x5d: {  	_ =	shalt  }
0x5e: {  	_ =	shalt  }
0x5f: {  	_ =	shalt  }
0x60: {  	_ =	shalt  }
0x61: {  	_ =	shalt  }
0x62: {  	_ =	shalt  }
0x63: {  	_ =	shalt  }
0x64: {  	_ =	shalt  }
0x65: {  	_ =	shalt  }
0x66: {  	_ =	shalt  }
0x67: {  	_ =	shalt  }
0x68: {  	_ =	shalt  }
0x69: {  	_ =	shalt  }
0x6a: {  	_ =	shalt  }
0x6b: {  	_ =	shalt  }
0x6c: {  	_ =	shalt  }
0x6d: {  	_ =	shalt  }
0x6e: {  	_ =	shalt  }
0x6f: {  	_ =	shalt  }
0x70: {  	_ =	shalt  }
0x71: {  	_ =	shalt  }
0x72: {  	_ =	shalt  }
0x73: {  	_ =	shalt  }
0x74: {  	_ =	shalt  }
0x75: {  	_ =	shalt  }
0x76: {  	_ =	shalt  }
0x77: {  	_ =	shalt  }
0x78: {  	_ =	shalt  }
0x79: {  	_ =	shalt  }
0x7a: {  	_ =	shalt  }
0x7b: {  	_ =	shalt  }
0x7c: {  	_ =	shalt  }
0x7d: {  	_ =	shalt  }
0x7e: {  	_ =	shalt  }
0x7f: {  	_ =	shalt  }
0x80: {  	_ =	shalt  }
0x81: {  	_ =	shalt  }
0x82: {  	_ =	shalt  }
0x83: {  	_ =	shalt  }
0x84: {  	_ =	shalt  }
0x85: {  	_ =	shalt  }
0x86: {  	_ =	shalt  }
0x87: {  	_ =	shalt  }
.Lfunc_end0:
.L_simem_size_0:
called_computation_lowered:
.L_overlay_start_0:
0x88: {  	s2 =	sld [smem:$0x3FD9]  }
0x89: {  	s3 =	sld [smem:$0x3FFE];
	_ =	sdelay $0x1  }
0x8a: {  	s1 =	srdreg.scid  }
0x8b: {  	s0 =	sand.u32 $0x1, s1  }
0x8c: {  	s16 =	sshll.u32 s0, $0xA;
	s2 =	sadd.s32 s3, s2  }
0x8d: {  	s2 =	sadd.s32 s2, s16  }
0x8e: {  	[smem:$0x3FC2] =	sst s2  }
0x8f: {  	_ = 	snop  }
0x90: {  	(tm) =	ssettm $0x1  }
0x91: {  	s17 =	sld [smem:$0x3FFB];
	_ =	sdelay $0x3  }
0x92: {  	_ =	strace s17  }
0x93: {  	s2 =	sld [smem:$0x3FFC];
	_ =	sdelay $0x3  }
0x94: {  	_ =	strace s2  }
0x95: {  	s2 =	sld [smem:$0x3FFD];
	_ =	sdelay $0x3  }
0x96: {  	_ =	strace s2  }
0x97: {  	_ =	strace $0x8FFFFFFF  }
0x98: {  	s18 =	sld [smem:$0x3FDB];
	_ =	sdelay $0x1  }
0x99: {  	s19 =	simm.s32 $_scs_section_size  }
0x9a: {  	s4 =	simm.s32 $_size__tile_overlayer_lowered;
	s5 =	simm.s32 $_tile_overlayer_lowered  }
0x9b: {  	s22 =	simm.s32 $0x1BFF;
	s21 =	sshll.u32 s5, $0x1;
	s2 =	sadd.s32 s19, s18  }
0x9c: {  	s6 =	simm.s32 $0x0;
	s20 =	sshll.u32 s4, $0x1;
	s4 =	sadd.s32 s21, s2  }
0x9d: {  	[timem:s6], [sflag:s22] =	dma.local [hbm:s4], s20  }
0x9e: {  	_ =	swait.ge [sflag:s22], s20  }
0x9f: {  	s3 =	ssub.s32 $0x0, s20;
	[sflag:s22] =	ssyncset.done $0x0  }
0xa0: {  	[sflag:s22] =	ssyncadd.s32 s3;
	_ =	sdelay $0x1  }
0xa1: {  	s23 =	simm.s32 $0x1B8B  }
0xa2: {  	_ =	swait.ge [sflag:s23], $0x1  }
0xa3: {  	[sflag:s23] =	ssyncset.done $0x0  }
0xa4: {  	s25 =	simm.s32 $0x1B8E;
	s24 =	sld [smem:$0x3FFE];
	[sflag:s23] =	ssyncadd.s32 $0xFFFFFFFF  }
0xa5: {  	s26 =	simm.s32 $execute0_lowered;
	[smem:$0x3FD2] =	sst s25  }
0xa6: {  	s4 =	sshll.u32 s26, $0x1;
	_ =	strace $0x80000046;
	[dreg:$0x1] =	wrdreg $0xFFFFFFFF  }
0xa7: {  	s28 =	simm.s32 $_size_execute0_lowered;
	s2 =	sadd.s32 s2, s4;
	[dreg:$0x0] =	wrdreg $0x0  }
0xa8: {  	s4 =	sshll.u32 s28, $0x1;
	[dreg:$0x2] =	wrdreg s2  }
0xa9: {  	[dreg:$0x3] =	wrdreg s4  }
0xaa: {  	[dreg:$0x4] =	wrdreg $0xC0  }
0xab: {  	_ =	task [dreg:s6], $0x5FFFF  }
0xac: {  	[dreg:$0x1] =	wrdreg $0xFFFFFFFF  }
0xad: {  	[dreg:$0x0] =	wrdreg $0x60  }
0xae: {  	[dreg:$0x2] =	wrdreg s24  }
0xaf: {  	[dreg:$0x3] =	wrdreg $0x78000  }
0xb0: {  	[dreg:$0x4] =	wrdreg $0x9  }
0xb1: {  	_ =	task.clear_ibuf [dreg:s6], $0x5FFFF;
	_ =	strace $0x90000046  }
0xb2: {  	s29 =	simm.s32 $0x9;
	_ =	strace $0x80000048  }
0xb3: {  	_ =	swait.ge [sflag:s29], $0x1  }
0xb4: {  	[sflag:s29] =	ssyncadd.s32 $0xFFFFFFFF  }
0xb5: {  	_ =	strace $0x90000048  }
0xb6: {  	_ =	sfence  }
0xb7: {  	s30 =	sld [smem:$0x0];
	_ =	sdelay $0x2  }
0xb8: {  	s31 =	sshll.u32 s1, $0xD;
	s1 =	sshrl.u32 s1, $0x2  }
0xb9: {  	s3 =	sand.u32 $0x4000, s31;
	s1 =	sadd.s32 s1, s30  }
0xba: {  	s0 =	sor.u32 s3, s0;
	s1 =	sshll.u32 s1, $0x11  }
0xbb: {  	s0 =	sor.u32 s1, s0  }
0xbc: {  	s0 =	sadd.s32 $0x8F2B, s0  }
0xbd: {  	[sflag:s0] =	ssyncadd.remote.s32 $0x1  }
0xbe: {  	_ =	sfence.sel $0xFFFF  }
0xbf: {  	[dreg:$0x0] =	wrdreg $0xFFFFFFFF;
	(pc) =	sbr.abs _section_cstart, $3  }
0xc0: {  	[dreg:$0x1] =	wrdreg $0xFFFFFFFF  }
0xc1: {  	_ =	task.clear_ibuf [dreg:s6], $0x2FFFF;
	_ =	strace $0x9FFFFFFF  }
0xc2: {  	(tm) =	ssettm $0x7FFFFFFF  }
0xc3: {  	_ =	shalt  }
tec
execute0_lowered:
.L_overlay_start_1:
0x0: {  	(tag) =	ssettag $0x1  }
0x1: {  	s0 =	rddreg [dreg:$0x0];
	s1 =	srdreg.scid  }
0x2: {  	s20 =	rddreg [dreg:$0x1];
	s15 =	stileid.u32;
	s2 =	simm.s32 $0x0  }
0x3: {  	s23 =	simm.s32 $0x1;
	s24 =	simm.s32 $0x2800;
	s25 =	simm.s32 $0x80  }
0x4: {  	s26 =	simm.s32 $0x400;
	s1 =	sand.u32 $0x1, s1;
	s4 =	smul.u32 $0x500, s15  }
0x5: {  	s6 =	sshrl.u32 s15, $0x3;
	[smem:$0x7FF] =	sst s2;
	s31 =	sshll.u32 s15, $0x7  }
0x6: {  	s21 =	smul.u32 $0xA000, s15;
	s3 =	sshll.u32 s1, $0x4;
	s5 =	sshll.u32 s1, $0x7  }
0x7: {  	s28 =	smul.u32 $0x5000, s6;
	_ =	strace $0x80000047;
	s1 =	ssub.s32 $0x2, s1  }
0x8: {  	s3 =	sor.u32 s15, s3;
	s4 =	sor.u32 s5, s4;
	s7 =	sshrl.u32 s1, $0x1  }
0x9: {  	s21 =	sshrl.u32 s21, $0x2;
	s3 =	smul.u32 $0x500, s3;
	s30 =	sshrl.u32 s4, $0x3  }
0xa: {  	s5 =	sshrl.u32 s28, $0x2;
	s4 =	sand.u32 $0x380, s31;
	s1 =	ssub.s32 s1, s7  }
0xb: {  	s5 =	sadd.s32 s5, s20;
	s20 =	sadd.s32 s21, s20;
	s22 =	smax.u32 s1, $0x1  }
0xc: {  	s29 =	sadd.s32 s3, s0;
	s0 =	sadd.s32 s30, s0;
	s3 =	sadd.s32 s4, s5  }
0xd: {  	s4 =	sadd.s32 $0x2000, s29;
	s5 =	sadd.s32 $0x2800, s3;
	s6 =	sadd.s32 $0x5000, s3  }
0xe: {  	s7 =	sadd.s32 $0x7800, s3;
	s8 =	sadd.s32 $0xA000, s3;
	s9 =	sadd.s32 $0xC800, s3  }
0xf: {  	s10 =	sadd.s32 $0xF000, s3;
	s11 =	sadd.s32 $0x11800, s3;
	s12 =	sadd.s32 $0x14000, s3  }
0x10: {  	s13 =	sadd.s32 $0x16800, s3;
	s14 =	sadd.s32 $0x19000, s3;
	s15 =	sadd.s32 $0x1B800, s3  }
0x11: {  	s16 =	sadd.s32 $0x1E000, s3;
	s17 =	sadd.s32 $0x20800, s3;
	s18 =	sadd.s32 $0x23000, s3  }
0x12: {  	v0 =	vimm.f32 $0.0e+00;
	v1 =	vimm.f32 $1.000000000e+00;
	s19 =	sadd.s32 $0x25800, s3;
	s21 =	sadd.s32 $0xC000, s0;
	s0 =	simm.s32 $0x100  }
.LBB2_1:
0x13: {  	s1 =	simm.s32 $0x40;
	s28 =	simm.s32 $0x0  }
.LBB2_2:
0x14: {  	p0 =	sne.s32 s1, $0x9FC0;
	[tilespmem:s28+$0x2800] =	vst v0;
	s28 =	smov.u32 s1;
	s1 =	sadd.s32 $0x40, s1  }
.Ltmp0:
0x15: {  	(pc) =	sbr.rel @p0 .LBB2_2-.Ltmp0, $2  }
0x16: {  	_ =	sdelay $0x2  }
0x17: {  	s28 =	sshra.s32 s28, $0x2  }
0x18: {  	[tilespmem:s28+$0x2800] =	vst v0;
	s1 =	simm.s32 $0x0  }
0x19: {  	[tilespmem:s1], [sflag:$0x1] =	stream.linear.gather [hbm4b:s4+s1], $0x2800, $0x38;
	[tilespmem:$0xA000] =	vst v63  }
0x1a: {  	_ =	swait.ge [sflag:s23], $0x2800  }
0x1b: {  	[sflag:s23] =	ssyncset.done $0x0  }
0x1c: {  	[sflag:s23] =	ssyncadd.s32 $0xFFFFD800  }
.LBB2_4:
0x1d: {  	s28 =	sshra.s32 s1, $0x2  }
0x1e: {  	v2 =	vld [tilespmem:s28+$0x0];
	_ =	sdelay $0x7  }
0x1f: {  	[tilespmem:v2+s24+$0x0] =	vst.idx.add.f32.msk $0xffff, v1  }
0x20: {  	v2 =	vld [tilespmem:s28+$0x10];
	_ =	sdelay $0x7  }
0x21: {  	[tilespmem:v2+s24+$0x0] =	vst.idx.add.f32.msk $0xffff, v1  }
0x22: {  	v2 =	vld [tilespmem:s28+$0x20];
	_ =	sdelay $0x7  }
0x23: {  	[tilespmem:v2+s24+$0x0] =	vst.idx.add.f32.msk $0xffff, v1  }
0x24: {  	v2 =	vld [tilespmem:s28+$0x30];
	_ =	sdelay $0x7  }
0x25: {  	[tilespmem:v2+s24+$0x0] =	vst.idx.add.f32.msk $0xffff, v1  }
0x26: {  	v2 =	vld [tilespmem:s28+$0x40];
	_ =	sdelay $0x7  }
0x27: {  	[tilespmem:v2+s24+$0x0] =	vst.idx.add.f32.msk $0xffff, v1  }
0x28: {  	v2 =	vld [tilespmem:s28+$0x50];
	_ =	sdelay $0x7  }
0x29: {  	[tilespmem:v2+s24+$0x0] =	vst.idx.add.f32.msk $0xffff, v1  }
0x2a: {  	v2 =	vld [tilespmem:s28+$0x60];
	_ =	sdelay $0x7  }
0x2b: {  	[tilespmem:v2+s24+$0x0] =	vst.idx.add.f32.msk $0xffff, v1  }
0x2c: {  	v2 =	vld [tilespmem:s28+$0x70];
	_ =	sdelay $0x2  }
0x2d: {  	p0 =	sne.s32 s1, $0x9E00  }
.Ltmp1:
0x2e: {  	_ = 	snop;
	(pc) =	sbr.rel @p0 .LBB2_4-.Ltmp1, $2  }
0x2f: {  	_ =	sdelay $0x2  }
0x30: {  	s1 =	sadd.s32 $0x200, s1;
	[tilespmem:v2+s24+$0x0] =	vst.idx.add.f32.msk $0xffff, v1  }
0x31: {  	s1 =	simm.s32 $0x2800  }
0x32: {  	[spmem:s3] =	stream.strided.scatter [tilespmem:s1], [sflag:$0x1], $0x280, s26, s25, $0x38;
	[tilespmem:$0xA000] =	vst v63  }
0x33: {  	_ =	swait.ge [sflag:s23], $0x280  }
0x34: {  	[sflag:s23] =	ssyncset.done $0x0  }
0x35: {  	s28 =	simm.s32 $0x2A80;
	[sflag:s23] =	ssyncadd.s32 $0xFFFFFD80  }
0x36: {  	[spmem:s5] =	stream.strided.scatter [tilespmem:s28], [sflag:$0x1], $0x280, s26, s25, $0x38;
	[tilespmem:$0xA000] =	vst v63  }
0x37: {  	_ =	swait.ge [sflag:s23], $0x280  }
0x38: {  	[sflag:s23] =	ssyncset.done $0x0  }
0x39: {  	s28 =	simm.s32 $0x2D00;
	[sflag:s23] =	ssyncadd.s32 $0xFFFFFD80  }
0x3a: {  	[spmem:s6] =	stream.strided.scatter [tilespmem:s28], [sflag:$0x1], $0x280, s26, s25, $0x38;
	[tilespmem:$0xA000] =	vst v63  }
0x3b: {  	_ =	swait.ge [sflag:s23], $0x280  }
0x3c: {  	[sflag:s23] =	ssyncset.done $0x0  }
0x3d: {  	s28 =	simm.s32 $0x2F80;
	[sflag:s23] =	ssyncadd.s32 $0xFFFFFD80  }
0x3e: {  	[spmem:s7] =	stream.strided.scatter [tilespmem:s28], [sflag:$0x1], $0x280, s26, s25, $0x38;
	[tilespmem:$0xA000] =	vst v63  }
0x3f: {  	_ =	swait.ge [sflag:s23], $0x280  }
0x40: {  	[sflag:s23] =	ssyncset.done $0x0  }
0x41: {  	s28 =	simm.s32 $0x3200;
	[sflag:s23] =	ssyncadd.s32 $0xFFFFFD80  }
0x42: {  	[spmem:s8] =	stream.strided.scatter [tilespmem:s28], [sflag:$0x1], $0x280, s26, s25, $0x38;
	[tilespmem:$0xA000] =	vst v63  }
0x43: {  	_ =	swait.ge [sflag:s23], $0x280  }
0x44: {  	[sflag:s23] =	ssyncset.done $0x0  }
0x45: {  	s28 =	simm.s32 $0x3480;
	[sflag:s23] =	ssyncadd.s32 $0xFFFFFD80  }
0x46: {  	[spmem:s9] =	stream.strided.scatter [tilespmem:s28], [sflag:$0x1], $0x280, s26, s25, $0x38;
	[tilespmem:$0xA000] =	vst v63  }
0x47: {  	_ =	swait.ge [sflag:s23], $0x280  }
0x48: {  	[sflag:s23] =	ssyncset.done $0x0  }
0x49: {  	s28 =	simm.s32 $0x3700;
	[sflag:s23] =	ssyncadd.s32 $0xFFFFFD80  }
0x4a: {  	[spmem:s10] =	stream.strided.scatter [tilespmem:s28], [sflag:$0x1], $0x280, s26, s25, $0x38;
	[tilespmem:$0xA000] =	vst v63  }
0x4b: {  	_ =	swait.ge [sflag:s23], $0x280  }
0x4c: {  	[sflag:s23] =	ssyncset.done $0x0  }
0x4d: {  	s28 =	simm.s32 $0x3980;
	[sflag:s23] =	ssyncadd.s32 $0xFFFFFD80  }
0x4e: {  	[spmem:s11] =	stream.strided.scatter [tilespmem:s28], [sflag:$0x1], $0x280, s26, s25, $0x38;
	[tilespmem:$0xA000] =	vst v63  }
0x4f: {  	_ =	swait.ge [sflag:s23], $0x280  }
0x50: {  	[sflag:s23] =	ssyncset.done $0x0  }
0x51: {  	s28 =	simm.s32 $0x3C00;
	[sflag:s23] =	ssyncadd.s32 $0xFFFFFD80  }
0x52: {  	[spmem:s12] =	stream.strided.scatter [tilespmem:s28], [sflag:$0x1], $0x280, s26, s25, $0x38;
	[tilespmem:$0xA000] =	vst v63  }
0x53: {  	_ =	swait.ge [sflag:s23], $0x280  }
0x54: {  	[sflag:s23] =	ssyncset.done $0x0  }
0x55: {  	s28 =	simm.s32 $0x3E80;
	[sflag:s23] =	ssyncadd.s32 $0xFFFFFD80  }
0x56: {  	[spmem:s13] =	stream.strided.scatter [tilespmem:s28], [sflag:$0x1], $0x280, s26, s25, $0x38;
	[tilespmem:$0xA000] =	vst v63  }
0x57: {  	_ =	swait.ge [sflag:s23], $0x280  }
0x58: {  	[sflag:s23] =	ssyncset.done $0x0  }
0x59: {  	s28 =	simm.s32 $0x4100;
	[sflag:s23] =	ssyncadd.s32 $0xFFFFFD80  }
0x5a: {  	[spmem:s14] =	stream.strided.scatter [tilespmem:s28], [sflag:$0x1], $0x280, s26, s25, $0x38;
	[tilespmem:$0xA000] =	vst v63  }
0x5b: {  	_ =	swait.ge [sflag:s23], $0x280  }
0x5c: {  	[sflag:s23] =	ssyncset.done $0x0  }
0x5d: {  	s28 =	simm.s32 $0x4380;
	[sflag:s23] =	ssyncadd.s32 $0xFFFFFD80  }
0x5e: {  	[spmem:s15] =	stream.strided.scatter [tilespmem:s28], [sflag:$0x1], $0x280, s26, s25, $0x38;
	[tilespmem:$0xA000] =	vst v63  }
0x5f: {  	_ =	swait.ge [sflag:s23], $0x280  }
0x60: {  	[sflag:s23] =	ssyncset.done $0x0  }
0x61: {  	s28 =	simm.s32 $0x4600;
	[sflag:s23] =	ssyncadd.s32 $0xFFFFFD80  }
0x62: {  	[spmem:s16] =	stream.strided.scatter [tilespmem:s28], [sflag:$0x1], $0x280, s26, s25, $0x38;
	[tilespmem:$0xA000] =	vst v63  }
0x63: {  	_ =	swait.ge [sflag:s23], $0x280  }
0x64: {  	[sflag:s23] =	ssyncset.done $0x0  }
0x65: {  	s28 =	simm.s32 $0x4880;
	[sflag:s23] =	ssyncadd.s32 $0xFFFFFD80  }
0x66: {  	[spmem:s17] =	stream.strided.scatter [tilespmem:s28], [sflag:$0x1], $0x280, s26, s25, $0x38;
	[tilespmem:$0xA000] =	vst v63  }
0x67: {  	_ =	swait.ge [sflag:s23], $0x280  }
0x68: {  	[sflag:s23] =	ssyncset.done $0x0  }
0x69: {  	s28 =	simm.s32 $0x4B00;
	[sflag:s23] =	ssyncadd.s32 $0xFFFFFD80  }
0x6a: {  	[spmem:s18] =	stream.strided.scatter [tilespmem:s28], [sflag:$0x1], $0x280, s26, s25, $0x38;
	[tilespmem:$0xA000] =	vst v63  }
0x6b: {  	_ =	swait.ge [sflag:s23], $0x280  }
0x6c: {  	[sflag:s23] =	ssyncset.done $0x0  }
0x6d: {  	s28 =	simm.s32 $0x4D80;
	[sflag:s23] =	ssyncadd.s32 $0xFFFFFD80  }
0x6e: {  	[spmem:s19] =	stream.strided.scatter [tilespmem:s28], [sflag:$0x1], $0x280, s26, s25, $0x38;
	[tilespmem:$0xA000] =	vst v63  }
0x6f: {  	_ =	swait.ge [sflag:s23], $0x280  }
0x70: {  	[sflag:s23] =	ssyncset.done $0x0  }
0x71: {  	[sflag:s23] =	ssyncadd.s32 $0xFFFFFD80  }
0x72: {  	s28 =	simm.s32 $0x5000;
	[bflag:$0x0] =	sbarrier.arrive $0xFFFF  }
0x73: {  	[tilespmem:s28], [sflag:$0x1] =	stream.linear.gather [spmem:s20], $0x2800, $0x38;
	[tilespmem:$0xA000] =	vst v63  }
0x74: {  	s28 =	simm.s32 $0x0;
	_ =	swait.ge [sflag:s23], $0x2800  }
0x75: {  	s29 =	sand.u32 $0x70, s28;
	s28 =	sand.u32 $0x1C00, s28;
	[sflag:s23] =	ssyncset.done $0x0  }
0x76: {  	s28 =	sor.u32 s29, s28;
	[sflag:s23] =	ssyncadd.s32 $0xFFFFD800  }
0x77: {  	v2 =	vld [tilespmem:s28+$0x5000];
	_ =	sdelay $0x1  }
0x78: {  	v3 =	vld [tilespmem:s28+$0x5080];
	_ =	sdelay $0x1  }
0x79: {  	v4 =	vld [tilespmem:s28+$0x5100]  }
0x7a: {  	v2 =	vadd.f32 $0.0e+00, v2  }
0x7b: {  	v5 =	vld [tilespmem:s28+$0x5180]  }
0x7c: {  	v2 =	vadd.f32 v3, v2  }
0x7d: {  	v3 =	vld [tilespmem:s28+$0x5200]  }
0x7e: {  	v2 =	vadd.f32 v4, v2  }
0x7f: {  	v56 =	vld [tilespmem:s28+$0x5280]  }
0x80: {  	v2 =	vadd.f32 v5, v2  }
0x81: {  	v57 =	vld [tilespmem:s28+$0x5300]  }
0x82: {  	v2 =	vadd.f32 v3, v2  }
0x83: {  	v3 =	vld [tilespmem:s28+$0x5380]  }
0x84: {  	v2 =	vadd.f32 v56, v2  }
0x85: {  	v58 =	vld [tilespmem:s28+$0x6400]  }
0x86: {  	v2 =	vadd.f32 v57, v2  }
0x87: {  	v59 =	vld [tilespmem:s28+$0x6480]  }
0x88: {  	v2 =	vadd.f32 v3, v2  }
0x89: {  	v3 =	vld [tilespmem:s28+$0x6500]  }
0x8a: {  	v2 =	vadd.f32 v58, v2  }
0x8b: {  	v60 =	vld [tilespmem:s28+$0x6580]  }
0x8c: {  	v2 =	vadd.f32 v59, v2  }
0x8d: {  	v61 =	vld [tilespmem:s28+$0x6600]  }
0x8e: {  	v2 =	vadd.f32 v3, v2  }
0x8f: {  	v3 =	vld [tilespmem:s28+$0x6680]  }
0x90: {  	v2 =	vadd.f32 v60, v2  }
0x91: {  	v62 =	vld [tilespmem:s28+$0x6700]  }
0x92: {  	v2 =	vadd.f32 v61, v2  }
0x93: {  	v63 =	vld [tilespmem:s28+$0x6780]  }
0x94: {  	v2 =	vadd.f32 v3, v2;
	_ =	sdelay $0x1  }
0x95: {  	v2 =	vadd.f32 v62, v2;
	_ =	sdelay $0x1  }
0x96: {  	s29 =	simm.s32 $0x10;
	s28 =	simm.s32 $0x80;
	v2 =	vadd.f32 v63, v2  }
0x97: {  	s30 =	sand.u32 $0x70, s29;
	s29 =	simm.s32 $0x20;
	s31 =	sand.u32 $0x1C00, s28  }
.LBB2_6:
0x98: {  	p0 =	sne.s32 s29, $0x270;
	s30 =	sor.u32 s30, s31;
	[tilespmem:s1+$0x0] =	vst v2  }
0x99: {  	v2 =	vld [tilespmem:s30+$0x5000];
	_ =	sdelay $0x1  }
0x9a: {  	v3 =	vld [tilespmem:s30+$0x5080];
	_ =	sdelay $0x1  }
0x9b: {  	v4 =	vld [tilespmem:s30+$0x5100]  }
0x9c: {  	v2 =	vadd.f32 $0.0e+00, v2  }
0x9d: {  	v5 =	vld [tilespmem:s30+$0x5180]  }
0x9e: {  	v2 =	vadd.f32 v3, v2  }
0x9f: {  	v3 =	vld [tilespmem:s30+$0x5200]  }
0xa0: {  	v2 =	vadd.f32 v4, v2  }
0xa1: {  	v4 =	vld [tilespmem:s30+$0x5280]  }
0xa2: {  	v2 =	vadd.f32 v5, v2  }
0xa3: {  	v5 =	vld [tilespmem:s30+$0x5300]  }
0xa4: {  	v2 =	vadd.f32 v3, v2  }
0xa5: {  	v3 =	vld [tilespmem:s30+$0x5380]  }
0xa6: {  	v2 =	vadd.f32 v4, v2  }
0xa7: {  	v4 =	vld [tilespmem:s30+$0x6400]  }
0xa8: {  	v2 =	vadd.f32 v5, v2  }
0xa9: {  	v5 =	vld [tilespmem:s30+$0x6480]  }
0xaa: {  	v2 =	vadd.f32 v3, v2  }
0xab: {  	v3 =	vld [tilespmem:s30+$0x6500]  }
0xac: {  	v2 =	vadd.f32 v4, v2  }
0xad: {  	v4 =	vld [tilespmem:s30+$0x6580]  }
0xae: {  	v2 =	vadd.f32 v5, v2  }
0xaf: {  	v5 =	vld [tilespmem:s30+$0x6600]  }
0xb0: {  	v2 =	vadd.f32 v3, v2  }
0xb1: {  	v3 =	vld [tilespmem:s30+$0x6680]  }
0xb2: {  	v2 =	vadd.f32 v4, v2  }
0xb3: {  	v4 =	vld [tilespmem:s30+$0x6700]  }
0xb4: {  	v2 =	vadd.f32 v5, v2  }
0xb5: {  	v5 =	vld [tilespmem:s30+$0x6780]  }
0xb6: {  	v2 =	vadd.f32 v3, v2  }
.Ltmp2:
0xb7: {  	(pc) =	sbr.rel @p0 .LBB2_6-.Ltmp2, $3  }
0xb8: {  	v2 =	vadd.f32 v4, v2;
	_ =	sdelay $0x1  }
0xb9: {  	s28 =	sadd.s32 $0x80, s28;
	s1 =	sadd.s32 $0x10, s1;
	v2 =	vadd.f32 v5, v2  }
0xba: {  	s31 =	sand.u32 $0x1C00, s28;
	s30 =	sand.u32 $0x70, s29;
	s29 =	sadd.s32 $0x10, s29  }
0xbb: {  	s28 =	sor.u32 s30, s31;
	[tilespmem:s1+$0x0] =	vst v2  }
0xbc: {  	v2 =	vld [tilespmem:s28+$0x5000];
	_ =	sdelay $0x1  }
0xbd: {  	v3 =	vld [tilespmem:s28+$0x5080];
	_ =	sdelay $0x1  }
0xbe: {  	v4 =	vld [tilespmem:s28+$0x5100]  }
0xbf: {  	v2 =	vadd.f32 $0.0e+00, v2  }
0xc0: {  	v5 =	vld [tilespmem:s28+$0x5180]  }
0xc1: {  	v2 =	vadd.f32 v3, v2  }
0xc2: {  	v3 =	vld [tilespmem:s28+$0x5200]  }
0xc3: {  	v2 =	vadd.f32 v4, v2  }
0xc4: {  	v56 =	vld [tilespmem:s28+$0x5280]  }
0xc5: {  	v2 =	vadd.f32 v5, v2  }
0xc6: {  	v57 =	vld [tilespmem:s28+$0x5300]  }
0xc7: {  	v2 =	vadd.f32 v3, v2  }
0xc8: {  	v3 =	vld [tilespmem:s28+$0x5380]  }
0xc9: {  	v2 =	vadd.f32 v56, v2  }
0xca: {  	v58 =	vld [tilespmem:s28+$0x6400]  }
0xcb: {  	v2 =	vadd.f32 v57, v2  }
0xcc: {  	v59 =	vld [tilespmem:s28+$0x6480]  }
0xcd: {  	v2 =	vadd.f32 v3, v2  }
0xce: {  	v3 =	vld [tilespmem:s28+$0x6500]  }
0xcf: {  	v2 =	vadd.f32 v58, v2  }
0xd0: {  	v60 =	vld [tilespmem:s28+$0x6580]  }
0xd1: {  	v2 =	vadd.f32 v59, v2  }
0xd2: {  	v61 =	vld [tilespmem:s28+$0x6600]  }
0xd3: {  	v2 =	vadd.f32 v3, v2  }
0xd4: {  	v3 =	vld [tilespmem:s28+$0x6680]  }
0xd5: {  	v2 =	vadd.f32 v60, v2  }
0xd6: {  	v62 =	vld [tilespmem:s28+$0x6700]  }
0xd7: {  	v2 =	vadd.f32 v61, v2  }
0xd8: {  	v63 =	vld [tilespmem:s28+$0x6780]  }
0xd9: {  	v2 =	vadd.f32 v3, v2;
	_ =	sdelay $0x1  }
0xda: {  	v2 =	vadd.f32 v62, v2;
	_ =	sdelay $0x1  }
0xdb: {  	s2 =	sadd.s32 $0x1, s2;
	v2 =	vadd.f32 v63, v2  }
0xdc: {  	s31 =	sadd.s32 $0x10, s1;
	p0 =	sne.s32 s2, s22  }
.Ltmp3:
0xdd: {  	[tilespmem:s31+$0x0] =	vst v2;
	(pc) =	sbr.rel @p0 .LBB2_1-.Ltmp3, $4  }
0xde: {  	[hbm4b:s21+s25] =	stream.strided.scatter [tilespmem:s24], [sflag:$0x1], $0x280, s0, s25, $0x38;
	[tilespmem:$0xA000] =	vst v63  }
0xdf: {  	_ =	swait.ge [sflag:s23], $0x280  }
0xe0: {  	[sflag:s23] =	ssyncset.done $0x0  }
0xe1: {  	[sflag:s23] =	ssyncadd.s32 $0xFFFFFD80  }
0xe2: {  	_ =	sfence.sel $0x180000  }
0xe3: {  	[bflag:$0x0] =	sbarrier.arrive $0xFFFF  }
0xe4: {  	_ =	strace $0x90000047  }
0xe5: {  	s0 =	stileid.u32;
	[bflag:$0x2] =	sbarrier.arrive $0xFFFF  }
0xe6: {  	p0 =	sne.s32 s0, $0x0;
	s0 =	rddreg [dreg:$0x2]  }
0xe7: {  	s0 =	sadd.s32 @!p0 $0x100000, s0  }
0xe8: {  	[sflag:s0] =	ssyncadd.tile.s32 @!p0 $0x1;
	_ =	shalt  }
.Lfunc_end2:
_tile_overlayer_lowered:
.L_overlay_start_2:
0xe9: {  	(tag) =	ssettag $0x2  }
0xea: {  	s0 =	rddreg [dreg:$0x0];
	s2 =	stileid.u32  }
0xeb: {  	s1 =	rddreg [dreg:$0x1];
	p0 =	sne.s32 s2, $0x0  }
0xec: {  	s3 =	rddreg [dreg:$0x2];
	[bflag:$0x3] =	sbarrier.arrive $0xFFFF;
	s2 =	simm.s32 @!p0 $0x1C01  }
0xed: {  	[timem:s3], [sflag:s2] =	dma.local @!p0 [hbm:s0], s1  }
0xee: {  	s0 =	simm.s32 @!p0 $0x1  }
0xef: {  	_ =	swait.ge @!p0 [sflag:s0], s1  }
0xf0: {  	s1 =	ssub.s32 @!p0 $0x0, s1;
	[sflag:s0] =	ssyncset.done @!p0 $0x0  }
0xf1: {  	[sflag:s0] =	ssyncadd.s32 @!p0 s1  }
0xf2: {  	[bflag:$0x3] =	sbarrier.arrive $0xFFFF  }
0xf3: {  	_ =	shalt  }

</sc_bundles>
